<compile_context>
chip_gen: v7x
topology: tpu7x:2x2x1
jax: 0.10.2.dev20260603
libtpu: 0.0.44.dev20260713+nightly
codegen_flags: <defaults>
</compile_context>

<pallas_src>
import jax
import jax.numpy as jnp
from jax import lax
from jax.experimental import pallas as pl
from jax.experimental.pallas import tpu as pltpu, tpu_sc as plsc

N = 1024
P = 4096
K2 = 8
BQ = 128
G = N // BQ
CW = 512

NC = 2
NS = 16
NW = NC * NS
RW = N // NW
CH = 8
NCH = RW // CH
LANES = 16


def _quaternion_apply(q, v):
    w = q[..., :1]
    xyz = q[..., 1:]
    t = 2.0 * jnp.cross(xyz, v)
    return v + w * t + jnp.cross(xyz, t)


def _argmin_body(eq_ref, s_ref, out_ref):
    bestv = None
    besti = None
    for pc in range(0, P, CW):
        s0 = s_ref[0:1, pc:pc + CW]
        s1 = s_ref[1:2, pc:pc + CW]
        s2 = s_ref[2:3, pc:pc + CW]
        m = None
        for k in range(K2):
            dx = eq_ref[:, 3 * k + 0][:, None] - s0
            dy = eq_ref[:, 3 * k + 1][:, None] - s1
            dz = eq_ref[:, 3 * k + 2][:, None] - s2
            d2 = dx * dx + dy * dy + dz * dz
            m = d2 if m is None else jnp.minimum(m, d2)
        cmin = jnp.min(m, axis=1, keepdims=True)
        iota = lax.broadcasted_iota(jnp.int32, m.shape, 1) + pc
        cidx = jnp.min(jnp.where(m == cmin, iota, P), axis=1, keepdims=True)
        if bestv is None:
            bestv, besti = cmin, cidx
        else:
            upd = cmin < bestv
            besti = jnp.where(upd, cidx, besti)
            bestv = jnp.where(upd, cmin, bestv)
    out_ref[0, 0, :] = besti[:, 0]


def _ids_tc(eq2, s2T):
    out = pl.pallas_call(
        _argmin_body,
        grid=(G,),
        in_specs=[
            pl.BlockSpec((BQ, 3 * K2), lambda i: (i, 0)),
            pl.BlockSpec((3, P), lambda i: (0, 0)),
        ],
        out_specs=pl.BlockSpec((1, 1, BQ), lambda i: (i, 0, 0)),
        out_shape=jax.ShapeDtypeStruct((G, 1, BQ), jnp.int32),
    )(eq2, s2T)
    return out.reshape(N)


def _sc_gather_body(ids_hbm, covmat_hbm, out_hbm,
                    ids_v, rows_a, rows_b, out_a, out_b, gsem, osem):
    wid = lax.axis_index("s") * NC + lax.axis_index("c")
    base = wid * RW
    pltpu.sync_copy(ids_hbm, ids_v)
    bufs = (rows_a, rows_b)
    obufs = (out_a, out_b)

    def gather_chunk(c, buf):
        return pltpu.async_copy(
            covmat_hbm.at[ids_v.at[pl.ds(base + c * CH, CH)]], buf, gsem)

    gather_chunk(0, bufs[0])
    for c in range(NCH):
        buf = bufs[c % 2]
        ob = obufs[c % 2]
        pltpu.make_async_copy(
            covmat_hbm.at[ids_v.at[pl.ds(base + c * CH, CH)]], buf, gsem
        ).wait()
        if c + 1 < NCH:
            gather_chunk(c + 1, bufs[(c + 1) % 2])
        if c >= 2:
            pltpu.make_async_copy(
                ob, out_hbm.at[pl.ds(base + (c - 2) * CH, CH)], osem).wait()

        def jbody(j, carry, buf=buf, ob=ob):
            off = pl.multiple_of(j * LANES, LANES)
            cols = ids_v[pl.ds(off, LANES)]
            for r in range(CH):
                vals = plsc.load_gather(
                    buf, [jnp.full((LANES,), r, jnp.int32), cols])
                ob[r, pl.ds(off, LANES)] = vals
            return carry

        lax.fori_loop(0, N // LANES, jbody, 0)
        pltpu.async_copy(ob, out_hbm.at[pl.ds(base + c * CH, CH)], osem)
    for c in (NCH - 2, NCH - 1):
        pltpu.make_async_copy(
            obufs[c % 2], out_hbm.at[pl.ds(base + c * CH, CH)], osem).wait()


def _gather_sc(ids, covmat):
    mesh = plsc.VectorSubcoreMesh(core_axis_name="c", subcore_axis_name="s")
    f = pl.kernel(
        _sc_gather_body,
        mesh=mesh,
        compiler_params=pltpu.CompilerParams(needs_layout_passes=False),
        out_type=jax.ShapeDtypeStruct((N, N), jnp.float32),
        scratch_types=[
            pltpu.VMEM((N,), jnp.int32),
            pltpu.VMEM((CH, P), jnp.float32),
            pltpu.VMEM((CH, P), jnp.float32),
            pltpu.VMEM((CH, N), jnp.float32),
            pltpu.VMEM((CH, N), jnp.float32),
            pltpu.SemaphoreType.DMA,
            pltpu.SemaphoreType.DMA,
        ],
    )
    return f(ids, covmat)


def kernel(s2_query_points, s2_fz_pts, laue_q, covmat):
    eqiv = _quaternion_apply(laue_q[None, :, :], s2_query_points[:, None, :])
    eqiv = jnp.concatenate([eqiv, -eqiv], axis=1)
    eq2 = eqiv.reshape(N, 3 * K2)
    s2T = s2_fz_pts.T
    ids = _ids_tc(eq2, s2T)
    return _gather_sc(ids, covmat)

# --- scband reference (transcript-rebuilt; emitter-appended) ---
"""Pipeline reference for scband-ebsdcovmat-ksphere-39968965656982 (READ-ONLY COPY).

The authoritative reference and input builder live on the scoring server;
editing this copy changes nothing except your own understanding.
"""

import jax, jax.numpy as jnp
import numpy as np


def quaternion_apply(q, v):
    # q: (..., 4) unit quaternions (w, x, y, z); v: (..., 3) points. Broadcasting applies.
    w = q[..., :1]
    xyz = q[..., 1:]
    t = 2.0 * jnp.cross(xyz, v)
    return v + w * t + jnp.cross(xyz, t)


def setup_inputs(seed: int = 0) -> dict:
    key = jax.random.key(seed)
    k1, k2, k3, k4 = jax.random.split(key, 4)
    N = 1024   # query points
    P = 4096   # s2 fundamental-zone sample points (keys), per s2_n_samples
    K = 4      # number of Laue symmetry quaternions (laue_group=6 subset)
    q = jax.random.normal(k1, (N, 3), dtype=jnp.float32)
    s2_query_points = q / jnp.linalg.norm(q, axis=-1, keepdims=True)
    p = jax.random.normal(k2, (P, 3), dtype=jnp.float32)
    s2_fz_pts = p / jnp.linalg.norm(p, axis=-1, keepdims=True)
    lq = jax.random.normal(k3, (K, 4), dtype=jnp.float32)
    laue_q = lq / jnp.linalg.norm(lq, axis=-1, keepdims=True)
    a = jax.random.normal(k4, (P, P), dtype=jnp.float32)
    covmat = 0.5 * (a + a.T)  # symmetric stand-in for the precomputed covariance matrix
    return {
        "s2_query_points": s2_query_points,
        "s2_fz_pts": s2_fz_pts,
        "laue_q": laue_q,
        "covmat": covmat,
    }


def reference(s2_query_points, s2_fz_pts, laue_q, covmat):
    # Faithful translation of _covmat_interpolate.
    N = s2_query_points.shape[0]
    P = s2_fz_pts.shape[0]
    # eqiv_pts: apply each Laue symmetry quaternion to each query point, then add antipodes
    eqiv = quaternion_apply(laue_q[None, :, :], s2_query_points[:, None, :])  # (N, K, 3)
    eqiv = jnp.concatenate([eqiv, -eqiv], axis=1)  # (N, 2K, 3)
    chunk = 128
    ids_list = []
    for i in range(0, N, chunk):
        e = eqiv[i:i + chunk]  # (C, 2K, 3)
        d = jnp.linalg.norm(e[:, :, None, :] - s2_fz_pts[None, None, :, :], axis=-1)  # (C, 2K, P)
        flat = d.reshape(d.shape[0], -1)
        # torch.where(dists == min)[1][0] == column index of first global min in row-major order
        idx = jnp.argmin(flat, axis=1) % P
        ids_list.append(idx)
    dist_min_ids = jnp.concatenate(ids_list)  # (N,) int
    covmat_query = covmat[dist_min_ids][:, dist_min_ids]  # (N, N) double gather
    return covmat_query

if __name__ == "__main__":
    import jax
    _d = setup_inputs()
    print(jax.jit(kernel)(*tuple(_d.values())))

</pallas_src>

<mosaic_0001>
#map = affine_map<(d0, d1) -> (0)>
#map1 = affine_map<(d0, d1) -> (0, 0)>
module attributes {stable_mosaic.version = 14 : i64} {
  func.func @_sc_gather_body(%arg0: i32, %arg1: i32, %arg2: memref<1024xi32, #tpu.memory_space<hbm>>, %arg3: memref<4096x4096xf32, #tpu.memory_space<hbm>>, %arg4: memref<1024x1024xf32, #tpu.memory_space<hbm>>, %arg5: memref<1024xi32, #tpu.memory_space<vmem>>, %arg6: memref<8x4096xf32, #tpu.memory_space<vmem>>, %arg7: memref<8x4096xf32, #tpu.memory_space<vmem>>, %arg8: memref<8x1024xf32, #tpu.memory_space<vmem>>, %arg9: memref<8x1024xf32, #tpu.memory_space<vmem>>, %arg10: memref<!tpu.dma_semaphore, #tpu.memory_space<semaphore_mem>>, %arg11: memref<!tpu.dma_semaphore, #tpu.memory_space<semaphore_mem>>) attributes {dimension_semantics = [#tpu.dimension_semantics<core_parallel>, #tpu.dimension_semantics<subcore_parallel>], iteration_bounds = array<i64: 2, 16>, scalar_prefetch = 0 : i64, scratch_operands = 7 : i64, tpu.core_type = #tpu.core_type<sc_vector_subcore>, window_params = [{transform_indices = #map}, {transform_indices = #map1}, {transform_indices = #map1}]} {
    %mul3A = arith.constant 2 : i32
    %mul3A_0 = arith.muli %arg1, %mul3A : i32
    %add3A = arith.addi %mul3A_0, %arg0 : i32
    %mul3A_1 = arith.constant 32 : i32
    %mul3A_2 = arith.muli %add3A, %mul3A_1 : i32
    "tpu.region"() ({
      %run_scoped3A = tpu.sem_alloc : memref<!tpu.dma_semaphore, #tpu.memory_space<semaphore_mem>>
      tpu.enqueue_dma source(%arg2 : memref<1024xi32, #tpu.memory_space<hbm>>) target(%arg5 : memref<1024xi32, #tpu.memory_space<vmem>>) target_semaphore(%run_scoped3A : memref<!tpu.dma_semaphore, #tpu.memory_space<semaphore_mem>>)
      tpu.wait_dma2 semaphore(%run_scoped3A : memref<!tpu.dma_semaphore, #tpu.memory_space<semaphore_mem>>) src(%arg2 : memref<1024xi32, #tpu.memory_space<hbm>>) dst(%arg5 : memref<1024xi32, #tpu.memory_space<vmem>>)
      tpu.yield
    }) : () -> ()
    %add3A_3 = arith.constant 0 : i32
    %add3A_4 = arith.addi %mul3A_2, %add3A_3 : i32
    %dma_start3A = tpu.memref_slice %arg5[%add3A_4] : memref<1024xi32, #tpu.memory_space<vmem>> -> memref<8xi32, #tpu.memory_space<vmem>>
    %dma_start3A_5 = arith.constant 0 : i32
    %dma_start3A_6 = arith.constant 0 : i32
    %dma_start3A_7 = tpu.memref_slice %arg3[%dma_start3A_5, %dma_start3A_6] : memref<4096x4096xf32, #tpu.memory_space<hbm>> -> memref<4096x4096xf32, #tpu.memory_space<hbm>>
    tpu.enqueue_indirect_dma source(%dma_start3A_7 : memref<4096x4096xf32, #tpu.memory_space<hbm>>) target(%arg6 : memref<8x4096xf32, #tpu.memory_space<vmem>>) offsets(%dma_start3A : memref<8xi32, #tpu.memory_space<vmem>>) semaphore(%arg10 : memref<!tpu.dma_semaphore, #tpu.memory_space<semaphore_mem>>)
    %add3A_8 = arith.constant 0 : i32
    %add3A_9 = arith.addi %mul3A_2, %add3A_8 : i32
    %dma_wait3A = tpu.memref_slice %arg5[%add3A_9] : memref<1024xi32, #tpu.memory_space<vmem>> -> memref<8xi32, #tpu.memory_space<vmem>>
    %dma_wait3A_10 = arith.constant 0 : i32
    %dma_wait3A_11 = arith.constant 0 : i32
    %dma_wait3A_12 = tpu.memref_slice %arg3[%dma_wait3A_10, %dma_wait3A_11] : memref<4096x4096xf32, #tpu.memory_space<hbm>> -> memref<4096x4096xf32, #tpu.memory_space<hbm>>
    tpu.wait_indirect_dma semaphore(%arg10 : memref<!tpu.dma_semaphore, #tpu.memory_space<semaphore_mem>>) src(%dma_wait3A_12 : memref<4096x4096xf32, #tpu.memory_space<hbm>>) dst(%arg6 : memref<8x4096xf32, #tpu.memory_space<vmem>>)
    %add3A_13 = arith.constant 8 : i32
    %add3A_14 = arith.addi %mul3A_2, %add3A_13 : i32
    %dma_start3A_15 = tpu.memref_slice %arg5[%add3A_14] : memref<1024xi32, #tpu.memory_space<vmem>> -> memref<8xi32, #tpu.memory_space<vmem>>
    %dma_start3A_16 = arith.constant 0 : i32
    %dma_start3A_17 = arith.constant 0 : i32
    %dma_start3A_18 = tpu.memref_slice %arg3[%dma_start3A_16, %dma_start3A_17] : memref<4096x4096xf32, #tpu.memory_space<hbm>> -> memref<4096x4096xf32, #tpu.memory_space<hbm>>
    tpu.enqueue_indirect_dma source(%dma_start3A_18 : memref<4096x4096xf32, #tpu.memory_space<hbm>>) target(%arg7 : memref<8x4096xf32, #tpu.memory_space<vmem>>) offsets(%dma_start3A_15 : memref<8xi32, #tpu.memory_space<vmem>>) semaphore(%arg10 : memref<!tpu.dma_semaphore, #tpu.memory_space<semaphore_mem>>)
    %scan3A = arith.constant 0 : i32
    %scan3A_19 = arith.constant 0 : i32
    %scan3A_20 = arith.constant 64 : i32
    %scan3A_21 = arith.addi %scan3A_19, %scan3A_20 : i32
    %scan3A_22 = arith.constant 1 : i32
    scf.for %scan3A_120 = %scan3A_19 to %scan3A_21 step %scan3A_22  : i32 {
      %mul3A_121 = arith.constant 16 : i32
      %mul3A_122 = arith.muli %scan3A_120, %mul3A_121 : i32
      %multiple_of3A = tpu.assume_multiple %mul3A_122, 16 : i32
      %get3A = arith.index_cast %multiple_of3A : i32 to index
      %get3A_123 = tpu.vector_load %arg5[%get3A] {strides = array<i32>} : memref<1024xi32, #tpu.memory_space<vmem>>, vector<16xi32>,
      %broadcast_in_dim3A = arith.constant 0 : i32
      %broadcast_in_dim3A_124 = vector.broadcast %broadcast_in_dim3A : i32 to vector<16xi32>
      %gather3A = tpu.vector_load_idx %arg6[%broadcast_in_dim3A_124, %get3A_123] : memref<8x4096xf32, #tpu.memory_space<vmem>>[vector<16xi32>, vector<16xi32>], vector<16xf32>,
      %swap3A = arith.constant 0 : i32
      %swap3A_125 = arith.index_cast %swap3A : i32 to index
      %swap3A_126 = arith.index_cast %multiple_of3A : i32 to index
      %swap3A_127 = tpu.vector_load %arg8[%swap3A_125, %swap3A_126] {strides = array<i32>} : memref<8x1024xf32, #tpu.memory_space<vmem>>, vector<16xf32>,
      tpu.vector_store %arg8[%swap3A_125, %swap3A_126], %gather3A {strides = array<i32>} : memref<8x1024xf32, #tpu.memory_space<vmem>>, vector<16xf32>,
      %broadcast_in_dim3A_128 = arith.constant 1 : i32
      %broadcast_in_dim3A_129 = vector.broadcast %broadcast_in_dim3A_128 : i32 to vector<16xi32>
      %gather3A_130 = tpu.vector_load_idx %arg6[%broadcast_in_dim3A_129, %get3A_123] : memref<8x4096xf32, #tpu.memory_space<vmem>>[vector<16xi32>, vector<16xi32>], vector<16xf32>,
      %swap3A_131 = arith.constant 1 : i32
      %swap3A_132 = arith.index_cast %swap3A_131 : i32 to index
      %swap3A_133 = arith.index_cast %multiple_of3A : i32 to index
      %swap3A_134 = tpu.vector_load %arg8[%swap3A_132, %swap3A_133] {strides = array<i32>} : memref<8x1024xf32, #tpu.memory_space<vmem>>, vector<16xf32>,
      tpu.vector_store %arg8[%swap3A_132, %swap3A_133], %gather3A_130 {strides = array<i32>} : memref<8x1024xf32, #tpu.memory_space<vmem>>, vector<16xf32>,
      %broadcast_in_dim3A_135 = arith.constant 2 : i32
      %broadcast_in_dim3A_136 = vector.broadcast %broadcast_in_dim3A_135 : i32 to vector<16xi32>
      %gather3A_137 = tpu.vector_load_idx %arg6[%broadcast_in_dim3A_136, %get3A_123] : memref<8x4096xf32, #tpu.memory_space<vmem>>[vector<16xi32>, vector<16xi32>], vector<16xf32>,
      %swap3A_138 = arith.constant 2 : i32
      %swap3A_139 = arith.index_cast %swap3A_138 : i32 to index
      %swap3A_140 = arith.index_cast %multiple_of3A : i32 to index
      %swap3A_141 = tpu.vector_load %arg8[%swap3A_139, %swap3A_140] {strides = array<i32>} : memref<8x1024xf32, #tpu.memory_space<vmem>>, vector<16xf32>,
      tpu.vector_store %arg8[%swap3A_139, %swap3A_140], %gather3A_137 {strides = array<i32>} : memref<8x1024xf32, #tpu.memory_space<vmem>>, vector<16xf32>,
      %broadcast_in_dim3A_142 = arith.constant 3 : i32
      %broadcast_in_dim3A_143 = vector.broadcast %broadcast_in_dim3A_142 : i32 to vector<16xi32>
      %gather3A_144 = tpu.vector_load_idx %arg6[%broadcast_in_dim3A_143, %get3A_123] : memref<8x4096xf32, #tpu.memory_space<vmem>>[vector<16xi32>, vector<16xi32>], vector<16xf32>,
      %swap3A_145 = arith.constant 3 : i32
      %swap3A_146 = arith.index_cast %swap3A_145 : i32 to index
      %swap3A_147 = arith.index_cast %multiple_of3A : i32 to index
      %swap3A_148 = tpu.vector_load %arg8[%swap3A_146, %swap3A_147] {strides = array<i32>} : memref<8x1024xf32, #tpu.memory_space<vmem>>, vector<16xf32>,
      tpu.vector_store %arg8[%swap3A_146, %swap3A_147], %gather3A_144 {strides = array<i32>} : memref<8x1024xf32, #tpu.memory_space<vmem>>, vector<16xf32>,
      %broadcast_in_dim3A_149 = arith.constant 4 : i32
      %broadcast_in_dim3A_150 = vector.broadcast %broadcast_in_dim3A_149 : i32 to vector<16xi32>
      %gather3A_151 = tpu.vector_load_idx %arg6[%broadcast_in_dim3A_150, %get3A_123] : memref<8x4096xf32, #tpu.memory_space<vmem>>[vector<16xi32>, vector<16xi32>], vector<16xf32>,
      %swap3A_152 = arith.constant 4 : i32
      %swap3A_153 = arith.index_cast %swap3A_152 : i32 to index
      %swap3A_154 = arith.index_cast %multiple_of3A : i32 to index
      %swap3A_155 = tpu.vector_load %arg8[%swap3A_153, %swap3A_154] {strides = array<i32>} : memref<8x1024xf32, #tpu.memory_space<vmem>>, vector<16xf32>,
      tpu.vector_store %arg8[%swap3A_153, %swap3A_154], %gather3A_151 {strides = array<i32>} : memref<8x1024xf32, #tpu.memory_space<vmem>>, vector<16xf32>,
      %broadcast_in_dim3A_156 = arith.constant 5 : i32
      %broadcast_in_dim3A_157 = vector.broadcast %broadcast_in_dim3A_156 : i32 to vector<16xi32>
      %gather3A_158 = tpu.vector_load_idx %arg6[%broadcast_in_dim3A_157, %get3A_123] : memref<8x4096xf32, #tpu.memory_space<vmem>>[vector<16xi32>, vector<16xi32>], vector<16xf32>,
      %swap3A_159 = arith.constant 5 : i32
      %swap3A_160 = arith.index_cast %swap3A_159 : i32 to index
      %swap3A_161 = arith.index_cast %multiple_of3A : i32 to index
      %swap3A_162 = tpu.vector_load %arg8[%swap3A_160, %swap3A_161] {strides = array<i32>} : memref<8x1024xf32, #tpu.memory_space<vmem>>, vector<16xf32>,
      tpu.vector_store %arg8[%swap3A_160, %swap3A_161], %gather3A_158 {strides = array<i32>} : memref<8x1024xf32, #tpu.memory_space<vmem>>, vector<16xf32>,
      %broadcast_in_dim3A_163 = arith.constant 6 : i32
      %broadcast_in_dim3A_164 = vector.broadcast %broadcast_in_dim3A_163 : i32 to vector<16xi32>
      %gather3A_165 = tpu.vector_load_idx %arg6[%broadcast_in_dim3A_164, %get3A_123] : memref<8x4096xf32, #tpu.memory_space<vmem>>[vector<16xi32>, vector<16xi32>], vector<16xf32>,
      %swap3A_166 = arith.constant 6 : i32
      %swap3A_167 = arith.index_cast %swap3A_166 : i32 to index
      %swap3A_168 = arith.index_cast %multiple_of3A : i32 to index
      %swap3A_169 = tpu.vector_load %arg8[%swap3A_167, %swap3A_168] {strides = array<i32>} : memref<8x1024xf32, #tpu.memory_space<vmem>>, vector<16xf32>,
      tpu.vector_store %arg8[%swap3A_167, %swap3A_168], %gather3A_165 {strides = array<i32>} : memref<8x1024xf32, #tpu.memory_space<vmem>>, vector<16xf32>,
      %broadcast_in_dim3A_170 = arith.constant 7 : i32
      %broadcast_in_dim3A_171 = vector.broadcast %broadcast_in_dim3A_170 : i32 to vector<16xi32>
      %gather3A_172 = tpu.vector_load_idx %arg6[%broadcast_in_dim3A_171, %get3A_123] : memref<8x4096xf32, #tpu.memory_space<vmem>>[vector<16xi32>, vector<16xi32>], vector<16xf32>,
      %swap3A_173 = arith.constant 7 : i32
      %swap3A_174 = arith.index_cast %swap3A_173 : i32 to index
      %swap3A_175 = arith.index_cast %multiple_of3A : i32 to index
      %swap3A_176 = tpu.vector_load %arg8[%swap3A_174, %swap3A_175] {strides = array<i32>} : memref<8x1024xf32, #tpu.memory_space<vmem>>, vector<16xf32>,
      tpu.vector_store %arg8[%swap3A_174, %swap3A_175], %gather3A_172 {strides = array<i32>} : memref<8x1024xf32, #tpu.memory_space<vmem>>, vector<16xf32>,
    }
    %scan3A_23 = arith.constant 64 : i32
    %add3A_24 = arith.constant 0 : i32
    %add3A_25 = arith.addi %mul3A_2, %add3A_24 : i32
    %dma_start3A_26 = arith.constant 0 : i32
    %dma_start3A_27 = tpu.memref_slice %arg4[%add3A_25, %dma_start3A_26] : memref<1024x1024xf32, #tpu.memory_space<hbm>> -> memref<8x1024xf32, #tpu.memory_space<hbm>>
    %dma_start3A_28 = arith.constant 0 : i32
    %dma_start3A_29 = tpu.memref_slice %arg4[%add3A_25, %dma_start3A_28] : memref<1024x1024xf32, #tpu.memory_space<hbm>> -> memref<8x1024xf32, #tpu.memory_space<hbm>>
    tpu.enqueue_dma source(%arg8 : memref<8x1024xf32, #tpu.memory_space<vmem>>) target(%dma_start3A_29 : memref<8x1024xf32, #tpu.memory_space<hbm>>) target_semaphore(%arg11 : memref<!tpu.dma_semaphore, #tpu.memory_space<semaphore_mem>>)
    %add3A_30 = arith.constant 8 : i32
    %add3A_31 = arith.addi %mul3A_2, %add3A_30 : i32
    %dma_wait3A_32 = tpu.memref_slice %arg5[%add3A_31] : memref<1024xi32, #tpu.memory_space<vmem>> -> memref<8xi32, #tpu.memory_space<vmem>>
    %dma_wait3A_33 = arith.constant 0 : i32
    %dma_wait3A_34 = arith.constant 0 : i32
    %dma_wait3A_35 = tpu.memref_slice %arg3[%dma_wait3A_33, %dma_wait3A_34] : memref<4096x4096xf32, #tpu.memory_space<hbm>> -> memref<4096x4096xf32, #tpu.memory_space<hbm>>
    tpu.wait_indirect_dma semaphore(%arg10 : memref<!tpu.dma_semaphore, #tpu.memory_space<semaphore_mem>>) src(%dma_wait3A_35 : memref<4096x4096xf32, #tpu.memory_space<hbm>>) dst(%arg7 : memref<8x4096xf32, #tpu.memory_space<vmem>>)
    %add3A_36 = arith.constant 16 : i32
    %add3A_37 = arith.addi %mul3A_2, %add3A_36 : i32
    %dma_start3A_38 = tpu.memref_slice %arg5[%add3A_37] : memref<1024xi32, #tpu.memory_space<vmem>> -> memref<8xi32, #tpu.memory_space<vmem>>
    %dma_start3A_39 = arith.constant 0 : i32
    %dma_start3A_40 = arith.constant 0 : i32
    %dma_start3A_41 = tpu.memref_slice %arg3[%dma_start3A_39, %dma_start3A_40] : memref<4096x4096xf32, #tpu.memory_space<hbm>> -> memref<4096x4096xf32, #tpu.memory_space<hbm>>
    tpu.enqueue_indirect_dma source(%dma_start3A_41 : memref<4096x4096xf32, #tpu.memory_space<hbm>>) target(%arg6 : memref<8x4096xf32, #tpu.memory_space<vmem>>) offsets(%dma_start3A_38 : memref<8xi32, #tpu.memory_space<vmem>>) semaphore(%arg10 : memref<!tpu.dma_semaphore, #tpu.memory_space<semaphore_mem>>)
    %scan3A_42 = arith.constant 0 : i32
    %scan3A_43 = arith.constant 0 : i32
    %scan3A_44 = arith.constant 64 : i32
    %scan3A_45 = arith.addi %scan3A_43, %scan3A_44 : i32
    %scan3A_46 = arith.constant 1 : i32
    scf.for %scan3A_120 = %scan3A_43 to %scan3A_45 step %scan3A_46  : i32 {
      %mul3A_121 = arith.constant 16 : i32
      %mul3A_122 = arith.muli %scan3A_120, %mul3A_121 : i32
      %multiple_of3A = tpu.assume_multiple %mul3A_122, 16 : i32
      %get3A = arith.index_cast %multiple_of3A : i32 to index
      %get3A_123 = tpu.vector_load %arg5[%get3A] {strides = array<i32>} : memref<1024xi32, #tpu.memory_space<vmem>>, vector<16xi32>,
      %broadcast_in_dim3A = arith.constant 0 : i32
      %broadcast_in_dim3A_124 = vector.broadcast %broadcast_in_dim3A : i32 to vector<16xi32>
      %gather3A = tpu.vector_load_idx %arg7[%broadcast_in_dim3A_124, %get3A_123] : memref<8x4096xf32, #tpu.memory_space<vmem>>[vector<16xi32>, vector<16xi32>], vector<16xf32>,
      %swap3A = arith.constant 0 : i32
      %swap3A_125 = arith.index_cast %swap3A : i32 to index
      %swap3A_126 = arith.index_cast %multiple_of3A : i32 to index
      %swap3A_127 = tpu.vector_load %arg9[%swap3A_125, %swap3A_126] {strides = array<i32>} : memref<8x1024xf32, #tpu.memory_space<vmem>>, vector<16xf32>,
      tpu.vector_store %arg9[%swap3A_125, %swap3A_126], %gather3A {strides = array<i32>} : memref<8x1024xf32, #tpu.memory_space<vmem>>, vector<16xf32>,
      %broadcast_in_dim3A_128 = arith.constant 1 : i32
      %broadcast_in_dim3A_129 = vector.broadcast %broadcast_in_dim3A_128 : i32 to vector<16xi32>
      %gather3A_130 = tpu.vector_load_idx %arg7[%broadcast_in_dim3A_129, %get3A_123] : memref<8x4096xf32, #tpu.memory_space<vmem>>[vector<16xi32>, vector<16xi32>], vector<16xf32>,
      %swap3A_131 = arith.constant 1 : i32
      %swap3A_132 = arith.index_cast %swap3A_131 : i32 to index
      %swap3A_133 = arith.index_cast %multiple_of3A : i32 to index
      %swap3A_134 = tpu.vector_load %arg9[%swap3A_132, %swap3A_133] {strides = array<i32>} : memref<8x1024xf32, #tpu.memory_space<vmem>>, vector<16xf32>,
      tpu.vector_store %arg9[%swap3A_132, %swap3A_133], %gather3A_130 {strides = array<i32>} : memref<8x1024xf32, #tpu.memory_space<vmem>>, vector<16xf32>,
      %broadcast_in_dim3A_135 = arith.constant 2 : i32
      %broadcast_in_dim3A_136 = vector.broadcast %broadcast_in_dim3A_135 : i32 to vector<16xi32>
      %gather3A_137 = tpu.vector_load_idx %arg7[%broadcast_in_dim3A_136, %get3A_123] : memref<8x4096xf32, #tpu.memory_space<vmem>>[vector<16xi32>, vector<16xi32>], vector<16xf32>,
      %swap3A_138 = arith.constant 2 : i32
      %swap3A_139 = arith.index_cast %swap3A_138 : i32 to index
      %swap3A_140 = arith.index_cast %multiple_of3A : i32 to index
      %swap3A_141 = tpu.vector_load %arg9[%swap3A_139, %swap3A_140] {strides = array<i32>} : memref<8x1024xf32, #tpu.memory_space<vmem>>, vector<16xf32>,
      tpu.vector_store %arg9[%swap3A_139, %swap3A_140], %gather3A_137 {strides = array<i32>} : memref<8x1024xf32, #tpu.memory_space<vmem>>, vector<16xf32>,
      %broadcast_in_dim3A_142 = arith.constant 3 : i32
      %broadcast_in_dim3A_143 = vector.broadcast %broadcast_in_dim3A_142 : i32 to vector<16xi32>
      %gather3A_144 = tpu.vector_load_idx %arg7[%broadcast_in_dim3A_143, %get3A_123] : memref<8x4096xf32, #tpu.memory_space<vmem>>[vector<16xi32>, vector<16xi32>], vector<16xf32>,
      %swap3A_145 = arith.constant 3 : i32
      %swap3A_146 = arith.index_cast %swap3A_145 : i32 to index
      %swap3A_147 = arith.index_cast %multiple_of3A : i32 to index
      %swap3A_148 = tpu.vector_load %arg9[%swap3A_146, %swap3A_147] {strides = array<i32>} : memref<8x1024xf32, #tpu.memory_space<vmem>>, vector<16xf32>,
      tpu.vector_store %arg9[%swap3A_146, %swap3A_147], %gather3A_144 {strides = array<i32>} : memref<8x1024xf32, #tpu.memory_space<vmem>>, vector<16xf32>,
      %broadcast_in_dim3A_149 = arith.constant 4 : i32
      %broadcast_in_dim3A_150 = vector.broadcast %broadcast_in_dim3A_149 : i32 to vector<16xi32>
      %gather3A_151 = tpu.vector_load_idx %arg7[%broadcast_in_dim3A_150, %get3A_123] : memref<8x4096xf32, #tpu.memory_space<vmem>>[vector<16xi32>, vector<16xi32>], vector<16xf32>,
      %swap3A_152 = arith.constant 4 : i32
      %swap3A_153 = arith.index_cast %swap3A_152 : i32 to index
      %swap3A_154 = arith.index_cast %multiple_of3A : i32 to index
      %swap3A_155 = tpu.vector_load %arg9[%swap3A_153, %swap3A_154] {strides = array<i32>} : memref<8x1024xf32, #tpu.memory_space<vmem>>, vector<16xf32>,
      tpu.vector_store %arg9[%swap3A_153, %swap3A_154], %gather3A_151 {strides = array<i32>} : memref<8x1024xf32, #tpu.memory_space<vmem>>, vector<16xf32>,
      %broadcast_in_dim3A_156 = arith.constant 5 : i32
      %broadcast_in_dim3A_157 = vector.broadcast %broadcast_in_dim3A_156 : i32 to vector<16xi32>
      %gather3A_158 = tpu.vector_load_idx %arg7[%broadcast_in_dim3A_157, %get3A_123] : memref<8x4096xf32, #tpu.memory_space<vmem>>[vector<16xi32>, vector<16xi32>], vector<16xf32>,
      %swap3A_159 = arith.constant 5 : i32
      %swap3A_160 = arith.index_cast %swap3A_159 : i32 to index
      %swap3A_161 = arith.index_cast %multiple_of3A : i32 to index
      %swap3A_162 = tpu.vector_load %arg9[%swap3A_160, %swap3A_161] {strides = array<i32>} : memref<8x1024xf32, #tpu.memory_space<vmem>>, vector<16xf32>,
      tpu.vector_store %arg9[%swap3A_160, %swap3A_161], %gather3A_158 {strides = array<i32>} : memref<8x1024xf32, #tpu.memory_space<vmem>>, vector<16xf32>,
      %broadcast_in_dim3A_163 = arith.constant 6 : i32
      %broadcast_in_dim3A_164 = vector.broadcast %broadcast_in_dim3A_163 : i32 to vector<16xi32>
      %gather3A_165 = tpu.vector_load_idx %arg7[%broadcast_in_dim3A_164, %get3A_123] : memref<8x4096xf32, #tpu.memory_space<vmem>>[vector<16xi32>, vector<16xi32>], vector<16xf32>,
      %swap3A_166 = arith.constant 6 : i32
      %swap3A_167 = arith.index_cast %swap3A_166 : i32 to index
      %swap3A_168 = arith.index_cast %multiple_of3A : i32 to index
      %swap3A_169 = tpu.vector_load %arg9[%swap3A_167, %swap3A_168] {strides = array<i32>} : memref<8x1024xf32, #tpu.memory_space<vmem>>, vector<16xf32>,
      tpu.vector_store %arg9[%swap3A_167, %swap3A_168], %gather3A_165 {strides = array<i32>} : memref<8x1024xf32, #tpu.memory_space<vmem>>, vector<16xf32>,
      %broadcast_in_dim3A_170 = arith.constant 7 : i32
      %broadcast_in_dim3A_171 = vector.broadcast %broadcast_in_dim3A_170 : i32 to vector<16xi32>
      %gather3A_172 = tpu.vector_load_idx %arg7[%broadcast_in_dim3A_171, %get3A_123] : memref<8x4096xf32, #tpu.memory_space<vmem>>[vector<16xi32>, vector<16xi32>], vector<16xf32>,
      %swap3A_173 = arith.constant 7 : i32
      %swap3A_174 = arith.index_cast %swap3A_173 : i32 to index
      %swap3A_175 = arith.index_cast %multiple_of3A : i32 to index
      %swap3A_176 = tpu.vector_load %arg9[%swap3A_174, %swap3A_175] {strides = array<i32>} : memref<8x1024xf32, #tpu.memory_space<vmem>>, vector<16xf32>,
      tpu.vector_store %arg9[%swap3A_174, %swap3A_175], %gather3A_172 {strides = array<i32>} : memref<8x1024xf32, #tpu.memory_space<vmem>>, vector<16xf32>,
    }
    %scan3A_47 = arith.constant 64 : i32
    %add3A_48 = arith.constant 8 : i32
    %add3A_49 = arith.addi %mul3A_2, %add3A_48 : i32
    %dma_start3A_50 = arith.constant 0 : i32
    %dma_start3A_51 = tpu.memref_slice %arg4[%add3A_49, %dma_start3A_50] : memref<1024x1024xf32, #tpu.memory_space<hbm>> -> memref<8x1024xf32, #tpu.memory_space<hbm>>
    %dma_start3A_52 = arith.constant 0 : i32
    %dma_start3A_53 = tpu.memref_slice %arg4[%add3A_49, %dma_start3A_52] : memref<1024x1024xf32, #tpu.memory_space<hbm>> -> memref<8x1024xf32, #tpu.memory_space<hbm>>
    tpu.enqueue_dma source(%arg9 : memref<8x1024xf32, #tpu.memory_space<vmem>>) target(%dma_start3A_53 : memref<8x1024xf32, #tpu.memory_space<hbm>>) target_semaphore(%arg11 : memref<!tpu.dma_semaphore, #tpu.memory_space<semaphore_mem>>)
    %add3A_54 = arith.constant 16 : i32
    %add3A_55 = arith.addi %mul3A_2, %add3A_54 : i32
    %dma_wait3A_56 = tpu.memref_slice %arg5[%add3A_55] : memref<1024xi32, #tpu.memory_space<vmem>> -> memref<8xi32, #tpu.memory_space<vmem>>
    %dma_wait3A_57 = arith.constant 0 : i32
    %dma_wait3A_58 = arith.constant 0 : i32
    %dma_wait3A_59 = tpu.memref_slice %arg3[%dma_wait3A_57, %dma_wait3A_58] : memref<4096x4096xf32, #tpu.memory_space<hbm>> -> memref<4096x4096xf32, #tpu.memory_space<hbm>>
    tpu.wait_indirect_dma semaphore(%arg10 : memref<!tpu.dma_semaphore, #tpu.memory_space<semaphore_mem>>) src(%dma_wait3A_59 : memref<4096x4096xf32, #tpu.memory_space<hbm>>) dst(%arg6 : memref<8x4096xf32, #tpu.memory_space<vmem>>)
    %add3A_60 = arith.constant 24 : i32
    %add3A_61 = arith.addi %mul3A_2, %add3A_60 : i32
    %dma_start3A_62 = tpu.memref_slice %arg5[%add3A_61] : memref<1024xi32, #tpu.memory_space<vmem>> -> memref<8xi32, #tpu.memory_space<vmem>>
    %dma_start3A_63 = arith.constant 0 : i32
    %dma_start3A_64 = arith.constant 0 : i32
    %dma_start3A_65 = tpu.memref_slice %arg3[%dma_start3A_63, %dma_start3A_64] : memref<4096x4096xf32, #tpu.memory_space<hbm>> -> memref<4096x4096xf32, #tpu.memory_space<hbm>>
    tpu.enqueue_indirect_dma source(%dma_start3A_65 : memref<4096x4096xf32, #tpu.memory_space<hbm>>) target(%arg7 : memref<8x4096xf32, #tpu.memory_space<vmem>>) offsets(%dma_start3A_62 : memref<8xi32, #tpu.memory_space<vmem>>) semaphore(%arg10 : memref<!tpu.dma_semaphore, #tpu.memory_space<semaphore_mem>>)
    %add3A_66 = arith.constant 0 : i32
    %add3A_67 = arith.addi %mul3A_2, %add3A_66 : i32
    %dma_wait3A_68 = arith.constant 0 : i32
    %dma_wait3A_69 = tpu.memref_slice %arg4[%add3A_67, %dma_wait3A_68] : memref<1024x1024xf32, #tpu.memory_space<hbm>> -> memref<8x1024xf32, #tpu.memory_space<hbm>>
    %dma_wait3A_70 = arith.constant 0 : i32
    %dma_wait3A_71 = tpu.memref_slice %arg4[%add3A_67, %dma_wait3A_70] : memref<1024x1024xf32, #tpu.memory_space<hbm>> -> memref<8x1024xf32, #tpu.memory_space<hbm>>
    tpu.wait_dma2 semaphore(%arg11 : memref<!tpu.dma_semaphore, #tpu.memory_space<semaphore_mem>>) src(%arg8 : memref<8x1024xf32, #tpu.memory_space<vmem>>) dst(%dma_wait3A_71 : memref<8x1024xf32, #tpu.memory_space<hbm>>)
    %scan3A_72 = arith.constant 0 : i32
    %scan3A_73 = arith.constant 0 : i32
    %scan3A_74 = arith.constant 64 : i32
    %scan3A_75 = arith.addi %scan3A_73, %scan3A_74 : i32
    %scan3A_76 = arith.constant 1 : i32
    scf.for %scan3A_120 = %scan3A_73 to %scan3A_75 step %scan3A_76  : i32 {
      %mul3A_121 = arith.constant 16 : i32
      %mul3A_122 = arith.muli %scan3A_120, %mul3A_121 : i32
      %multiple_of3A = tpu.assume_multiple %mul3A_122, 16 : i32
      %get3A = arith.index_cast %multiple_of3A : i32 to index
      %get3A_123 = tpu.vector_load %arg5[%get3A] {strides = array<i32>} : memref<1024xi32, #tpu.memory_space<vmem>>, vector<16xi32>,
      %broadcast_in_dim3A = arith.constant 0 : i32
      %broadcast_in_dim3A_124 = vector.broadcast %broadcast_in_dim3A : i32 to vector<16xi32>
      %gather3A = tpu.vector_load_idx %arg6[%broadcast_in_dim3A_124, %get3A_123] : memref<8x4096xf32, #tpu.memory_space<vmem>>[vector<16xi32>, vector<16xi32>], vector<16xf32>,
      %swap3A = arith.constant 0 : i32
      %swap3A_125 = arith.index_cast %swap3A : i32 to index
      %swap3A_126 = arith.index_cast %multiple_of3A : i32 to index
      %swap3A_127 = tpu.vector_load %arg8[%swap3A_125, %swap3A_126] {strides = array<i32>} : memref<8x1024xf32, #tpu.memory_space<vmem>>, vector<16xf32>,
      tpu.vector_store %arg8[%swap3A_125, %swap3A_126], %gather3A {strides = array<i32>} : memref<8x1024xf32, #tpu.memory_space<vmem>>, vector<16xf32>,
      %broadcast_in_dim3A_128 = arith.constant 1 : i32
      %broadcast_in_dim3A_129 = vector.broadcast %broadcast_in_dim3A_128 : i32 to vector<16xi32>
      %gather3A_130 = tpu.vector_load_idx %arg6[%broadcast_in_dim3A_129, %get3A_123] : memref<8x4096xf32, #tpu.memory_space<vmem>>[vector<16xi32>, vector<16xi32>], vector<16xf32>,
      %swap3A_131 = arith.constant 1 : i32
      %swap3A_132 = arith.index_cast %swap3A_131 : i32 to index
      %swap3A_133 = arith.index_cast %multiple_of3A : i32 to index
      %swap3A_134 = tpu.vector_load %arg8[%swap3A_132, %swap3A_133] {strides = array<i32>} : memref<8x1024xf32, #tpu.memory_space<vmem>>, vector<16xf32>,
      tpu.vector_store %arg8[%swap3A_132, %swap3A_133], %gather3A_130 {strides = array<i32>} : memref<8x1024xf32, #tpu.memory_space<vmem>>, vector<16xf32>,
      %broadcast_in_dim3A_135 = arith.constant 2 : i32
      %broadcast_in_dim3A_136 = vector.broadcast %broadcast_in_dim3A_135 : i32 to vector<16xi32>
      %gather3A_137 = tpu.vector_load_idx %arg6[%broadcast_in_dim3A_136, %get3A_123] : memref<8x4096xf32, #tpu.memory_space<vmem>>[vector<16xi32>, vector<16xi32>], vector<16xf32>,
      %swap3A_138 = arith.constant 2 : i32
      %swap3A_139 = arith.index_cast %swap3A_138 : i32 to index
      %swap3A_140 = arith.index_cast %multiple_of3A : i32 to index
      %swap3A_141 = tpu.vector_load %arg8[%swap3A_139, %swap3A_140] {strides = array<i32>} : memref<8x1024xf32, #tpu.memory_space<vmem>>, vector<16xf32>,
      tpu.vector_store %arg8[%swap3A_139, %swap3A_140], %gather3A_137 {strides = array<i32>} : memref<8x1024xf32, #tpu.memory_space<vmem>>, vector<16xf32>,
      %broadcast_in_dim3A_142 = arith.constant 3 : i32
      %broadcast_in_dim3A_143 = vector.broadcast %broadcast_in_dim3A_142 : i32 to vector<16xi32>
      %gather3A_144 = tpu.vector_load_idx %arg6[%broadcast_in_dim3A_143, %get3A_123] : memref<8x4096xf32, #tpu.memory_space<vmem>>[vector<16xi32>, vector<16xi32>], vector<16xf32>,
      %swap3A_145 = arith.constant 3 : i32
      %swap3A_146 = arith.index_cast %swap3A_145 : i32 to index
      %swap3A_147 = arith.index_cast %multiple_of3A : i32 to index
      %swap3A_148 = tpu.vector_load %arg8[%swap3A_146, %swap3A_147] {strides = array<i32>} : memref<8x1024xf32, #tpu.memory_space<vmem>>, vector<16xf32>,
      tpu.vector_store %arg8[%swap3A_146, %swap3A_147], %gather3A_144 {strides = array<i32>} : memref<8x1024xf32, #tpu.memory_space<vmem>>, vector<16xf32>,
      %broadcast_in_dim3A_149 = arith.constant 4 : i32
      %broadcast_in_dim3A_150 = vector.broadcast %broadcast_in_dim3A_149 : i32 to vector<16xi32>
      %gather3A_151 = tpu.vector_load_idx %arg6[%broadcast_in_dim3A_150, %get3A_123] : memref<8x4096xf32, #tpu.memory_space<vmem>>[vector<16xi32>, vector<16xi32>], vector<16xf32>,
      %swap3A_152 = arith.constant 4 : i32
      %swap3A_153 = arith.index_cast %swap3A_152 : i32 to index
      %swap3A_154 = arith.index_cast %multiple_of3A : i32 to index
      %swap3A_155 = tpu.vector_load %arg8[%swap3A_153, %swap3A_154] {strides = array<i32>} : memref<8x1024xf32, #tpu.memory_space<vmem>>, vector<16xf32>,
      tpu.vector_store %arg8[%swap3A_153, %swap3A_154], %gather3A_151 {strides = array<i32>} : memref<8x1024xf32, #tpu.memory_space<vmem>>, vector<16xf32>,
      %broadcast_in_dim3A_156 = arith.constant 5 : i32
      %broadcast_in_dim3A_157 = vector.broadcast %broadcast_in_dim3A_156 : i32 to vector<16xi32>
      %gather3A_158 = tpu.vector_load_idx %arg6[%broadcast_in_dim3A_157, %get3A_123] : memref<8x4096xf32, #tpu.memory_space<vmem>>[vector<16xi32>, vector<16xi32>], vector<16xf32>,
      %swap3A_159 = arith.constant 5 : i32
      %swap3A_160 = arith.index_cast %swap3A_159 : i32 to index
      %swap3A_161 = arith.index_cast %multiple_of3A : i32 to index
      %swap3A_162 = tpu.vector_load %arg8[%swap3A_160, %swap3A_161] {strides = array<i32>} : memref<8x1024xf32, #tpu.memory_space<vmem>>, vector<16xf32>,
      tpu.vector_store %arg8[%swap3A_160, %swap3A_161], %gather3A_158 {strides = array<i32>} : memref<8x1024xf32, #tpu.memory_space<vmem>>, vector<16xf32>,
      %broadcast_in_dim3A_163 = arith.constant 6 : i32
      %broadcast_in_dim3A_164 = vector.broadcast %broadcast_in_dim3A_163 : i32 to vector<16xi32>
      %gather3A_165 = tpu.vector_load_idx %arg6[%broadcast_in_dim3A_164, %get3A_123] : memref<8x4096xf32, #tpu.memory_space<vmem>>[vector<16xi32>, vector<16xi32>], vector<16xf32>,
      %swap3A_166 = arith.constant 6 : i32
      %swap3A_167 = arith.index_cast %swap3A_166 : i32 to index
      %swap3A_168 = arith.index_cast %multiple_of3A : i32 to index
      %swap3A_169 = tpu.vector_load %arg8[%swap3A_167, %swap3A_168] {strides = array<i32>} : memref<8x1024xf32, #tpu.memory_space<vmem>>, vector<16xf32>,
      tpu.vector_store %arg8[%swap3A_167, %swap3A_168], %gather3A_165 {strides = array<i32>} : memref<8x1024xf32, #tpu.memory_space<vmem>>, vector<16xf32>,
      %broadcast_in_dim3A_170 = arith.constant 7 : i32
      %broadcast_in_dim3A_171 = vector.broadcast %broadcast_in_dim3A_170 : i32 to vector<16xi32>
      %gather3A_172 = tpu.vector_load_idx %arg6[%broadcast_in_dim3A_171, %get3A_123] : memref<8x4096xf32, #tpu.memory_space<vmem>>[vector<16xi32>, vector<16xi32>], vector<16xf32>,
      %swap3A_173 = arith.constant 7 : i32
      %swap3A_174 = arith.index_cast %swap3A_173 : i32 to index
      %swap3A_175 = arith.index_cast %multiple_of3A : i32 to index
      %swap3A_176 = tpu.vector_load %arg8[%swap3A_174, %swap3A_175] {strides = array<i32>} : memref<8x1024xf32, #tpu.memory_space<vmem>>, vector<16xf32>,
      tpu.vector_store %arg8[%swap3A_174, %swap3A_175], %gather3A_172 {strides = array<i32>} : memref<8x1024xf32, #tpu.memory_space<vmem>>, vector<16xf32>,
    }
    %scan3A_77 = arith.constant 64 : i32
    %add3A_78 = arith.constant 16 : i32
    %add3A_79 = arith.addi %mul3A_2, %add3A_78 : i32
    %dma_start3A_80 = arith.constant 0 : i32
    %dma_start3A_81 = tpu.memref_slice %arg4[%add3A_79, %dma_start3A_80] : memref<1024x1024xf32, #tpu.memory_space<hbm>> -> memref<8x1024xf32, #tpu.memory_space<hbm>>
    %dma_start3A_82 = arith.constant 0 : i32
    %dma_start3A_83 = tpu.memref_slice %arg4[%add3A_79, %dma_start3A_82] : memref<1024x1024xf32, #tpu.memory_space<hbm>> -> memref<8x1024xf32, #tpu.memory_space<hbm>>
    tpu.enqueue_dma source(%arg8 : memref<8x1024xf32, #tpu.memory_space<vmem>>) target(%dma_start3A_83 : memref<8x1024xf32, #tpu.memory_space<hbm>>) target_semaphore(%arg11 : memref<!tpu.dma_semaphore, #tpu.memory_space<semaphore_mem>>)
    %add3A_84 = arith.constant 24 : i32
    %add3A_85 = arith.addi %mul3A_2, %add3A_84 : i32
    %dma_wait3A_86 = tpu.memref_slice %arg5[%add3A_85] : memref<1024xi32, #tpu.memory_space<vmem>> -> memref<8xi32, #tpu.memory_space<vmem>>
    %dma_wait3A_87 = arith.constant 0 : i32
    %dma_wait3A_88 = arith.constant 0 : i32
    %dma_wait3A_89 = tpu.memref_slice %arg3[%dma_wait3A_87, %dma_wait3A_88] : memref<4096x4096xf32, #tpu.memory_space<hbm>> -> memref<4096x4096xf32, #tpu.memory_space<hbm>>
    tpu.wait_indirect_dma semaphore(%arg10 : memref<!tpu.dma_semaphore, #tpu.memory_space<semaphore_mem>>) src(%dma_wait3A_89 : memref<4096x4096xf32, #tpu.memory_space<hbm>>) dst(%arg7 : memref<8x4096xf32, #tpu.memory_space<vmem>>)
    %add3A_90 = arith.constant 8 : i32
    %add3A_91 = arith.addi %mul3A_2, %add3A_90 : i32
    %dma_wait3A_92 = arith.constant 0 : i32
    %dma_wait3A_93 = tpu.memref_slice %arg4[%add3A_91, %dma_wait3A_92] : memref<1024x1024xf32, #tpu.memory_space<hbm>> -> memref<8x1024xf32, #tpu.memory_space<hbm>>
    %dma_wait3A_94 = arith.constant 0 : i32
    %dma_wait3A_95 = tpu.memref_slice %arg4[%add3A_91, %dma_wait3A_94] : memref<1024x1024xf32, #tpu.memory_space<hbm>> -> memref<8x1024xf32, #tpu.memory_space<hbm>>
    tpu.wait_dma2 semaphore(%arg11 : memref<!tpu.dma_semaphore, #tpu.memory_space<semaphore_mem>>) src(%arg9 : memref<8x1024xf32, #tpu.memory_space<vmem>>) dst(%dma_wait3A_95 : memref<8x1024xf32, #tpu.memory_space<hbm>>)
    %scan3A_96 = arith.constant 0 : i32
    %scan3A_97 = arith.constant 0 : i32
    %scan3A_98 = arith.constant 64 : i32
    %scan3A_99 = arith.addi %scan3A_97, %scan3A_98 : i32
    %scan3A_100 = arith.constant 1 : i32
    scf.for %scan3A_120 = %scan3A_97 to %scan3A_99 step %scan3A_100  : i32 {
      %mul3A_121 = arith.constant 16 : i32
      %mul3A_122 = arith.muli %scan3A_120, %mul3A_121 : i32
      %multiple_of3A = tpu.assume_multiple %mul3A_122, 16 : i32
      %get3A = arith.index_cast %multiple_of3A : i32 to index
      %get3A_123 = tpu.vector_load %arg5[%get3A] {strides = array<i32>} : memref<1024xi32, #tpu.memory_space<vmem>>, vector<16xi32>,
      %broadcast_in_dim3A = arith.constant 0 : i32
      %broadcast_in_dim3A_124 = vector.broadcast %broadcast_in_dim3A : i32 to vector<16xi32>
      %gather3A = tpu.vector_load_idx %arg7[%broadcast_in_dim3A_124, %get3A_123] : memref<8x4096xf32, #tpu.memory_space<vmem>>[vector<16xi32>, vector<16xi32>], vector<16xf32>,
      %swap3A = arith.constant 0 : i32
      %swap3A_125 = arith.index_cast %swap3A : i32 to index
      %swap3A_126 = arith.index_cast %multiple_of3A : i32 to index
      %swap3A_127 = tpu.vector_load %arg9[%swap3A_125, %swap3A_126] {strides = array<i32>} : memref<8x1024xf32, #tpu.memory_space<vmem>>, vector<16xf32>,
      tpu.vector_store %arg9[%swap3A_125, %swap3A_126], %gather3A {strides = array<i32>} : memref<8x1024xf32, #tpu.memory_space<vmem>>, vector<16xf32>,
      %broadcast_in_dim3A_128 = arith.constant 1 : i32
      %broadcast_in_dim3A_129 = vector.broadcast %broadcast_in_dim3A_128 : i32 to vector<16xi32>
      %gather3A_130 = tpu.vector_load_idx %arg7[%broadcast_in_dim3A_129, %get3A_123] : memref<8x4096xf32, #tpu.memory_space<vmem>>[vector<16xi32>, vector<16xi32>], vector<16xf32>,
      %swap3A_131 = arith.constant 1 : i32
      %swap3A_132 = arith.index_cast %swap3A_131 : i32 to index
      %swap3A_133 = arith.index_cast %multiple_of3A : i32 to index
      %swap3A_134 = tpu.vector_load %arg9[%swap3A_132, %swap3A_133] {strides = array<i32>} : memref<8x1024xf32, #tpu.memory_space<vmem>>, vector<16xf32>,
      tpu.vector_store %arg9[%swap3A_132, %swap3A_133], %gather3A_130 {strides = array<i32>} : memref<8x1024xf32, #tpu.memory_space<vmem>>, vector<16xf32>,
      %broadcast_in_dim3A_135 = arith.constant 2 : i32
      %broadcast_in_dim3A_136 = vector.broadcast %broadcast_in_dim3A_135 : i32 to vector<16xi32>
      %gather3A_137 = tpu.vector_load_idx %arg7[%broadcast_in_dim3A_136, %get3A_123] : memref<8x4096xf32, #tpu.memory_space<vmem>>[vector<16xi32>, vector<16xi32>], vector<16xf32>,
      %swap3A_138 = arith.constant 2 : i32
      %swap3A_139 = arith.index_cast %swap3A_138 : i32 to index
      %swap3A_140 = arith.index_cast %multiple_of3A : i32 to index
      %swap3A_141 = tpu.vector_load %arg9[%swap3A_139, %swap3A_140] {strides = array<i32>} : memref<8x1024xf32, #tpu.memory_space<vmem>>, vector<16xf32>,
      tpu.vector_store %arg9[%swap3A_139, %swap3A_140], %gather3A_137 {strides = array<i32>} : memref<8x1024xf32, #tpu.memory_space<vmem>>, vector<16xf32>,
      %broadcast_in_dim3A_142 = arith.constant 3 : i32
      %broadcast_in_dim3A_143 = vector.broadcast %broadcast_in_dim3A_142 : i32 to vector<16xi32>
      %gather3A_144 = tpu.vector_load_idx %arg7[%broadcast_in_dim3A_143, %get3A_123] : memref<8x4096xf32, #tpu.memory_space<vmem>>[vector<16xi32>, vector<16xi32>], vector<16xf32>,
      %swap3A_145 = arith.constant 3 : i32
      %swap3A_146 = arith.index_cast %swap3A_145 : i32 to index
      %swap3A_147 = arith.index_cast %multiple_of3A : i32 to index
      %swap3A_148 = tpu.vector_load %arg9[%swap3A_146, %swap3A_147] {strides = array<i32>} : memref<8x1024xf32, #tpu.memory_space<vmem>>, vector<16xf32>,
      tpu.vector_store %arg9[%swap3A_146, %swap3A_147], %gather3A_144 {strides = array<i32>} : memref<8x1024xf32, #tpu.memory_space<vmem>>, vector<16xf32>,
      %broadcast_in_dim3A_149 = arith.constant 4 : i32
      %broadcast_in_dim3A_150 = vector.broadcast %broadcast_in_dim3A_149 : i32 to vector<16xi32>
      %gather3A_151 = tpu.vector_load_idx %arg7[%broadcast_in_dim3A_150, %get3A_123] : memref<8x4096xf32, #tpu.memory_space<vmem>>[vector<16xi32>, vector<16xi32>], vector<16xf32>,
      %swap3A_152 = arith.constant 4 : i32
      %swap3A_153 = arith.index_cast %swap3A_152 : i32 to index
      %swap3A_154 = arith.index_cast %multiple_of3A : i32 to index
      %swap3A_155 = tpu.vector_load %arg9[%swap3A_153, %swap3A_154] {strides = array<i32>} : memref<8x1024xf32, #tpu.memory_space<vmem>>, vector<16xf32>,
      tpu.vector_store %arg9[%swap3A_153, %swap3A_154], %gather3A_151 {strides = array<i32>} : memref<8x1024xf32, #tpu.memory_space<vmem>>, vector<16xf32>,
      %broadcast_in_dim3A_156 = arith.constant 5 : i32
      %broadcast_in_dim3A_157 = vector.broadcast %broadcast_in_dim3A_156 : i32 to vector<16xi32>
      %gather3A_158 = tpu.vector_load_idx %arg7[%broadcast_in_dim3A_157, %get3A_123] : memref<8x4096xf32, #tpu.memory_space<vmem>>[vector<16xi32>, vector<16xi32>], vector<16xf32>,
      %swap3A_159 = arith.constant 5 : i32
      %swap3A_160 = arith.index_cast %swap3A_159 : i32 to index
      %swap3A_161 = arith.index_cast %multiple_of3A : i32 to index
      %swap3A_162 = tpu.vector_load %arg9[%swap3A_160, %swap3A_161] {strides = array<i32>} : memref<8x1024xf32, #tpu.memory_space<vmem>>, vector<16xf32>,
      tpu.vector_store %arg9[%swap3A_160, %swap3A_161], %gather3A_158 {strides = array<i32>} : memref<8x1024xf32, #tpu.memory_space<vmem>>, vector<16xf32>,
      %broadcast_in_dim3A_163 = arith.constant 6 : i32
      %broadcast_in_dim3A_164 = vector.broadcast %broadcast_in_dim3A_163 : i32 to vector<16xi32>
      %gather3A_165 = tpu.vector_load_idx %arg7[%broadcast_in_dim3A_164, %get3A_123] : memref<8x4096xf32, #tpu.memory_space<vmem>>[vector<16xi32>, vector<16xi32>], vector<16xf32>,
      %swap3A_166 = arith.constant 6 : i32
      %swap3A_167 = arith.index_cast %swap3A_166 : i32 to index
      %swap3A_168 = arith.index_cast %multiple_of3A : i32 to index
      %swap3A_169 = tpu.vector_load %arg9[%swap3A_167, %swap3A_168] {strides = array<i32>} : memref<8x1024xf32, #tpu.memory_space<vmem>>, vector<16xf32>,
      tpu.vector_store %arg9[%swap3A_167, %swap3A_168], %gather3A_165 {strides = array<i32>} : memref<8x1024xf32, #tpu.memory_space<vmem>>, vector<16xf32>,
      %broadcast_in_dim3A_170 = arith.constant 7 : i32
      %broadcast_in_dim3A_171 = vector.broadcast %broadcast_in_dim3A_170 : i32 to vector<16xi32>
      %gather3A_172 = tpu.vector_load_idx %arg7[%broadcast_in_dim3A_171, %get3A_123] : memref<8x4096xf32, #tpu.memory_space<vmem>>[vector<16xi32>, vector<16xi32>], vector<16xf32>,
      %swap3A_173 = arith.constant 7 : i32
      %swap3A_174 = arith.index_cast %swap3A_173 : i32 to index
      %swap3A_175 = arith.index_cast %multiple_of3A : i32 to index
      %swap3A_176 = tpu.vector_load %arg9[%swap3A_174, %swap3A_175] {strides = array<i32>} : memref<8x1024xf32, #tpu.memory_space<vmem>>, vector<16xf32>,
      tpu.vector_store %arg9[%swap3A_174, %swap3A_175], %gather3A_172 {strides = array<i32>} : memref<8x1024xf32, #tpu.memory_space<vmem>>, vector<16xf32>,
    }
    %scan3A_101 = arith.constant 64 : i32
    %add3A_102 = arith.constant 24 : i32
    %add3A_103 = arith.addi %mul3A_2, %add3A_102 : i32
    %dma_start3A_104 = arith.constant 0 : i32
    %dma_start3A_105 = tpu.memref_slice %arg4[%add3A_103, %dma_start3A_104] : memref<1024x1024xf32, #tpu.memory_space<hbm>> -> memref<8x1024xf32, #tpu.memory_space<hbm>>
    %dma_start3A_106 = arith.constant 0 : i32
    %dma_start3A_107 = tpu.memref_slice %arg4[%add3A_103, %dma_start3A_106] : memref<1024x1024xf32, #tpu.memory_space<hbm>> -> memref<8x1024xf32, #tpu.memory_space<hbm>>
    tpu.enqueue_dma source(%arg9 : memref<8x1024xf32, #tpu.memory_space<vmem>>) target(%dma_start3A_107 : memref<8x1024xf32, #tpu.memory_space<hbm>>) target_semaphore(%arg11 : memref<!tpu.dma_semaphore, #tpu.memory_space<semaphore_mem>>)
    %add3A_108 = arith.constant 16 : i32
    %add3A_109 = arith.addi %mul3A_2, %add3A_108 : i32
    %dma_wait3A_110 = arith.constant 0 : i32
    %dma_wait3A_111 = tpu.memref_slice %arg4[%add3A_109, %dma_wait3A_110] : memref<1024x1024xf32, #tpu.memory_space<hbm>> -> memref<8x1024xf32, #tpu.memory_space<hbm>>
    %dma_wait3A_112 = arith.constant 0 : i32
    %dma_wait3A_113 = tpu.memref_slice %arg4[%add3A_109, %dma_wait3A_112] : memref<1024x1024xf32, #tpu.memory_space<hbm>> -> memref<8x1024xf32, #tpu.memory_space<hbm>>
    tpu.wait_dma2 semaphore(%arg11 : memref<!tpu.dma_semaphore, #tpu.memory_space<semaphore_mem>>) src(%arg8 : memref<8x1024xf32, #tpu.memory_space<vmem>>) dst(%dma_wait3A_113 : memref<8x1024xf32, #tpu.memory_space<hbm>>)
    %add3A_114 = arith.constant 24 : i32
    %add3A_115 = arith.addi %mul3A_2, %add3A_114 : i32
    %dma_wait3A_116 = arith.constant 0 : i32
    %dma_wait3A_117 = tpu.memref_slice %arg4[%add3A_115, %dma_wait3A_116] : memref<1024x1024xf32, #tpu.memory_space<hbm>> -> memref<8x1024xf32, #tpu.memory_space<hbm>>
    %dma_wait3A_118 = arith.constant 0 : i32
    %dma_wait3A_119 = tpu.memref_slice %arg4[%add3A_115, %dma_wait3A_118] : memref<1024x1024xf32, #tpu.memory_space<hbm>> -> memref<8x1024xf32, #tpu.memory_space<hbm>>
    tpu.wait_dma2 semaphore(%arg11 : memref<!tpu.dma_semaphore, #tpu.memory_space<semaphore_mem>>) src(%arg9 : memref<8x1024xf32, #tpu.memory_space<vmem>>) dst(%dma_wait3A_119 : memref<8x1024xf32, #tpu.memory_space<hbm>>)
    return
  }
}

module attributes {stable_mosaic.version = 14 : i64} {
  func.func @_argmin_body(%arg0: i32, %arg1: memref<128x24xf32, #tpu.memory_space<vmem>>, %arg2: memref<3x4096xf32, #tpu.memory_space<vmem>>, %arg3: memref<1x1x128xi32, #tpu.memory_space<vmem>>) attributes {dimension_semantics = [#tpu.dimension_semantics<arbitrary>], iteration_bounds = array<i64: 8>, scalar_prefetch = 0 : i64, scratch_operands = 0 : i64, tpu.core_type = #tpu.core_type<tc>, window_params = [{transform_indices = @transform_0, window_bounds = array<i64: 128, 24>}, {pipeline_mode = #tpu.pipeline_mode<synchronous>, transform_indices = @transform_1, window_bounds = array<i64: 3, 4096>}, {transform_indices = @transform_2, window_bounds = array<i64: 1, 1, 128>}]} {
    %get3A = arith.constant 0 : index
    %get3A_0 = arith.constant 0 : index
    %get3A_1 = vector.load %arg2[%get3A, %get3A_0] : memref<3x4096xf32, #tpu.memory_space<vmem>>, vector<1x512xf32>
    %get3A_2 = arith.constant 1 : index
    %get3A_3 = arith.constant 0 : index
    %get3A_4 = vector.load %arg2[%get3A_2, %get3A_3] : memref<3x4096xf32, #tpu.memory_space<vmem>>, vector<1x512xf32>
    %get3A_5 = arith.constant 2 : index
    %get3A_6 = arith.constant 0 : index
    %get3A_7 = vector.load %arg2[%get3A_5, %get3A_6] : memref<3x4096xf32, #tpu.memory_space<vmem>>, vector<1x512xf32>
    %get3A_8 = arith.constant 0 : index
    %get3A_9 = arith.constant 0 : index
    %get3A_10 = vector.load %arg1[%get3A_8, %get3A_9] : memref<128x24xf32, #tpu.memory_space<vmem>>, vector<128x1xf32>
    %get3A_11 = vector.shape_cast %get3A_10 : vector<128x1xf32> to vector<128xf32>
    %broadcast_in_dim3A = vector.shape_cast %get3A_11 : vector<128xf32> to vector<128x1xf32>
    %sub3A = vector.broadcast %broadcast_in_dim3A : vector<128x1xf32> to vector<128x512xf32>
    %sub3A_12 = vector.broadcast %get3A_1 : vector<1x512xf32> to vector<128x512xf32>
    %sub3A_13 = arith.subf %sub3A, %sub3A_12 : vector<128x512xf32>
    %get3A_14 = arith.constant 0 : index
    %get3A_15 = arith.constant 1 : index
    %get3A_16 = vector.load %arg1[%get3A_14, %get3A_15] : memref<128x24xf32, #tpu.memory_space<vmem>>, vector<128x1xf32>
    %get3A_17 = vector.shape_cast %get3A_16 : vector<128x1xf32> to vector<128xf32>
    %broadcast_in_dim3A_18 = vector.shape_cast %get3A_17 : vector<128xf32> to vector<128x1xf32>
    %sub3A_19 = vector.broadcast %broadcast_in_dim3A_18 : vector<128x1xf32> to vector<128x512xf32>
    %sub3A_20 = vector.broadcast %get3A_4 : vector<1x512xf32> to vector<128x512xf32>
    %sub3A_21 = arith.subf %sub3A_19, %sub3A_20 : vector<128x512xf32>
    %get3A_22 = arith.constant 0 : index
    %get3A_23 = arith.constant 2 : index
    %get3A_24 = vector.load %arg1[%get3A_22, %get3A_23] : memref<128x24xf32, #tpu.memory_space<vmem>>, vector<128x1xf32>
    %get3A_25 = vector.shape_cast %get3A_24 : vector<128x1xf32> to vector<128xf32>
    %broadcast_in_dim3A_26 = vector.shape_cast %get3A_25 : vector<128xf32> to vector<128x1xf32>
    %sub3A_27 = vector.broadcast %broadcast_in_dim3A_26 : vector<128x1xf32> to vector<128x512xf32>
    %sub3A_28 = vector.broadcast %get3A_7 : vector<1x512xf32> to vector<128x512xf32>
    %sub3A_29 = arith.subf %sub3A_27, %sub3A_28 : vector<128x512xf32>
    %mul3A = arith.mulf %sub3A_13, %sub3A_13 : vector<128x512xf32>
    %mul3A_30 = arith.mulf %sub3A_21, %sub3A_21 : vector<128x512xf32>
    %add3A = arith.addf %mul3A, %mul3A_30 : vector<128x512xf32>
    %mul3A_31 = arith.mulf %sub3A_29, %sub3A_29 : vector<128x512xf32>
    %add3A_32 = arith.addf %add3A, %mul3A_31 : vector<128x512xf32>
    %get3A_33 = arith.constant 0 : index
    %get3A_34 = arith.constant 3 : index
    %get3A_35 = vector.load %arg1[%get3A_33, %get3A_34] : memref<128x24xf32, #tpu.memory_space<vmem>>, vector<128x1xf32>
    %get3A_36 = vector.shape_cast %get3A_35 : vector<128x1xf32> to vector<128xf32>
    %broadcast_in_dim3A_37 = vector.shape_cast %get3A_36 : vector<128xf32> to vector<128x1xf32>
    %sub3A_38 = vector.broadcast %broadcast_in_dim3A_37 : vector<128x1xf32> to vector<128x512xf32>
    %sub3A_39 = vector.broadcast %get3A_1 : vector<1x512xf32> to vector<128x512xf32>
    %sub3A_40 = arith.subf %sub3A_38, %sub3A_39 : vector<128x512xf32>
    %get3A_41 = arith.constant 0 : index
    %get3A_42 = arith.constant 4 : index
    %get3A_43 = vector.load %arg1[%get3A_41, %get3A_42] : memref<128x24xf32, #tpu.memory_space<vmem>>, vector<128x1xf32>
    %get3A_44 = vector.shape_cast %get3A_43 : vector<128x1xf32> to vector<128xf32>
    %broadcast_in_dim3A_45 = vector.shape_cast %get3A_44 : vector<128xf32> to vector<128x1xf32>
    %sub3A_46 = vector.broadcast %broadcast_in_dim3A_45 : vector<128x1xf32> to vector<128x512xf32>
    %sub3A_47 = vector.broadcast %get3A_4 : vector<1x512xf32> to vector<128x512xf32>
    %sub3A_48 = arith.subf %sub3A_46, %sub3A_47 : vector<128x512xf32>
    %get3A_49 = arith.constant 0 : index
    %get3A_50 = arith.constant 5 : index
    %get3A_51 = vector.load %arg1[%get3A_49, %get3A_50] : memref<128x24xf32, #tpu.memory_space<vmem>>, vector<128x1xf32>
    %get3A_52 = vector.shape_cast %get3A_51 : vector<128x1xf32> to vector<128xf32>
    %broadcast_in_dim3A_53 = vector.shape_cast %get3A_52 : vector<128xf32> to vector<128x1xf32>
    %sub3A_54 = vector.broadcast %broadcast_in_dim3A_53 : vector<128x1xf32> to vector<128x512xf32>
    %sub3A_55 = vector.broadcast %get3A_7 : vector<1x512xf32> to vector<128x512xf32>
    %sub3A_56 = arith.subf %sub3A_54, %sub3A_55 : vector<128x512xf32>
    %mul3A_57 = arith.mulf %sub3A_40, %sub3A_40 : vector<128x512xf32>
    %mul3A_58 = arith.mulf %sub3A_48, %sub3A_48 : vector<128x512xf32>
    %add3A_59 = arith.addf %mul3A_57, %mul3A_58 : vector<128x512xf32>
    %mul3A_60 = arith.mulf %sub3A_56, %sub3A_56 : vector<128x512xf32>
    %add3A_61 = arith.addf %add3A_59, %mul3A_60 : vector<128x512xf32>
    %min3A = arith.minimumf %add3A_32, %add3A_61 : vector<128x512xf32>
    %get3A_62 = arith.constant 0 : index
    %get3A_63 = arith.constant 6 : index
    %get3A_64 = vector.load %arg1[%get3A_62, %get3A_63] : memref<128x24xf32, #tpu.memory_space<vmem>>, vector<128x1xf32>
    %get3A_65 = vector.shape_cast %get3A_64 : vector<128x1xf32> to vector<128xf32>
    %broadcast_in_dim3A_66 = vector.shape_cast %get3A_65 : vector<128xf32> to vector<128x1xf32>
    %sub3A_67 = vector.broadcast %broadcast_in_dim3A_66 : vector<128x1xf32> to vector<128x512xf32>
    %sub3A_68 = vector.broadcast %get3A_1 : vector<1x512xf32> to vector<128x512xf32>
    %sub3A_69 = arith.subf %sub3A_67, %sub3A_68 : vector<128x512xf32>
    %get3A_70 = arith.constant 0 : index
    %get3A_71 = arith.constant 7 : index
    %get3A_72 = vector.load %arg1[%get3A_70, %get3A_71] : memref<128x24xf32, #tpu.memory_space<vmem>>, vector<128x1xf32>
    %get3A_73 = vector.shape_cast %get3A_72 : vector<128x1xf32> to vector<128xf32>
    %broadcast_in_dim3A_74 = vector.shape_cast %get3A_73 : vector<128xf32> to vector<128x1xf32>
    %sub3A_75 = vector.broadcast %broadcast_in_dim3A_74 : vector<128x1xf32> to vector<128x512xf32>
    %sub3A_76 = vector.broadcast %get3A_4 : vector<1x512xf32> to vector<128x512xf32>
    %sub3A_77 = arith.subf %sub3A_75, %sub3A_76 : vector<128x512xf32>
    %get3A_78 = arith.constant 0 : index
    %get3A_79 = arith.constant 8 : index
    %get3A_80 = vector.load %arg1[%get3A_78, %get3A_79] : memref<128x24xf32, #tpu.memory_space<vmem>>, vector<128x1xf32>
    %get3A_81 = vector.shape_cast %get3A_80 : vector<128x1xf32> to vector<128xf32>
    %broadcast_in_dim3A_82 = vector.shape_cast %get3A_81 : vector<128xf32> to vector<128x1xf32>
    %sub3A_83 = vector.broadcast %broadcast_in_dim3A_82 : vector<128x1xf32> to vector<128x512xf32>
    %sub3A_84 = vector.broadcast %get3A_7 : vector<1x512xf32> to vector<128x512xf32>
    %sub3A_85 = arith.subf %sub3A_83, %sub3A_84 : vector<128x512xf32>
    %mul3A_86 = arith.mulf %sub3A_69, %sub3A_69 : vector<128x512xf32>
    %mul3A_87 = arith.mulf %sub3A_77, %sub3A_77 : vector<128x512xf32>
    %add3A_88 = arith.addf %mul3A_86, %mul3A_87 : vector<128x512xf32>
    %mul3A_89 = arith.mulf %sub3A_85, %sub3A_85 : vector<128x512xf32>
    %add3A_90 = arith.addf %add3A_88, %mul3A_89 : vector<128x512xf32>
    %min3A_91 = arith.minimumf %min3A, %add3A_90 : vector<128x512xf32>
    %get3A_92 = arith.constant 0 : index
    %get3A_93 = arith.constant 9 : index
    %get3A_94 = vector.load %arg1[%get3A_92, %get3A_93] : memref<128x24xf32, #tpu.memory_space<vmem>>, vector<128x1xf32>
    %get3A_95 = vector.shape_cast %get3A_94 : vector<128x1xf32> to vector<128xf32>
    %broadcast_in_dim3A_96 = vector.shape_cast %get3A_95 : vector<128xf32> to vector<128x1xf32>
    %sub3A_97 = vector.broadcast %broadcast_in_dim3A_96 : vector<128x1xf32> to vector<128x512xf32>
    %sub3A_98 = vector.broadcast %get3A_1 : vector<1x512xf32> to vector<128x512xf32>
    %sub3A_99 = arith.subf %sub3A_97, %sub3A_98 : vector<128x512xf32>
    %get3A_100 = arith.constant 0 : index
    %get3A_101 = arith.constant 10 : index
    %get3A_102 = vector.load %arg1[%get3A_100, %get3A_101] : memref<128x24xf32, #tpu.memory_space<vmem>>, vector<128x1xf32>
    %get3A_103 = vector.shape_cast %get3A_102 : vector<128x1xf32> to vector<128xf32>
    %broadcast_in_dim3A_104 = vector.shape_cast %get3A_103 : vector<128xf32> to vector<128x1xf32>
    %sub3A_105 = vector.broadcast %broadcast_in_dim3A_104 : vector<128x1xf32> to vector<128x512xf32>
    %sub3A_106 = vector.broadcast %get3A_4 : vector<1x512xf32> to vector<128x512xf32>
    %sub3A_107 = arith.subf %sub3A_105, %sub3A_106 : vector<128x512xf32>
    %get3A_108 = arith.constant 0 : index
    %get3A_109 = arith.constant 11 : index
    %get3A_110 = vector.load %arg1[%get3A_108, %get3A_109] : memref<128x24xf32, #tpu.memory_space<vmem>>, vector<128x1xf32>
    %get3A_111 = vector.shape_cast %get3A_110 : vector<128x1xf32> to vector<128xf32>
    %broadcast_in_dim3A_112 = vector.shape_cast %get3A_111 : vector<128xf32> to vector<128x1xf32>
    %sub3A_113 = vector.broadcast %broadcast_in_dim3A_112 : vector<128x1xf32> to vector<128x512xf32>
    %sub3A_114 = vector.broadcast %get3A_7 : vector<1x512xf32> to vector<128x512xf32>
    %sub3A_115 = arith.subf %sub3A_113, %sub3A_114 : vector<128x512xf32>
    %mul3A_116 = arith.mulf %sub3A_99, %sub3A_99 : vector<128x512xf32>
    %mul3A_117 = arith.mulf %sub3A_107, %sub3A_107 : vector<128x512xf32>
    %add3A_118 = arith.addf %mul3A_116, %mul3A_117 : vector<128x512xf32>
    %mul3A_119 = arith.mulf %sub3A_115, %sub3A_115 : vector<128x512xf32>
    %add3A_120 = arith.addf %add3A_118, %mul3A_119 : vector<128x512xf32>
    %min3A_121 = arith.minimumf %min3A_91, %add3A_120 : vector<128x512xf32>
    %get3A_122 = arith.constant 0 : index
    %get3A_123 = arith.constant 12 : index
    %get3A_124 = vector.load %arg1[%get3A_122, %get3A_123] : memref<128x24xf32, #tpu.memory_space<vmem>>, vector<128x1xf32>
    %get3A_125 = vector.shape_cast %get3A_124 : vector<128x1xf32> to vector<128xf32>
    %broadcast_in_dim3A_126 = vector.shape_cast %get3A_125 : vector<128xf32> to vector<128x1xf32>
    %sub3A_127 = vector.broadcast %broadcast_in_dim3A_126 : vector<128x1xf32> to vector<128x512xf32>
    %sub3A_128 = vector.broadcast %get3A_1 : vector<1x512xf32> to vector<128x512xf32>
    %sub3A_129 = arith.subf %sub3A_127, %sub3A_128 : vector<128x512xf32>
    %get3A_130 = arith.constant 0 : index
    %get3A_131 = arith.constant 13 : index
    %get3A_132 = vector.load %arg1[%get3A_130, %get3A_131] : memref<128x24xf32, #tpu.memory_space<vmem>>, vector<128x1xf32>
    %get3A_133 = vector.shape_cast %get3A_132 : vector<128x1xf32> to vector<128xf32>
    %broadcast_in_dim3A_134 = vector.shape_cast %get3A_133 : vector<128xf32> to vector<128x1xf32>
    %sub3A_135 = vector.broadcast %broadcast_in_dim3A_134 : vector<128x1xf32> to vector<128x512xf32>
    %sub3A_136 = vector.broadcast %get3A_4 : vector<1x512xf32> to vector<128x512xf32>
    %sub3A_137 = arith.subf %sub3A_135, %sub3A_136 : vector<128x512xf32>
    %get3A_138 = arith.constant 0 : index
    %get3A_139 = arith.constant 14 : index
    %get3A_140 = vector.load %arg1[%get3A_138, %get3A_139] : memref<128x24xf32, #tpu.memory_space<vmem>>, vector<128x1xf32>
    %get3A_141 = vector.shape_cast %get3A_140 : vector<128x1xf32> to vector<128xf32>
    %broadcast_in_dim3A_142 = vector.shape_cast %get3A_141 : vector<128xf32> to vector<128x1xf32>
    %sub3A_143 = vector.broadcast %broadcast_in_dim3A_142 : vector<128x1xf32> to vector<128x512xf32>
    %sub3A_144 = vector.broadcast %get3A_7 : vector<1x512xf32> to vector<128x512xf32>
    %sub3A_145 = arith.subf %sub3A_143, %sub3A_144 : vector<128x512xf32>
    %mul3A_146 = arith.mulf %sub3A_129, %sub3A_129 : vector<128x512xf32>
    %mul3A_147 = arith.mulf %sub3A_137, %sub3A_137 : vector<128x512xf32>
    %add3A_148 = arith.addf %mul3A_146, %mul3A_147 : vector<128x512xf32>
    %mul3A_149 = arith.mulf %sub3A_145, %sub3A_145 : vector<128x512xf32>
    %add3A_150 = arith.addf %add3A_148, %mul3A_149 : vector<128x512xf32>
    %min3A_151 = arith.minimumf %min3A_121, %add3A_150 : vector<128x512xf32>
    %get3A_152 = arith.constant 0 : index
    %get3A_153 = arith.constant 15 : index
    %get3A_154 = vector.load %arg1[%get3A_152, %get3A_153] : memref<128x24xf32, #tpu.memory_space<vmem>>, vector<128x1xf32>
    %get3A_155 = vector.shape_cast %get3A_154 : vector<128x1xf32> to vector<128xf32>
    %broadcast_in_dim3A_156 = vector.shape_cast %get3A_155 : vector<128xf32> to vector<128x1xf32>
    %sub3A_157 = vector.broadcast %broadcast_in_dim3A_156 : vector<128x1xf32> to vector<128x512xf32>
    %sub3A_158 = vector.broadcast %get3A_1 : vector<1x512xf32> to vector<128x512xf32>
    %sub3A_159 = arith.subf %sub3A_157, %sub3A_158 : vector<128x512xf32>
    %get3A_160 = arith.constant 0 : index
    %get3A_161 = arith.constant 16 : index
    %get3A_162 = vector.load %arg1[%get3A_160, %get3A_161] : memref<128x24xf32, #tpu.memory_space<vmem>>, vector<128x1xf32>
    %get3A_163 = vector.shape_cast %get3A_162 : vector<128x1xf32> to vector<128xf32>
    %broadcast_in_dim3A_164 = vector.shape_cast %get3A_163 : vector<128xf32> to vector<128x1xf32>
    %sub3A_165 = vector.broadcast %broadcast_in_dim3A_164 : vector<128x1xf32> to vector<128x512xf32>
    %sub3A_166 = vector.broadcast %get3A_4 : vector<1x512xf32> to vector<128x512xf32>
    %sub3A_167 = arith.subf %sub3A_165, %sub3A_166 : vector<128x512xf32>
    %get3A_168 = arith.constant 0 : index
    %get3A_169 = arith.constant 17 : index
    %get3A_170 = vector.load %arg1[%get3A_168, %get3A_169] : memref<128x24xf32, #tpu.memory_space<vmem>>, vector<128x1xf32>
    %get3A_171 = vector.shape_cast %get3A_170 : vector<128x1xf32> to vector<128xf32>
    %broadcast_in_dim3A_172 = vector.shape_cast %get3A_171 : vector<128xf32> to vector<128x1xf32>
    %sub3A_173 = vector.broadcast %broadcast_in_dim3A_172 : vector<128x1xf32> to vector<128x512xf32>
    %sub3A_174 = vector.broadcast %get3A_7 : vector<1x512xf32> to vector<128x512xf32>
    %sub3A_175 = arith.subf %sub3A_173, %sub3A_174 : vector<128x512xf32>
    %mul3A_176 = arith.mulf %sub3A_159, %sub3A_159 : vector<128x512xf32>
    %mul3A_177 = arith.mulf %sub3A_167, %sub3A_167 : vector<128x512xf32>
    %add3A_178 = arith.addf %mul3A_176, %mul3A_177 : vector<128x512xf32>
    %mul3A_179 = arith.mulf %sub3A_175, %sub3A_175 : vector<128x512xf32>
    %add3A_180 = arith.addf %add3A_178, %mul3A_179 : vector<128x512xf32>
    %min3A_181 = arith.minimumf %min3A_151, %add3A_180 : vector<128x512xf32>
    %get3A_182 = arith.constant 0 : index
    %get3A_183 = arith.constant 18 : index
    %get3A_184 = vector.load %arg1[%get3A_182, %get3A_183] : memref<128x24xf32, #tpu.memory_space<vmem>>, vector<128x1xf32>
    %get3A_185 = vector.shape_cast %get3A_184 : vector<128x1xf32> to vector<128xf32>
    %broadcast_in_dim3A_186 = vector.shape_cast %get3A_185 : vector<128xf32> to vector<128x1xf32>
    %sub3A_187 = vector.broadcast %broadcast_in_dim3A_186 : vector<128x1xf32> to vector<128x512xf32>
    %sub3A_188 = vector.broadcast %get3A_1 : vector<1x512xf32> to vector<128x512xf32>
    %sub3A_189 = arith.subf %sub3A_187, %sub3A_188 : vector<128x512xf32>
    %get3A_190 = arith.constant 0 : index
    %get3A_191 = arith.constant 19 : index
    %get3A_192 = vector.load %arg1[%get3A_190, %get3A_191] : memref<128x24xf32, #tpu.memory_space<vmem>>, vector<128x1xf32>
    %get3A_193 = vector.shape_cast %get3A_192 : vector<128x1xf32> to vector<128xf32>
    %broadcast_in_dim3A_194 = vector.shape_cast %get3A_193 : vector<128xf32> to vector<128x1xf32>
    %sub3A_195 = vector.broadcast %broadcast_in_dim3A_194 : vector<128x1xf32> to vector<128x512xf32>
    %sub3A_196 = vector.broadcast %get3A_4 : vector<1x512xf32> to vector<128x512xf32>
    %sub3A_197 = arith.subf %sub3A_195, %sub3A_196 : vector<128x512xf32>
    %get3A_198 = arith.constant 0 : index
    %get3A_199 = arith.constant 20 : index
    %get3A_200 = vector.load %arg1[%get3A_198, %get3A_199] : memref<128x24xf32, #tpu.memory_space<vmem>>, vector<128x1xf32>
    %get3A_201 = vector.shape_cast %get3A_200 : vector<128x1xf32> to vector<128xf32>
    %broadcast_in_dim3A_202 = vector.shape_cast %get3A_201 : vector<128xf32> to vector<128x1xf32>
    %sub3A_203 = vector.broadcast %broadcast_in_dim3A_202 : vector<128x1xf32> to vector<128x512xf32>
    %sub3A_204 = vector.broadcast %get3A_7 : vector<1x512xf32> to vector<128x512xf32>
    %sub3A_205 = arith.subf %sub3A_203, %sub3A_204 : vector<128x512xf32>
    %mul3A_206 = arith.mulf %sub3A_189, %sub3A_189 : vector<128x512xf32>
    %mul3A_207 = arith.mulf %sub3A_197, %sub3A_197 : vector<128x512xf32>
    %add3A_208 = arith.addf %mul3A_206, %mul3A_207 : vector<128x512xf32>
    %mul3A_209 = arith.mulf %sub3A_205, %sub3A_205 : vector<128x512xf32>
    %add3A_210 = arith.addf %add3A_208, %mul3A_209 : vector<128x512xf32>
    %min3A_211 = arith.minimumf %min3A_181, %add3A_210 : vector<128x512xf32>
    %get3A_212 = arith.constant 0 : index
    %get3A_213 = arith.constant 21 : index
    %get3A_214 = vector.load %arg1[%get3A_212, %get3A_213] : memref<128x24xf32, #tpu.memory_space<vmem>>, vector<128x1xf32>
    %get3A_215 = vector.shape_cast %get3A_214 : vector<128x1xf32> to vector<128xf32>
    %broadcast_in_dim3A_216 = vector.shape_cast %get3A_215 : vector<128xf32> to vector<128x1xf32>
    %sub3A_217 = vector.broadcast %broadcast_in_dim3A_216 : vector<128x1xf32> to vector<128x512xf32>
    %sub3A_218 = vector.broadcast %get3A_1 : vector<1x512xf32> to vector<128x512xf32>
    %sub3A_219 = arith.subf %sub3A_217, %sub3A_218 : vector<128x512xf32>
    %get3A_220 = arith.constant 0 : index
    %get3A_221 = arith.constant 22 : index
    %get3A_222 = vector.load %arg1[%get3A_220, %get3A_221] : memref<128x24xf32, #tpu.memory_space<vmem>>, vector<128x1xf32>
    %get3A_223 = vector.shape_cast %get3A_222 : vector<128x1xf32> to vector<128xf32>
    %broadcast_in_dim3A_224 = vector.shape_cast %get3A_223 : vector<128xf32> to vector<128x1xf32>
    %sub3A_225 = vector.broadcast %broadcast_in_dim3A_224 : vector<128x1xf32> to vector<128x512xf32>
    %sub3A_226 = vector.broadcast %get3A_4 : vector<1x512xf32> to vector<128x512xf32>
    %sub3A_227 = arith.subf %sub3A_225, %sub3A_226 : vector<128x512xf32>
    %get3A_228 = arith.constant 0 : index
    %get3A_229 = arith.constant 23 : index
    %get3A_230 = vector.load %arg1[%get3A_228, %get3A_229] : memref<128x24xf32, #tpu.memory_space<vmem>>, vector<128x1xf32>
    %get3A_231 = vector.shape_cast %get3A_230 : vector<128x1xf32> to vector<128xf32>
    %broadcast_in_dim3A_232 = vector.shape_cast %get3A_231 : vector<128xf32> to vector<128x1xf32>
    %sub3A_233 = vector.broadcast %broadcast_in_dim3A_232 : vector<128x1xf32> to vector<128x512xf32>
    %sub3A_234 = vector.broadcast %get3A_7 : vector<1x512xf32> to vector<128x512xf32>
    %sub3A_235 = arith.subf %sub3A_233, %sub3A_234 : vector<128x512xf32>
    %mul3A_236 = arith.mulf %sub3A_219, %sub3A_219 : vector<128x512xf32>
    %mul3A_237 = arith.mulf %sub3A_227, %sub3A_227 : vector<128x512xf32>
    %add3A_238 = arith.addf %mul3A_236, %mul3A_237 : vector<128x512xf32>
    %mul3A_239 = arith.mulf %sub3A_235, %sub3A_235 : vector<128x512xf32>
    %add3A_240 = arith.addf %add3A_238, %mul3A_239 : vector<128x512xf32>
    %min3A_241 = arith.minimumf %min3A_211, %add3A_240 : vector<128x512xf32>
    %reduce_min3A = arith.constant dense<0x7F800000> : vector<128xf32>
    %reduce_min3A_242 = vector.multi_reduction <minimumf>, %min3A_241, %reduce_min3A [1] : vector<128x512xf32> to vector<128xf32>
    %broadcast_in_dim3A_243 = vector.shape_cast %reduce_min3A_242 : vector<128xf32> to vector<128x1xf32>
    %iota3A = tpu.iota {dimensions = array<i32: 1>} : vector<128x512xi32>
    %add3A_244 = arith.constant 0 : i32
    %add3A_245 = vector.broadcast %add3A_244 : i32 to vector<128x512xi32>
    %add3A_246 = arith.addi %iota3A, %add3A_245 : vector<128x512xi32>
    %eq3A = vector.broadcast %broadcast_in_dim3A_243 : vector<128x1xf32> to vector<128x512xf32>
    %eq3A_247 = arith.cmpf oeq, %min3A_241, %eq3A : vector<128x512xf32>
    %jit3A = arith.constant 4096 : i32
    %broadcast_in_dim3A_248 = vector.broadcast %jit3A : i32 to vector<128x512xi32>
    %select_n3A = arith.select %eq3A_247, %add3A_246, %broadcast_in_dim3A_248 : vector<128x512xi1>, vector<128x512xi32>
    %reduce_min3A_249 = arith.constant dense<2147483647> : vector<128xi32>
    %reduce_min3A_250 = vector.multi_reduction <minsi>, %select_n3A, %reduce_min3A_249 [1] : vector<128x512xi32> to vector<128xi32>
    %broadcast_in_dim3A_251 = vector.shape_cast %reduce_min3A_250 : vector<128xi32> to vector<128x1xi32>
    %get3A_252 = arith.constant 0 : index
    %get3A_253 = arith.constant 512 : index
    %get3A_254 = vector.load %arg2[%get3A_252, %get3A_253] : memref<3x4096xf32, #tpu.memory_space<vmem>>, vector<1x512xf32>
    %get3A_255 = arith.constant 1 : index
    %get3A_256 = arith.constant 512 : index
    %get3A_257 = vector.load %arg2[%get3A_255, %get3A_256] : memref<3x4096xf32, #tpu.memory_space<vmem>>, vector<1x512xf32>
    %get3A_258 = arith.constant 2 : index
    %get3A_259 = arith.constant 512 : index
    %get3A_260 = vector.load %arg2[%get3A_258, %get3A_259] : memref<3x4096xf32, #tpu.memory_space<vmem>>, vector<1x512xf32>
    %get3A_261 = arith.constant 0 : index
    %get3A_262 = arith.constant 0 : index
    %get3A_263 = vector.load %arg1[%get3A_261, %get3A_262] : memref<128x24xf32, #tpu.memory_space<vmem>>, vector<128x1xf32>
    %get3A_264 = vector.shape_cast %get3A_263 : vector<128x1xf32> to vector<128xf32>
    %broadcast_in_dim3A_265 = vector.shape_cast %get3A_264 : vector<128xf32> to vector<128x1xf32>
    %sub3A_266 = vector.broadcast %broadcast_in_dim3A_265 : vector<128x1xf32> to vector<128x512xf32>
    %sub3A_267 = vector.broadcast %get3A_254 : vector<1x512xf32> to vector<128x512xf32>
    %sub3A_268 = arith.subf %sub3A_266, %sub3A_267 : vector<128x512xf32>
    %get3A_269 = arith.constant 0 : index
    %get3A_270 = arith.constant 1 : index
    %get3A_271 = vector.load %arg1[%get3A_269, %get3A_270] : memref<128x24xf32, #tpu.memory_space<vmem>>, vector<128x1xf32>
    %get3A_272 = vector.shape_cast %get3A_271 : vector<128x1xf32> to vector<128xf32>
    %broadcast_in_dim3A_273 = vector.shape_cast %get3A_272 : vector<128xf32> to vector<128x1xf32>
    %sub3A_274 = vector.broadcast %broadcast_in_dim3A_273 : vector<128x1xf32> to vector<128x512xf32>
    %sub3A_275 = vector.broadcast %get3A_257 : vector<1x512xf32> to vector<128x512xf32>
    %sub3A_276 = arith.subf %sub3A_274, %sub3A_275 : vector<128x512xf32>
    %get3A_277 = arith.constant 0 : index
    %get3A_278 = arith.constant 2 : index
    %get3A_279 = vector.load %arg1[%get3A_277, %get3A_278] : memref<128x24xf32, #tpu.memory_space<vmem>>, vector<128x1xf32>
    %get3A_280 = vector.shape_cast %get3A_279 : vector<128x1xf32> to vector<128xf32>
    %broadcast_in_dim3A_281 = vector.shape_cast %get3A_280 : vector<128xf32> to vector<128x1xf32>
    %sub3A_282 = vector.broadcast %broadcast_in_dim3A_281 : vector<128x1xf32> to vector<128x512xf32>
    %sub3A_283 = vector.broadcast %get3A_260 : vector<1x512xf32> to vector<128x512xf32>
    %sub3A_284 = arith.subf %sub3A_282, %sub3A_283 : vector<128x512xf32>
    %mul3A_285 = arith.mulf %sub3A_268, %sub3A_268 : vector<128x512xf32>
    %mul3A_286 = arith.mulf %sub3A_276, %sub3A_276 : vector<128x512xf32>
    %add3A_287 = arith.addf %mul3A_285, %mul3A_286 : vector<128x512xf32>
    %mul3A_288 = arith.mulf %sub3A_284, %sub3A_284 : vector<128x512xf32>
    %add3A_289 = arith.addf %add3A_287, %mul3A_288 : vector<128x512xf32>
    %get3A_290 = arith.constant 0 : index
    %get3A_291 = arith.constant 3 : index
    %get3A_292 = vector.load %arg1[%get3A_290, %get3A_291] : memref<128x24xf32, #tpu.memory_space<vmem>>, vector<128x1xf32>
    %get3A_293 = vector.shape_cast %get3A_292 : vector<128x1xf32> to vector<128xf32>
    %broadcast_in_dim3A_294 = vector.shape_cast %get3A_293 : vector<128xf32> to vector<128x1xf32>
    %sub3A_295 = vector.broadcast %broadcast_in_dim3A_294 : vector<128x1xf32> to vector<128x512xf32>
    %sub3A_296 = vector.broadcast %get3A_254 : vector<1x512xf32> to vector<128x512xf32>
    %sub3A_297 = arith.subf %sub3A_295, %sub3A_296 : vector<128x512xf32>
    %get3A_298 = arith.constant 0 : index
    %get3A_299 = arith.constant 4 : index
    %get3A_300 = vector.load %arg1[%get3A_298, %get3A_299] : memref<128x24xf32, #tpu.memory_space<vmem>>, vector<128x1xf32>
    %get3A_301 = vector.shape_cast %get3A_300 : vector<128x1xf32> to vector<128xf32>
    %broadcast_in_dim3A_302 = vector.shape_cast %get3A_301 : vector<128xf32> to vector<128x1xf32>
    %sub3A_303 = vector.broadcast %broadcast_in_dim3A_302 : vector<128x1xf32> to vector<128x512xf32>
    %sub3A_304 = vector.broadcast %get3A_257 : vector<1x512xf32> to vector<128x512xf32>
    %sub3A_305 = arith.subf %sub3A_303, %sub3A_304 : vector<128x512xf32>
    %get3A_306 = arith.constant 0 : index
    %get3A_307 = arith.constant 5 : index
    %get3A_308 = vector.load %arg1[%get3A_306, %get3A_307] : memref<128x24xf32, #tpu.memory_space<vmem>>, vector<128x1xf32>
    %get3A_309 = vector.shape_cast %get3A_308 : vector<128x1xf32> to vector<128xf32>
    %broadcast_in_dim3A_310 = vector.shape_cast %get3A_309 : vector<128xf32> to vector<128x1xf32>
    %sub3A_311 = vector.broadcast %broadcast_in_dim3A_310 : vector<128x1xf32> to vector<128x512xf32>
    %sub3A_312 = vector.broadcast %get3A_260 : vector<1x512xf32> to vector<128x512xf32>
    %sub3A_313 = arith.subf %sub3A_311, %sub3A_312 : vector<128x512xf32>
    %mul3A_314 = arith.mulf %sub3A_297, %sub3A_297 : vector<128x512xf32>
    %mul3A_315 = arith.mulf %sub3A_305, %sub3A_305 : vector<128x512xf32>
    %add3A_316 = arith.addf %mul3A_314, %mul3A_315 : vector<128x512xf32>
    %mul3A_317 = arith.mulf %sub3A_313, %sub3A_313 : vector<128x512xf32>
    %add3A_318 = arith.addf %add3A_316, %mul3A_317 : vector<128x512xf32>
    %min3A_319 = arith.minimumf %add3A_289, %add3A_318 : vector<128x512xf32>
    %get3A_320 = arith.constant 0 : index
    %get3A_321 = arith.constant 6 : index
    %get3A_322 = vector.load %arg1[%get3A_320, %get3A_321] : memref<128x24xf32, #tpu.memory_space<vmem>>, vector<128x1xf32>
    %get3A_323 = vector.shape_cast %get3A_322 : vector<128x1xf32> to vector<128xf32>
    %broadcast_in_dim3A_324 = vector.shape_cast %get3A_323 : vector<128xf32> to vector<128x1xf32>
    %sub3A_325 = vector.broadcast %broadcast_in_dim3A_324 : vector<128x1xf32> to vector<128x512xf32>
    %sub3A_326 = vector.broadcast %get3A_254 : vector<1x512xf32> to vector<128x512xf32>
    %sub3A_327 = arith.subf %sub3A_325, %sub3A_326 : vector<128x512xf32>
    %get3A_328 = arith.constant 0 : index
    %get3A_329 = arith.constant 7 : index
    %get3A_330 = vector.load %arg1[%get3A_328, %get3A_329] : memref<128x24xf32, #tpu.memory_space<vmem>>, vector<128x1xf32>
    %get3A_331 = vector.shape_cast %get3A_330 : vector<128x1xf32> to vector<128xf32>
    %broadcast_in_dim3A_332 = vector.shape_cast %get3A_331 : vector<128xf32> to vector<128x1xf32>
    %sub3A_333 = vector.broadcast %broadcast_in_dim3A_332 : vector<128x1xf32> to vector<128x512xf32>
    %sub3A_334 = vector.broadcast %get3A_257 : vector<1x512xf32> to vector<128x512xf32>
    %sub3A_335 = arith.subf %sub3A_333, %sub3A_334 : vector<128x512xf32>
    %get3A_336 = arith.constant 0 : index
    %get3A_337 = arith.constant 8 : index
    %get3A_338 = vector.load %arg1[%get3A_336, %get3A_337] : memref<128x24xf32, #tpu.memory_space<vmem>>, vector<128x1xf32>
    %get3A_339 = vector.shape_cast %get3A_338 : vector<128x1xf32> to vector<128xf32>
    %broadcast_in_dim3A_340 = vector.shape_cast %get3A_339 : vector<128xf32> to vector<128x1xf32>
    %sub3A_341 = vector.broadcast %broadcast_in_dim3A_340 : vector<128x1xf32> to vector<128x512xf32>
    %sub3A_342 = vector.broadcast %get3A_260 : vector<1x512xf32> to vector<128x512xf32>
    %sub3A_343 = arith.subf %sub3A_341, %sub3A_342 : vector<128x512xf32>
    %mul3A_344 = arith.mulf %sub3A_327, %sub3A_327 : vector<128x512xf32>
    %mul3A_345 = arith.mulf %sub3A_335, %sub3A_335 : vector<128x512xf32>
    %add3A_346 = arith.addf %mul3A_344, %mul3A_345 : vector<128x512xf32>
    %mul3A_347 = arith.mulf %sub3A_343, %sub3A_343 : vector<128x512xf32>
    %add3A_348 = arith.addf %add3A_346, %mul3A_347 : vector<128x512xf32>
    %min3A_349 = arith.minimumf %min3A_319, %add3A_348 : vector<128x512xf32>
    %get3A_350 = arith.constant 0 : index
    %get3A_351 = arith.constant 9 : index
    %get3A_352 = vector.load %arg1[%get3A_350, %get3A_351] : memref<128x24xf32, #tpu.memory_space<vmem>>, vector<128x1xf32>
    %get3A_353 = vector.shape_cast %get3A_352 : vector<128x1xf32> to vector<128xf32>
    %broadcast_in_dim3A_354 = vector.shape_cast %get3A_353 : vector<128xf32> to vector<128x1xf32>
    %sub3A_355 = vector.broadcast %broadcast_in_dim3A_354 : vector<128x1xf32> to vector<128x512xf32>
    %sub3A_356 = vector.broadcast %get3A_254 : vector<1x512xf32> to vector<128x512xf32>
    %sub3A_357 = arith.subf %sub3A_355, %sub3A_356 : vector<128x512xf32>
    %get3A_358 = arith.constant 0 : index
    %get3A_359 = arith.constant 10 : index
    %get3A_360 = vector.load %arg1[%get3A_358, %get3A_359] : memref<128x24xf32, #tpu.memory_space<vmem>>, vector<128x1xf32>
    %get3A_361 = vector.shape_cast %get3A_360 : vector<128x1xf32> to vector<128xf32>
    %broadcast_in_dim3A_362 = vector.shape_cast %get3A_361 : vector<128xf32> to vector<128x1xf32>
    %sub3A_363 = vector.broadcast %broadcast_in_dim3A_362 : vector<128x1xf32> to vector<128x512xf32>
    %sub3A_364 = vector.broadcast %get3A_257 : vector<1x512xf32> to vector<128x512xf32>
    %sub3A_365 = arith.subf %sub3A_363, %sub3A_364 : vector<128x512xf32>
    %get3A_366 = arith.constant 0 : index
    %get3A_367 = arith.constant 11 : index
    %get3A_368 = vector.load %arg1[%get3A_366, %get3A_367] : memref<128x24xf32, #tpu.memory_space<vmem>>, vector<128x1xf32>
    %get3A_369 = vector.shape_cast %get3A_368 : vector<128x1xf32> to vector<128xf32>
    %broadcast_in_dim3A_370 = vector.shape_cast %get3A_369 : vector<128xf32> to vector<128x1xf32>
    %sub3A_371 = vector.broadcast %broadcast_in_dim3A_370 : vector<128x1xf32> to vector<128x512xf32>
    %sub3A_372 = vector.broadcast %get3A_260 : vector<1x512xf32> to vector<128x512xf32>
    %sub3A_373 = arith.subf %sub3A_371, %sub3A_372 : vector<128x512xf32>
    %mul3A_374 = arith.mulf %sub3A_357, %sub3A_357 : vector<128x512xf32>
    %mul3A_375 = arith.mulf %sub3A_365, %sub3A_365 : vector<128x512xf32>
    %add3A_376 = arith.addf %mul3A_374, %mul3A_375 : vector<128x512xf32>
    %mul3A_377 = arith.mulf %sub3A_373, %sub3A_373 : vector<128x512xf32>
    %add3A_378 = arith.addf %add3A_376, %mul3A_377 : vector<128x512xf32>
    %min3A_379 = arith.minimumf %min3A_349, %add3A_378 : vector<128x512xf32>
    %get3A_380 = arith.constant 0 : index
    %get3A_381 = arith.constant 12 : index
    %get3A_382 = vector.load %arg1[%get3A_380, %get3A_381] : memref<128x24xf32, #tpu.memory_space<vmem>>, vector<128x1xf32>
    %get3A_383 = vector.shape_cast %get3A_382 : vector<128x1xf32> to vector<128xf32>
    %broadcast_in_dim3A_384 = vector.shape_cast %get3A_383 : vector<128xf32> to vector<128x1xf32>
    %sub3A_385 = vector.broadcast %broadcast_in_dim3A_384 : vector<128x1xf32> to vector<128x512xf32>
    %sub3A_386 = vector.broadcast %get3A_254 : vector<1x512xf32> to vector<128x512xf32>
    %sub3A_387 = arith.subf %sub3A_385, %sub3A_386 : vector<128x512xf32>
    %get3A_388 = arith.constant 0 : index
    %get3A_389 = arith.constant 13 : index
    %get3A_390 = vector.load %arg1[%get3A_388, %get3A_389] : memref<128x24xf32, #tpu.memory_space<vmem>>, vector<128x1xf32>
    %get3A_391 = vector.shape_cast %get3A_390 : vector<128x1xf32> to vector<128xf32>
    %broadcast_in_dim3A_392 = vector.shape_cast %get3A_391 : vector<128xf32> to vector<128x1xf32>
    %sub3A_393 = vector.broadcast %broadcast_in_dim3A_392 : vector<128x1xf32> to vector<128x512xf32>
    %sub3A_394 = vector.broadcast %get3A_257 : vector<1x512xf32> to vector<128x512xf32>
    %sub3A_395 = arith.subf %sub3A_393, %sub3A_394 : vector<128x512xf32>
    %get3A_396 = arith.constant 0 : index
    %get3A_397 = arith.constant 14 : index
    %get3A_398 = vector.load %arg1[%get3A_396, %get3A_397] : memref<128x24xf32, #tpu.memory_space<vmem>>, vector<128x1xf32>
    %get3A_399 = vector.shape_cast %get3A_398 : vector<128x1xf32> to vector<128xf32>
    %broadcast_in_dim3A_400 = vector.shape_cast %get3A_399 : vector<128xf32> to vector<128x1xf32>
    %sub3A_401 = vector.broadcast %broadcast_in_dim3A_400 : vector<128x1xf32> to vector<128x512xf32>
    %sub3A_402 = vector.broadcast %get3A_260 : vector<1x512xf32> to vector<128x512xf32>
    %sub3A_403 = arith.subf %sub3A_401, %sub3A_402 : vector<128x512xf32>
    %mul3A_404 = arith.mulf %sub3A_387, %sub3A_387 : vector<128x512xf32>
    %mul3A_405 = arith.mulf %sub3A_395, %sub3A_395 : vector<128x512xf32>
    %add3A_406 = arith.addf %mul3A_404, %mul3A_405 : vector<128x512xf32>
    %mul3A_407 = arith.mulf %sub3A_403, %sub3A_403 : vector<128x512xf32>
    %add3A_408 = arith.addf %add3A_406, %mul3A_407 : vector<128x512xf32>
    %min3A_409 = arith.minimumf %min3A_379, %add3A_408 : vector<128x512xf32>
    %get3A_410 = arith.constant 0 : index
    %get3A_411 = arith.constant 15 : index
    %get3A_412 = vector.load %arg1[%get3A_410, %get3A_411] : memref<128x24xf32, #tpu.memory_space<vmem>>, vector<128x1xf32>
    %get3A_413 = vector.shape_cast %get3A_412 : vector<128x1xf32> to vector<128xf32>
    %broadcast_in_dim3A_414 = vector.shape_cast %get3A_413 : vector<128xf32> to vector<128x1xf32>
    %sub3A_415 = vector.broadcast %broadcast_in_dim3A_414 : vector<128x1xf32> to vector<128x512xf32>
    %sub3A_416 = vector.broadcast %get3A_254 : vector<1x512xf32> to vector<128x512xf32>
    %sub3A_417 = arith.subf %sub3A_415, %sub3A_416 : vector<128x512xf32>
    %get3A_418 = arith.constant 0 : index
    %get3A_419 = arith.constant 16 : index
    %get3A_420 = vector.load %arg1[%get3A_418, %get3A_419] : memref<128x24xf32, #tpu.memory_space<vmem>>, vector<128x1xf32>
    %get3A_421 = vector.shape_cast %get3A_420 : vector<128x1xf32> to vector<128xf32>
    %broadcast_in_dim3A_422 = vector.shape_cast %get3A_421 : vector<128xf32> to vector<128x1xf32>
    %sub3A_423 = vector.broadcast %broadcast_in_dim3A_422 : vector<128x1xf32> to vector<128x512xf32>
    %sub3A_424 = vector.broadcast %get3A_257 : vector<1x512xf32> to vector<128x512xf32>
    %sub3A_425 = arith.subf %sub3A_423, %sub3A_424 : vector<128x512xf32>
    %get3A_426 = arith.constant 0 : index
    %get3A_427 = arith.constant 17 : index
    %get3A_428 = vector.load %arg1[%get3A_426, %get3A_427] : memref<128x24xf32, #tpu.memory_space<vmem>>, vector<128x1xf32>
    %get3A_429 = vector.shape_cast %get3A_428 : vector<128x1xf32> to vector<128xf32>
    %broadcast_in_dim3A_430 = vector.shape_cast %get3A_429 : vector<128xf32> to vector<128x1xf32>
    %sub3A_431 = vector.broadcast %broadcast_in_dim3A_430 : vector<128x1xf32> to vector<128x512xf32>
    %sub3A_432 = vector.broadcast %get3A_260 : vector<1x512xf32> to vector<128x512xf32>
    %sub3A_433 = arith.subf %sub3A_431, %sub3A_432 : vector<128x512xf32>
    %mul3A_434 = arith.mulf %sub3A_417, %sub3A_417 : vector<128x512xf32>
    %mul3A_435 = arith.mulf %sub3A_425, %sub3A_425 : vector<128x512xf32>
    %add3A_436 = arith.addf %mul3A_434, %mul3A_435 : vector<128x512xf32>
    %mul3A_437 = arith.mulf %sub3A_433, %sub3A_433 : vector<128x512xf32>
    %add3A_438 = arith.addf %add3A_436, %mul3A_437 : vector<128x512xf32>
    %min3A_439 = arith.minimumf %min3A_409, %add3A_438 : vector<128x512xf32>
    %get3A_440 = arith.constant 0 : index
    %get3A_441 = arith.constant 18 : index
    %get3A_442 = vector.load %arg1[%get3A_440, %get3A_441] : memref<128x24xf32, #tpu.memory_space<vmem>>, vector<128x1xf32>
    %get3A_443 = vector.shape_cast %get3A_442 : vector<128x1xf32> to vector<128xf32>
    %broadcast_in_dim3A_444 = vector.shape_cast %get3A_443 : vector<128xf32> to vector<128x1xf32>
    %sub3A_445 = vector.broadcast %broadcast_in_dim3A_444 : vector<128x1xf32> to vector<128x512xf32>
    %sub3A_446 = vector.broadcast %get3A_254 : vector<1x512xf32> to vector<128x512xf32>
    %sub3A_447 = arith.subf %sub3A_445, %sub3A_446 : vector<128x512xf32>
    %get3A_448 = arith.constant 0 : index
    %get3A_449 = arith.constant 19 : index
    %get3A_450 = vector.load %arg1[%get3A_448, %get3A_449] : memref<128x24xf32, #tpu.memory_space<vmem>>, vector<128x1xf32>
    %get3A_451 = vector.shape_cast %get3A_450 : vector<128x1xf32> to vector<128xf32>
    %broadcast_in_dim3A_452 = vector.shape_cast %get3A_451 : vector<128xf32> to vector<128x1xf32>
    %sub3A_453 = vector.broadcast %broadcast_in_dim3A_452 : vector<128x1xf32> to vector<128x512xf32>
    %sub3A_454 = vector.broadcast %get3A_257 : vector<1x512xf32> to vector<128x512xf32>
    %sub3A_455 = arith.subf %sub3A_453, %sub3A_454 : vector<128x512xf32>
    %get3A_456 = arith.constant 0 : index
    %get3A_457 = arith.constant 20 : index
    %get3A_458 = vector.load %arg1[%get3A_456, %get3A_457] : memref<128x24xf32, #tpu.memory_space<vmem>>, vector<128x1xf32>
    %get3A_459 = vector.shape_cast %get3A_458 : vector<128x1xf32> to vector<128xf32>
    %broadcast_in_dim3A_460 = vector.shape_cast %get3A_459 : vector<128xf32> to vector<128x1xf32>
    %sub3A_461 = vector.broadcast %broadcast_in_dim3A_460 : vector<128x1xf32> to vector<128x512xf32>
    %sub3A_462 = vector.broadcast %get3A_260 : vector<1x512xf32> to vector<128x512xf32>
    %sub3A_463 = arith.subf %sub3A_461, %sub3A_462 : vector<128x512xf32>
    %mul3A_464 = arith.mulf %sub3A_447, %sub3A_447 : vector<128x512xf32>
    %mul3A_465 = arith.mulf %sub3A_455, %sub3A_455 : vector<128x512xf32>
    %add3A_466 = arith.addf %mul3A_464, %mul3A_465 : vector<128x512xf32>
    %mul3A_467 = arith.mulf %sub3A_463, %sub3A_463 : vector<128x512xf32>
    %add3A_468 = arith.addf %add3A_466, %mul3A_467 : vector<128x512xf32>
    %min3A_469 = arith.minimumf %min3A_439, %add3A_468 : vector<128x512xf32>
    %get3A_470 = arith.constant 0 : index
    %get3A_471 = arith.constant 21 : index
    %get3A_472 = vector.load %arg1[%get3A_470, %get3A_471] : memref<128x24xf32, #tpu.memory_space<vmem>>, vector<128x1xf32>
    %get3A_473 = vector.shape_cast %get3A_472 : vector<128x1xf32> to vector<128xf32>
    %broadcast_in_dim3A_474 = vector.shape_cast %get3A_473 : vector<128xf32> to vector<128x1xf32>
    %sub3A_475 = vector.broadcast %broadcast_in_dim3A_474 : vector<128x1xf32> to vector<128x512xf32>
    %sub3A_476 = vector.broadcast %get3A_254 : vector<1x512xf32> to vector<128x512xf32>
    %sub3A_477 = arith.subf %sub3A_475, %sub3A_476 : vector<128x512xf32>
    %get3A_478 = arith.constant 0 : index
    %get3A_479 = arith.constant 22 : index
    %get3A_480 = vector.load %arg1[%get3A_478, %get3A_479] : memref<128x24xf32, #tpu.memory_space<vmem>>, vector<128x1xf32>
    %get3A_481 = vector.shape_cast %get3A_480 : vector<128x1xf32> to vector<128xf32>
    %broadcast_in_dim3A_482 = vector.shape_cast %get3A_481 : vector<128xf32> to vector<128x1xf32>
    %sub3A_483 = vector.broadcast %broadcast_in_dim3A_482 : vector<128x1xf32> to vector<128x512xf32>
    %sub3A_484 = vector.broadcast %get3A_257 : vector<1x512xf32> to vector<128x512xf32>
    %sub3A_485 = arith.subf %sub3A_483, %sub3A_484 : vector<128x512xf32>
    %get3A_486 = arith.constant 0 : index
    %get3A_487 = arith.constant 23 : index
    %get3A_488 = vector.load %arg1[%get3A_486, %get3A_487] : memref<128x24xf32, #tpu.memory_space<vmem>>, vector<128x1xf32>
    %get3A_489 = vector.shape_cast %get3A_488 : vector<128x1xf32> to vector<128xf32>
    %broadcast_in_dim3A_490 = vector.shape_cast %get3A_489 : vector<128xf32> to vector<128x1xf32>
    %sub3A_491 = vector.broadcast %broadcast_in_dim3A_490 : vector<128x1xf32> to vector<128x512xf32>
    %sub3A_492 = vector.broadcast %get3A_260 : vector<1x512xf32> to vector<128x512xf32>
    %sub3A_493 = arith.subf %sub3A_491, %sub3A_492 : vector<128x512xf32>
    %mul3A_494 = arith.mulf %sub3A_477, %sub3A_477 : vector<128x512xf32>
    %mul3A_495 = arith.mulf %sub3A_485, %sub3A_485 : vector<128x512xf32>
    %add3A_496 = arith.addf %mul3A_494, %mul3A_495 : vector<128x512xf32>
    %mul3A_497 = arith.mulf %sub3A_493, %sub3A_493 : vector<128x512xf32>
    %add3A_498 = arith.addf %add3A_496, %mul3A_497 : vector<128x512xf32>
    %min3A_499 = arith.minimumf %min3A_469, %add3A_498 : vector<128x512xf32>
    %reduce_min3A_500 = arith.constant dense<0x7F800000> : vector<128xf32>
    %reduce_min3A_501 = vector.multi_reduction <minimumf>, %min3A_499, %reduce_min3A_500 [1] : vector<128x512xf32> to vector<128xf32>
    %broadcast_in_dim3A_502 = vector.shape_cast %reduce_min3A_501 : vector<128xf32> to vector<128x1xf32>
    %iota3A_503 = tpu.iota {dimensions = array<i32: 1>} : vector<128x512xi32>
    %add3A_504 = arith.constant 512 : i32
    %add3A_505 = vector.broadcast %add3A_504 : i32 to vector<128x512xi32>
    %add3A_506 = arith.addi %iota3A_503, %add3A_505 : vector<128x512xi32>
    %eq3A_507 = vector.broadcast %broadcast_in_dim3A_502 : vector<128x1xf32> to vector<128x512xf32>
    %eq3A_508 = arith.cmpf oeq, %min3A_499, %eq3A_507 : vector<128x512xf32>
    %jit3A_509 = arith.constant 4096 : i32
    %broadcast_in_dim3A_510 = vector.broadcast %jit3A_509 : i32 to vector<128x512xi32>
    %select_n3A_511 = arith.select %eq3A_508, %add3A_506, %broadcast_in_dim3A_510 : vector<128x512xi1>, vector<128x512xi32>
    %reduce_min3A_512 = arith.constant dense<2147483647> : vector<128xi32>
    %reduce_min3A_513 = vector.multi_reduction <minsi>, %select_n3A_511, %reduce_min3A_512 [1] : vector<128x512xi32> to vector<128xi32>
    %broadcast_in_dim3A_514 = vector.shape_cast %reduce_min3A_513 : vector<128xi32> to vector<128x1xi32>
    %lt3A = arith.cmpf olt, %broadcast_in_dim3A_502, %broadcast_in_dim3A_243 : vector<128x1xf32>
    %select_n3A_515 = arith.select %lt3A, %broadcast_in_dim3A_514, %broadcast_in_dim3A_251 : vector<128x1xi1>, vector<128x1xi32>
    %select_n3A_516 = arith.select %lt3A, %broadcast_in_dim3A_502, %broadcast_in_dim3A_243 : vector<128x1xi1>, vector<128x1xf32>
    %get3A_517 = arith.constant 0 : index
    %get3A_518 = arith.constant 1024 : index
    %get3A_519 = vector.load %arg2[%get3A_517, %get3A_518] : memref<3x4096xf32, #tpu.memory_space<vmem>>, vector<1x512xf32>
    %get3A_520 = arith.constant 1 : index
    %get3A_521 = arith.constant 1024 : index
    %get3A_522 = vector.load %arg2[%get3A_520, %get3A_521] : memref<3x4096xf32, #tpu.memory_space<vmem>>, vector<1x512xf32>
    %get3A_523 = arith.constant 2 : index
    %get3A_524 = arith.constant 1024 : index
    %get3A_525 = vector.load %arg2[%get3A_523, %get3A_524] : memref<3x4096xf32, #tpu.memory_space<vmem>>, vector<1x512xf32>
    %get3A_526 = arith.constant 0 : index
    %get3A_527 = arith.constant 0 : index
    %get3A_528 = vector.load %arg1[%get3A_526, %get3A_527] : memref<128x24xf32, #tpu.memory_space<vmem>>, vector<128x1xf32>
    %get3A_529 = vector.shape_cast %get3A_528 : vector<128x1xf32> to vector<128xf32>
    %broadcast_in_dim3A_530 = vector.shape_cast %get3A_529 : vector<128xf32> to vector<128x1xf32>
    %sub3A_531 = vector.broadcast %broadcast_in_dim3A_530 : vector<128x1xf32> to vector<128x512xf32>
    %sub3A_532 = vector.broadcast %get3A_519 : vector<1x512xf32> to vector<128x512xf32>
    %sub3A_533 = arith.subf %sub3A_531, %sub3A_532 : vector<128x512xf32>
    %get3A_534 = arith.constant 0 : index
    %get3A_535 = arith.constant 1 : index
    %get3A_536 = vector.load %arg1[%get3A_534, %get3A_535] : memref<128x24xf32, #tpu.memory_space<vmem>>, vector<128x1xf32>
    %get3A_537 = vector.shape_cast %get3A_536 : vector<128x1xf32> to vector<128xf32>
    %broadcast_in_dim3A_538 = vector.shape_cast %get3A_537 : vector<128xf32> to vector<128x1xf32>
    %sub3A_539 = vector.broadcast %broadcast_in_dim3A_538 : vector<128x1xf32> to vector<128x512xf32>
    %sub3A_540 = vector.broadcast %get3A_522 : vector<1x512xf32> to vector<128x512xf32>
    %sub3A_541 = arith.subf %sub3A_539, %sub3A_540 : vector<128x512xf32>
    %get3A_542 = arith.constant 0 : index
    %get3A_543 = arith.constant 2 : index
    %get3A_544 = vector.load %arg1[%get3A_542, %get3A_543] : memref<128x24xf32, #tpu.memory_space<vmem>>, vector<128x1xf32>
    %get3A_545 = vector.shape_cast %get3A_544 : vector<128x1xf32> to vector<128xf32>
    %broadcast_in_dim3A_546 = vector.shape_cast %get3A_545 : vector<128xf32> to vector<128x1xf32>
    %sub3A_547 = vector.broadcast %broadcast_in_dim3A_546 : vector<128x1xf32> to vector<128x512xf32>
    %sub3A_548 = vector.broadcast %get3A_525 : vector<1x512xf32> to vector<128x512xf32>
    %sub3A_549 = arith.subf %sub3A_547, %sub3A_548 : vector<128x512xf32>
    %mul3A_550 = arith.mulf %sub3A_533, %sub3A_533 : vector<128x512xf32>
    %mul3A_551 = arith.mulf %sub3A_541, %sub3A_541 : vector<128x512xf32>
    %add3A_552 = arith.addf %mul3A_550, %mul3A_551 : vector<128x512xf32>
    %mul3A_553 = arith.mulf %sub3A_549, %sub3A_549 : vector<128x512xf32>
    %add3A_554 = arith.addf %add3A_552, %mul3A_553 : vector<128x512xf32>
    %get3A_555 = arith.constant 0 : index
    %get3A_556 = arith.constant 3 : index
    %get3A_557 = vector.load %arg1[%get3A_555, %get3A_556] : memref<128x24xf32, #tpu.memory_space<vmem>>, vector<128x1xf32>
    %get3A_558 = vector.shape_cast %get3A_557 : vector<128x1xf32> to vector<128xf32>
    %broadcast_in_dim3A_559 = vector.shape_cast %get3A_558 : vector<128xf32> to vector<128x1xf32>
    %sub3A_560 = vector.broadcast %broadcast_in_dim3A_559 : vector<128x1xf32> to vector<128x512xf32>
    %sub3A_561 = vector.broadcast %get3A_519 : vector<1x512xf32> to vector<128x512xf32>
    %sub3A_562 = arith.subf %sub3A_560, %sub3A_561 : vector<128x512xf32>
    %get3A_563 = arith.constant 0 : index
    %get3A_564 = arith.constant 4 : index
    %get3A_565 = vector.load %arg1[%get3A_563, %get3A_564] : memref<128x24xf32, #tpu.memory_space<vmem>>, vector<128x1xf32>
    %get3A_566 = vector.shape_cast %get3A_565 : vector<128x1xf32> to vector<128xf32>
    %broadcast_in_dim3A_567 = vector.shape_cast %get3A_566 : vector<128xf32> to vector<128x1xf32>
    %sub3A_568 = vector.broadcast %broadcast_in_dim3A_567 : vector<128x1xf32> to vector<128x512xf32>
    %sub3A_569 = vector.broadcast %get3A_522 : vector<1x512xf32> to vector<128x512xf32>
    %sub3A_570 = arith.subf %sub3A_568, %sub3A_569 : vector<128x512xf32>
    %get3A_571 = arith.constant 0 : index
    %get3A_572 = arith.constant 5 : index
    %get3A_573 = vector.load %arg1[%get3A_571, %get3A_572] : memref<128x24xf32, #tpu.memory_space<vmem>>, vector<128x1xf32>
    %get3A_574 = vector.shape_cast %get3A_573 : vector<128x1xf32> to vector<128xf32>
    %broadcast_in_dim3A_575 = vector.shape_cast %get3A_574 : vector<128xf32> to vector<128x1xf32>
    %sub3A_576 = vector.broadcast %broadcast_in_dim3A_575 : vector<128x1xf32> to vector<128x512xf32>
    %sub3A_577 = vector.broadcast %get3A_525 : vector<1x512xf32> to vector<128x512xf32>
    %sub3A_578 = arith.subf %sub3A_576, %sub3A_577 : vector<128x512xf32>
    %mul3A_579 = arith.mulf %sub3A_562, %sub3A_562 : vector<128x512xf32>
    %mul3A_580 = arith.mulf %sub3A_570, %sub3A_570 : vector<128x512xf32>
    %add3A_581 = arith.addf %mul3A_579, %mul3A_580 : vector<128x512xf32>
    %mul3A_582 = arith.mulf %sub3A_578, %sub3A_578 : vector<128x512xf32>
    %add3A_583 = arith.addf %add3A_581, %mul3A_582 : vector<128x512xf32>
    %min3A_584 = arith.minimumf %add3A_554, %add3A_583 : vector<128x512xf32>
    %get3A_585 = arith.constant 0 : index
    %get3A_586 = arith.constant 6 : index
    %get3A_587 = vector.load %arg1[%get3A_585, %get3A_586] : memref<128x24xf32, #tpu.memory_space<vmem>>, vector<128x1xf32>
    %get3A_588 = vector.shape_cast %get3A_587 : vector<128x1xf32> to vector<128xf32>
    %broadcast_in_dim3A_589 = vector.shape_cast %get3A_588 : vector<128xf32> to vector<128x1xf32>
    %sub3A_590 = vector.broadcast %broadcast_in_dim3A_589 : vector<128x1xf32> to vector<128x512xf32>
    %sub3A_591 = vector.broadcast %get3A_519 : vector<1x512xf32> to vector<128x512xf32>
    %sub3A_592 = arith.subf %sub3A_590, %sub3A_591 : vector<128x512xf32>
    %get3A_593 = arith.constant 0 : index
    %get3A_594 = arith.constant 7 : index
    %get3A_595 = vector.load %arg1[%get3A_593, %get3A_594] : memref<128x24xf32, #tpu.memory_space<vmem>>, vector<128x1xf32>
    %get3A_596 = vector.shape_cast %get3A_595 : vector<128x1xf32> to vector<128xf32>
    %broadcast_in_dim3A_597 = vector.shape_cast %get3A_596 : vector<128xf32> to vector<128x1xf32>
    %sub3A_598 = vector.broadcast %broadcast_in_dim3A_597 : vector<128x1xf32> to vector<128x512xf32>
    %sub3A_599 = vector.broadcast %get3A_522 : vector<1x512xf32> to vector<128x512xf32>
    %sub3A_600 = arith.subf %sub3A_598, %sub3A_599 : vector<128x512xf32>
    %get3A_601 = arith.constant 0 : index
    %get3A_602 = arith.constant 8 : index
    %get3A_603 = vector.load %arg1[%get3A_601, %get3A_602] : memref<128x24xf32, #tpu.memory_space<vmem>>, vector<128x1xf32>
    %get3A_604 = vector.shape_cast %get3A_603 : vector<128x1xf32> to vector<128xf32>
    %broadcast_in_dim3A_605 = vector.shape_cast %get3A_604 : vector<128xf32> to vector<128x1xf32>
    %sub3A_606 = vector.broadcast %broadcast_in_dim3A_605 : vector<128x1xf32> to vector<128x512xf32>
    %sub3A_607 = vector.broadcast %get3A_525 : vector<1x512xf32> to vector<128x512xf32>
    %sub3A_608 = arith.subf %sub3A_606, %sub3A_607 : vector<128x512xf32>
    %mul3A_609 = arith.mulf %sub3A_592, %sub3A_592 : vector<128x512xf32>
    %mul3A_610 = arith.mulf %sub3A_600, %sub3A_600 : vector<128x512xf32>
    %add3A_611 = arith.addf %mul3A_609, %mul3A_610 : vector<128x512xf32>
    %mul3A_612 = arith.mulf %sub3A_608, %sub3A_608 : vector<128x512xf32>
    %add3A_613 = arith.addf %add3A_611, %mul3A_612 : vector<128x512xf32>
    %min3A_614 = arith.minimumf %min3A_584, %add3A_613 : vector<128x512xf32>
    %get3A_615 = arith.constant 0 : index
    %get3A_616 = arith.constant 9 : index
    %get3A_617 = vector.load %arg1[%get3A_615, %get3A_616] : memref<128x24xf32, #tpu.memory_space<vmem>>, vector<128x1xf32>
    %get3A_618 = vector.shape_cast %get3A_617 : vector<128x1xf32> to vector<128xf32>
    %broadcast_in_dim3A_619 = vector.shape_cast %get3A_618 : vector<128xf32> to vector<128x1xf32>
    %sub3A_620 = vector.broadcast %broadcast_in_dim3A_619 : vector<128x1xf32> to vector<128x512xf32>
    %sub3A_621 = vector.broadcast %get3A_519 : vector<1x512xf32> to vector<128x512xf32>
    %sub3A_622 = arith.subf %sub3A_620, %sub3A_621 : vector<128x512xf32>
    %get3A_623 = arith.constant 0 : index
    %get3A_624 = arith.constant 10 : index
    %get3A_625 = vector.load %arg1[%get3A_623, %get3A_624] : memref<128x24xf32, #tpu.memory_space<vmem>>, vector<128x1xf32>
    %get3A_626 = vector.shape_cast %get3A_625 : vector<128x1xf32> to vector<128xf32>
    %broadcast_in_dim3A_627 = vector.shape_cast %get3A_626 : vector<128xf32> to vector<128x1xf32>
    %sub3A_628 = vector.broadcast %broadcast_in_dim3A_627 : vector<128x1xf32> to vector<128x512xf32>
    %sub3A_629 = vector.broadcast %get3A_522 : vector<1x512xf32> to vector<128x512xf32>
    %sub3A_630 = arith.subf %sub3A_628, %sub3A_629 : vector<128x512xf32>
    %get3A_631 = arith.constant 0 : index
    %get3A_632 = arith.constant 11 : index
    %get3A_633 = vector.load %arg1[%get3A_631, %get3A_632] : memref<128x24xf32, #tpu.memory_space<vmem>>, vector<128x1xf32>
    %get3A_634 = vector.shape_cast %get3A_633 : vector<128x1xf32> to vector<128xf32>
    %broadcast_in_dim3A_635 = vector.shape_cast %get3A_634 : vector<128xf32> to vector<128x1xf32>
    %sub3A_636 = vector.broadcast %broadcast_in_dim3A_635 : vector<128x1xf32> to vector<128x512xf32>
    %sub3A_637 = vector.broadcast %get3A_525 : vector<1x512xf32> to vector<128x512xf32>
    %sub3A_638 = arith.subf %sub3A_636, %sub3A_637 : vector<128x512xf32>
    %mul3A_639 = arith.mulf %sub3A_622, %sub3A_622 : vector<128x512xf32>
    %mul3A_640 = arith.mulf %sub3A_630, %sub3A_630 : vector<128x512xf32>
    %add3A_641 = arith.addf %mul3A_639, %mul3A_640 : vector<128x512xf32>
    %mul3A_642 = arith.mulf %sub3A_638, %sub3A_638 : vector<128x512xf32>
    %add3A_643 = arith.addf %add3A_641, %mul3A_642 : vector<128x512xf32>
    %min3A_644 = arith.minimumf %min3A_614, %add3A_643 : vector<128x512xf32>
    %get3A_645 = arith.constant 0 : index
    %get3A_646 = arith.constant 12 : index
    %get3A_647 = vector.load %arg1[%get3A_645, %get3A_646] : memref<128x24xf32, #tpu.memory_space<vmem>>, vector<128x1xf32>
    %get3A_648 = vector.shape_cast %get3A_647 : vector<128x1xf32> to vector<128xf32>
    %broadcast_in_dim3A_649 = vector.shape_cast %get3A_648 : vector<128xf32> to vector<128x1xf32>
    %sub3A_650 = vector.broadcast %broadcast_in_dim3A_649 : vector<128x1xf32> to vector<128x512xf32>
    %sub3A_651 = vector.broadcast %get3A_519 : vector<1x512xf32> to vector<128x512xf32>
    %sub3A_652 = arith.subf %sub3A_650, %sub3A_651 : vector<128x512xf32>
    %get3A_653 = arith.constant 0 : index
    %get3A_654 = arith.constant 13 : index
    %get3A_655 = vector.load %arg1[%get3A_653, %get3A_654] : memref<128x24xf32, #tpu.memory_space<vmem>>, vector<128x1xf32>
    %get3A_656 = vector.shape_cast %get3A_655 : vector<128x1xf32> to vector<128xf32>
    %broadcast_in_dim3A_657 = vector.shape_cast %get3A_656 : vector<128xf32> to vector<128x1xf32>
    %sub3A_658 = vector.broadcast %broadcast_in_dim3A_657 : vector<128x1xf32> to vector<128x512xf32>
    %sub3A_659 = vector.broadcast %get3A_522 : vector<1x512xf32> to vector<128x512xf32>
    %sub3A_660 = arith.subf %sub3A_658, %sub3A_659 : vector<128x512xf32>
    %get3A_661 = arith.constant 0 : index
    %get3A_662 = arith.constant 14 : index
    %get3A_663 = vector.load %arg1[%get3A_661, %get3A_662] : memref<128x24xf32, #tpu.memory_space<vmem>>, vector<128x1xf32>
    %get3A_664 = vector.shape_cast %get3A_663 : vector<128x1xf32> to vector<128xf32>
    %broadcast_in_dim3A_665 = vector.shape_cast %get3A_664 : vector<128xf32> to vector<128x1xf32>
    %sub3A_666 = vector.broadcast %broadcast_in_dim3A_665 : vector<128x1xf32> to vector<128x512xf32>
    %sub3A_667 = vector.broadcast %get3A_525 : vector<1x512xf32> to vector<128x512xf32>
    %sub3A_668 = arith.subf %sub3A_666, %sub3A_667 : vector<128x512xf32>
    %mul3A_669 = arith.mulf %sub3A_652, %sub3A_652 : vector<128x512xf32>
    %mul3A_670 = arith.mulf %sub3A_660, %sub3A_660 : vector<128x512xf32>
    %add3A_671 = arith.addf %mul3A_669, %mul3A_670 : vector<128x512xf32>
    %mul3A_672 = arith.mulf %sub3A_668, %sub3A_668 : vector<128x512xf32>
    %add3A_673 = arith.addf %add3A_671, %mul3A_672 : vector<128x512xf32>
    %min3A_674 = arith.minimumf %min3A_644, %add3A_673 : vector<128x512xf32>
    %get3A_675 = arith.constant 0 : index
    %get3A_676 = arith.constant 15 : index
    %get3A_677 = vector.load %arg1[%get3A_675, %get3A_676] : memref<128x24xf32, #tpu.memory_space<vmem>>, vector<128x1xf32>
    %get3A_678 = vector.shape_cast %get3A_677 : vector<128x1xf32> to vector<128xf32>
    %broadcast_in_dim3A_679 = vector.shape_cast %get3A_678 : vector<128xf32> to vector<128x1xf32>
    %sub3A_680 = vector.broadcast %broadcast_in_dim3A_679 : vector<128x1xf32> to vector<128x512xf32>
    %sub3A_681 = vector.broadcast %get3A_519 : vector<1x512xf32> to vector<128x512xf32>
    %sub3A_682 = arith.subf %sub3A_680, %sub3A_681 : vector<128x512xf32>
    %get3A_683 = arith.constant 0 : index
    %get3A_684 = arith.constant 16 : index
    %get3A_685 = vector.load %arg1[%get3A_683, %get3A_684] : memref<128x24xf32, #tpu.memory_space<vmem>>, vector<128x1xf32>
    %get3A_686 = vector.shape_cast %get3A_685 : vector<128x1xf32> to vector<128xf32>
    %broadcast_in_dim3A_687 = vector.shape_cast %get3A_686 : vector<128xf32> to vector<128x1xf32>
    %sub3A_688 = vector.broadcast %broadcast_in_dim3A_687 : vector<128x1xf32> to vector<128x512xf32>
    %sub3A_689 = vector.broadcast %get3A_522 : vector<1x512xf32> to vector<128x512xf32>
    %sub3A_690 = arith.subf %sub3A_688, %sub3A_689 : vector<128x512xf32>
    %get3A_691 = arith.constant 0 : index
    %get3A_692 = arith.constant 17 : index
    %get3A_693 = vector.load %arg1[%get3A_691, %get3A_692] : memref<128x24xf32, #tpu.memory_space<vmem>>, vector<128x1xf32>
    %get3A_694 = vector.shape_cast %get3A_693 : vector<128x1xf32> to vector<128xf32>
    %broadcast_in_dim3A_695 = vector.shape_cast %get3A_694 : vector<128xf32> to vector<128x1xf32>
    %sub3A_696 = vector.broadcast %broadcast_in_dim3A_695 : vector<128x1xf32> to vector<128x512xf32>
    %sub3A_697 = vector.broadcast %get3A_525 : vector<1x512xf32> to vector<128x512xf32>
    %sub3A_698 = arith.subf %sub3A_696, %sub3A_697 : vector<128x512xf32>
    %mul3A_699 = arith.mulf %sub3A_682, %sub3A_682 : vector<128x512xf32>
    %mul3A_700 = arith.mulf %sub3A_690, %sub3A_690 : vector<128x512xf32>
    %add3A_701 = arith.addf %mul3A_699, %mul3A_700 : vector<128x512xf32>
    %mul3A_702 = arith.mulf %sub3A_698, %sub3A_698 : vector<128x512xf32>
    %add3A_703 = arith.addf %add3A_701, %mul3A_702 : vector<128x512xf32>
    %min3A_704 = arith.minimumf %min3A_674, %add3A_703 : vector<128x512xf32>
    %get3A_705 = arith.constant 0 : index
    %get3A_706 = arith.constant 18 : index
    %get3A_707 = vector.load %arg1[%get3A_705, %get3A_706] : memref<128x24xf32, #tpu.memory_space<vmem>>, vector<128x1xf32>
    %get3A_708 = vector.shape_cast %get3A_707 : vector<128x1xf32> to vector<128xf32>
    %broadcast_in_dim3A_709 = vector.shape_cast %get3A_708 : vector<128xf32> to vector<128x1xf32>
    %sub3A_710 = vector.broadcast %broadcast_in_dim3A_709 : vector<128x1xf32> to vector<128x512xf32>
    %sub3A_711 = vector.broadcast %get3A_519 : vector<1x512xf32> to vector<128x512xf32>
    %sub3A_712 = arith.subf %sub3A_710, %sub3A_711 : vector<128x512xf32>
    %get3A_713 = arith.constant 0 : index
    %get3A_714 = arith.constant 19 : index
    %get3A_715 = vector.load %arg1[%get3A_713, %get3A_714] : memref<128x24xf32, #tpu.memory_space<vmem>>, vector<128x1xf32>
    %get3A_716 = vector.shape_cast %get3A_715 : vector<128x1xf32> to vector<128xf32>
    %broadcast_in_dim3A_717 = vector.shape_cast %get3A_716 : vector<128xf32> to vector<128x1xf32>
    %sub3A_718 = vector.broadcast %broadcast_in_dim3A_717 : vector<128x1xf32> to vector<128x512xf32>
    %sub3A_719 = vector.broadcast %get3A_522 : vector<1x512xf32> to vector<128x512xf32>
    %sub3A_720 = arith.subf %sub3A_718, %sub3A_719 : vector<128x512xf32>
    %get3A_721 = arith.constant 0 : index
    %get3A_722 = arith.constant 20 : index
    %get3A_723 = vector.load %arg1[%get3A_721, %get3A_722] : memref<128x24xf32, #tpu.memory_space<vmem>>, vector<128x1xf32>
    %get3A_724 = vector.shape_cast %get3A_723 : vector<128x1xf32> to vector<128xf32>
    %broadcast_in_dim3A_725 = vector.shape_cast %get3A_724 : vector<128xf32> to vector<128x1xf32>
    %sub3A_726 = vector.broadcast %broadcast_in_dim3A_725 : vector<128x1xf32> to vector<128x512xf32>
    %sub3A_727 = vector.broadcast %get3A_525 : vector<1x512xf32> to vector<128x512xf32>
    %sub3A_728 = arith.subf %sub3A_726, %sub3A_727 : vector<128x512xf32>
    %mul3A_729 = arith.mulf %sub3A_712, %sub3A_712 : vector<128x512xf32>
    %mul3A_730 = arith.mulf %sub3A_720, %sub3A_720 : vector<128x512xf32>
    %add3A_731 = arith.addf %mul3A_729, %mul3A_730 : vector<128x512xf32>
    %mul3A_732 = arith.mulf %sub3A_728, %sub3A_728 : vector<128x512xf32>
    %add3A_733 = arith.addf %add3A_731, %mul3A_732 : vector<128x512xf32>
    %min3A_734 = arith.minimumf %min3A_704, %add3A_733 : vector<128x512xf32>
    %get3A_735 = arith.constant 0 : index
    %get3A_736 = arith.constant 21 : index
    %get3A_737 = vector.load %arg1[%get3A_735, %get3A_736] : memref<128x24xf32, #tpu.memory_space<vmem>>, vector<128x1xf32>
    %get3A_738 = vector.shape_cast %get3A_737 : vector<128x1xf32> to vector<128xf32>
    %broadcast_in_dim3A_739 = vector.shape_cast %get3A_738 : vector<128xf32> to vector<128x1xf32>
    %sub3A_740 = vector.broadcast %broadcast_in_dim3A_739 : vector<128x1xf32> to vector<128x512xf32>
    %sub3A_741 = vector.broadcast %get3A_519 : vector<1x512xf32> to vector<128x512xf32>
    %sub3A_742 = arith.subf %sub3A_740, %sub3A_741 : vector<128x512xf32>
    %get3A_743 = arith.constant 0 : index
    %get3A_744 = arith.constant 22 : index
    %get3A_745 = vector.load %arg1[%get3A_743, %get3A_744] : memref<128x24xf32, #tpu.memory_space<vmem>>, vector<128x1xf32>
    %get3A_746 = vector.shape_cast %get3A_745 : vector<128x1xf32> to vector<128xf32>
    %broadcast_in_dim3A_747 = vector.shape_cast %get3A_746 : vector<128xf32> to vector<128x1xf32>
    %sub3A_748 = vector.broadcast %broadcast_in_dim3A_747 : vector<128x1xf32> to vector<128x512xf32>
    %sub3A_749 = vector.broadcast %get3A_522 : vector<1x512xf32> to vector<128x512xf32>
    %sub3A_750 = arith.subf %sub3A_748, %sub3A_749 : vector<128x512xf32>
    %get3A_751 = arith.constant 0 : index
    %get3A_752 = arith.constant 23 : index
    %get3A_753 = vector.load %arg1[%get3A_751, %get3A_752] : memref<128x24xf32, #tpu.memory_space<vmem>>, vector<128x1xf32>
    %get3A_754 = vector.shape_cast %get3A_753 : vector<128x1xf32> to vector<128xf32>
    %broadcast_in_dim3A_755 = vector.shape_cast %get3A_754 : vector<128xf32> to vector<128x1xf32>
    %sub3A_756 = vector.broadcast %broadcast_in_dim3A_755 : vector<128x1xf32> to vector<128x512xf32>
    %sub3A_757 = vector.broadcast %get3A_525 : vector<1x512xf32> to vector<128x512xf32>
    %sub3A_758 = arith.subf %sub3A_756, %sub3A_757 : vector<128x512xf32>
    %mul3A_759 = arith.mulf %sub3A_742, %sub3A_742 : vector<128x512xf32>
    %mul3A_760 = arith.mulf %sub3A_750, %sub3A_750 : vector<128x512xf32>
    %add3A_761 = arith.addf %mul3A_759, %mul3A_760 : vector<128x512xf32>
    %mul3A_762 = arith.mulf %sub3A_758, %sub3A_758 : vector<128x512xf32>
    %add3A_763 = arith.addf %add3A_761, %mul3A_762 : vector<128x512xf32>
    %min3A_764 = arith.minimumf %min3A_734, %add3A_763 : vector<128x512xf32>
    %reduce_min3A_765 = arith.constant dense<0x7F800000> : vector<128xf32>
    %reduce_min3A_766 = vector.multi_reduction <minimumf>, %min3A_764, %reduce_min3A_765 [1] : vector<128x512xf32> to vector<128xf32>
    %broadcast_in_dim3A_767 = vector.shape_cast %reduce_min3A_766 : vector<128xf32> to vector<128x1xf32>
    %iota3A_768 = tpu.iota {dimensions = array<i32: 1>} : vector<128x512xi32>
    %add3A_769 = arith.constant 1024 : i32
    %add3A_770 = vector.broadcast %add3A_769 : i32 to vector<128x512xi32>
    %add3A_771 = arith.addi %iota3A_768, %add3A_770 : vector<128x512xi32>
    %eq3A_772 = vector.broadcast %broadcast_in_dim3A_767 : vector<128x1xf32> to vector<128x512xf32>
    %eq3A_773 = arith.cmpf oeq, %min3A_764, %eq3A_772 : vector<128x512xf32>
    %jit3A_774 = arith.constant 4096 : i32
    %broadcast_in_dim3A_775 = vector.broadcast %jit3A_774 : i32 to vector<128x512xi32>
    %select_n3A_776 = arith.select %eq3A_773, %add3A_771, %broadcast_in_dim3A_775 : vector<128x512xi1>, vector<128x512xi32>
    %reduce_min3A_777 = arith.constant dense<2147483647> : vector<128xi32>
    %reduce_min3A_778 = vector.multi_reduction <minsi>, %select_n3A_776, %reduce_min3A_777 [1] : vector<128x512xi32> to vector<128xi32>
    %broadcast_in_dim3A_779 = vector.shape_cast %reduce_min3A_778 : vector<128xi32> to vector<128x1xi32>
    %lt3A_780 = arith.cmpf olt, %broadcast_in_dim3A_767, %select_n3A_516 : vector<128x1xf32>
    %select_n3A_781 = arith.select %lt3A_780, %broadcast_in_dim3A_779, %select_n3A_515 : vector<128x1xi1>, vector<128x1xi32>
    %select_n3A_782 = arith.select %lt3A_780, %broadcast_in_dim3A_767, %select_n3A_516 : vector<128x1xi1>, vector<128x1xf32>
    %get3A_783 = arith.constant 0 : index
    %get3A_784 = arith.constant 1536 : index
    %get3A_785 = vector.load %arg2[%get3A_783, %get3A_784] : memref<3x4096xf32, #tpu.memory_space<vmem>>, vector<1x512xf32>
    %get3A_786 = arith.constant 1 : index
    %get3A_787 = arith.constant 1536 : index
    %get3A_788 = vector.load %arg2[%get3A_786, %get3A_787] : memref<3x4096xf32, #tpu.memory_space<vmem>>, vector<1x512xf32>
    %get3A_789 = arith.constant 2 : index
    %get3A_790 = arith.constant 1536 : index
    %get3A_791 = vector.load %arg2[%get3A_789, %get3A_790] : memref<3x4096xf32, #tpu.memory_space<vmem>>, vector<1x512xf32>
    %get3A_792 = arith.constant 0 : index
    %get3A_793 = arith.constant 0 : index
    %get3A_794 = vector.load %arg1[%get3A_792, %get3A_793] : memref<128x24xf32, #tpu.memory_space<vmem>>, vector<128x1xf32>
    %get3A_795 = vector.shape_cast %get3A_794 : vector<128x1xf32> to vector<128xf32>
    %broadcast_in_dim3A_796 = vector.shape_cast %get3A_795 : vector<128xf32> to vector<128x1xf32>
    %sub3A_797 = vector.broadcast %broadcast_in_dim3A_796 : vector<128x1xf32> to vector<128x512xf32>
    %sub3A_798 = vector.broadcast %get3A_785 : vector<1x512xf32> to vector<128x512xf32>
    %sub3A_799 = arith.subf %sub3A_797, %sub3A_798 : vector<128x512xf32>
    %get3A_800 = arith.constant 0 : index
    %get3A_801 = arith.constant 1 : index
    %get3A_802 = vector.load %arg1[%get3A_800, %get3A_801] : memref<128x24xf32, #tpu.memory_space<vmem>>, vector<128x1xf32>
    %get3A_803 = vector.shape_cast %get3A_802 : vector<128x1xf32> to vector<128xf32>
    %broadcast_in_dim3A_804 = vector.shape_cast %get3A_803 : vector<128xf32> to vector<128x1xf32>
    %sub3A_805 = vector.broadcast %broadcast_in_dim3A_804 : vector<128x1xf32> to vector<128x512xf32>
    %sub3A_806 = vector.broadcast %get3A_788 : vector<1x512xf32> to vector<128x512xf32>
    %sub3A_807 = arith.subf %sub3A_805, %sub3A_806 : vector<128x512xf32>
    %get3A_808 = arith.constant 0 : index
    %get3A_809 = arith.constant 2 : index
    %get3A_810 = vector.load %arg1[%get3A_808, %get3A_809] : memref<128x24xf32, #tpu.memory_space<vmem>>, vector<128x1xf32>
    %get3A_811 = vector.shape_cast %get3A_810 : vector<128x1xf32> to vector<128xf32>
    %broadcast_in_dim3A_812 = vector.shape_cast %get3A_811 : vector<128xf32> to vector<128x1xf32>
    %sub3A_813 = vector.broadcast %broadcast_in_dim3A_812 : vector<128x1xf32> to vector<128x512xf32>
    %sub3A_814 = vector.broadcast %get3A_791 : vector<1x512xf32> to vector<128x512xf32>
    %sub3A_815 = arith.subf %sub3A_813, %sub3A_814 : vector<128x512xf32>
    %mul3A_816 = arith.mulf %sub3A_799, %sub3A_799 : vector<128x512xf32>
    %mul3A_817 = arith.mulf %sub3A_807, %sub3A_807 : vector<128x512xf32>
    %add3A_818 = arith.addf %mul3A_816, %mul3A_817 : vector<128x512xf32>
    %mul3A_819 = arith.mulf %sub3A_815, %sub3A_815 : vector<128x512xf32>
    %add3A_820 = arith.addf %add3A_818, %mul3A_819 : vector<128x512xf32>
    %get3A_821 = arith.constant 0 : index
    %get3A_822 = arith.constant 3 : index
    %get3A_823 = vector.load %arg1[%get3A_821, %get3A_822] : memref<128x24xf32, #tpu.memory_space<vmem>>, vector<128x1xf32>
    %get3A_824 = vector.shape_cast %get3A_823 : vector<128x1xf32> to vector<128xf32>
    %broadcast_in_dim3A_825 = vector.shape_cast %get3A_824 : vector<128xf32> to vector<128x1xf32>
    %sub3A_826 = vector.broadcast %broadcast_in_dim3A_825 : vector<128x1xf32> to vector<128x512xf32>
    %sub3A_827 = vector.broadcast %get3A_785 : vector<1x512xf32> to vector<128x512xf32>
    %sub3A_828 = arith.subf %sub3A_826, %sub3A_827 : vector<128x512xf32>
    %get3A_829 = arith.constant 0 : index
    %get3A_830 = arith.constant 4 : index
    %get3A_831 = vector.load %arg1[%get3A_829, %get3A_830] : memref<128x24xf32, #tpu.memory_space<vmem>>, vector<128x1xf32>
    %get3A_832 = vector.shape_cast %get3A_831 : vector<128x1xf32> to vector<128xf32>
    %broadcast_in_dim3A_833 = vector.shape_cast %get3A_832 : vector<128xf32> to vector<128x1xf32>
    %sub3A_834 = vector.broadcast %broadcast_in_dim3A_833 : vector<128x1xf32> to vector<128x512xf32>
    %sub3A_835 = vector.broadcast %get3A_788 : vector<1x512xf32> to vector<128x512xf32>
    %sub3A_836 = arith.subf %sub3A_834, %sub3A_835 : vector<128x512xf32>
    %get3A_837 = arith.constant 0 : index
    %get3A_838 = arith.constant 5 : index
    %get3A_839 = vector.load %arg1[%get3A_837, %get3A_838] : memref<128x24xf32, #tpu.memory_space<vmem>>, vector<128x1xf32>
    %get3A_840 = vector.shape_cast %get3A_839 : vector<128x1xf32> to vector<128xf32>
    %broadcast_in_dim3A_841 = vector.shape_cast %get3A_840 : vector<128xf32> to vector<128x1xf32>
    %sub3A_842 = vector.broadcast %broadcast_in_dim3A_841 : vector<128x1xf32> to vector<128x512xf32>
    %sub3A_843 = vector.broadcast %get3A_791 : vector<1x512xf32> to vector<128x512xf32>
    %sub3A_844 = arith.subf %sub3A_842, %sub3A_843 : vector<128x512xf32>
    %mul3A_845 = arith.mulf %sub3A_828, %sub3A_828 : vector<128x512xf32>
    %mul3A_846 = arith.mulf %sub3A_836, %sub3A_836 : vector<128x512xf32>
    %add3A_847 = arith.addf %mul3A_845, %mul3A_846 : vector<128x512xf32>
    %mul3A_848 = arith.mulf %sub3A_844, %sub3A_844 : vector<128x512xf32>
    %add3A_849 = arith.addf %add3A_847, %mul3A_848 : vector<128x512xf32>
    %min3A_850 = arith.minimumf %add3A_820, %add3A_849 : vector<128x512xf32>
    %get3A_851 = arith.constant 0 : index
    %get3A_852 = arith.constant 6 : index
    %get3A_853 = vector.load %arg1[%get3A_851, %get3A_852] : memref<128x24xf32, #tpu.memory_space<vmem>>, vector<128x1xf32>
    %get3A_854 = vector.shape_cast %get3A_853 : vector<128x1xf32> to vector<128xf32>
    %broadcast_in_dim3A_855 = vector.shape_cast %get3A_854 : vector<128xf32> to vector<128x1xf32>
    %sub3A_856 = vector.broadcast %broadcast_in_dim3A_855 : vector<128x1xf32> to vector<128x512xf32>
    %sub3A_857 = vector.broadcast %get3A_785 : vector<1x512xf32> to vector<128x512xf32>
    %sub3A_858 = arith.subf %sub3A_856, %sub3A_857 : vector<128x512xf32>
    %get3A_859 = arith.constant 0 : index
    %get3A_860 = arith.constant 7 : index
    %get3A_861 = vector.load %arg1[%get3A_859, %get3A_860] : memref<128x24xf32, #tpu.memory_space<vmem>>, vector<128x1xf32>
    %get3A_862 = vector.shape_cast %get3A_861 : vector<128x1xf32> to vector<128xf32>
    %broadcast_in_dim3A_863 = vector.shape_cast %get3A_862 : vector<128xf32> to vector<128x1xf32>
    %sub3A_864 = vector.broadcast %broadcast_in_dim3A_863 : vector<128x1xf32> to vector<128x512xf32>
    %sub3A_865 = vector.broadcast %get3A_788 : vector<1x512xf32> to vector<128x512xf32>
    %sub3A_866 = arith.subf %sub3A_864, %sub3A_865 : vector<128x512xf32>
    %get3A_867 = arith.constant 0 : index
    %get3A_868 = arith.constant 8 : index
    %get3A_869 = vector.load %arg1[%get3A_867, %get3A_868] : memref<128x24xf32, #tpu.memory_space<vmem>>, vector<128x1xf32>
    %get3A_870 = vector.shape_cast %get3A_869 : vector<128x1xf32> to vector<128xf32>
    %broadcast_in_dim3A_871 = vector.shape_cast %get3A_870 : vector<128xf32> to vector<128x1xf32>
    %sub3A_872 = vector.broadcast %broadcast_in_dim3A_871 : vector<128x1xf32> to vector<128x512xf32>
    %sub3A_873 = vector.broadcast %get3A_791 : vector<1x512xf32> to vector<128x512xf32>
    %sub3A_874 = arith.subf %sub3A_872, %sub3A_873 : vector<128x512xf32>
    %mul3A_875 = arith.mulf %sub3A_858, %sub3A_858 : vector<128x512xf32>
    %mul3A_876 = arith.mulf %sub3A_866, %sub3A_866 : vector<128x512xf32>
    %add3A_877 = arith.addf %mul3A_875, %mul3A_876 : vector<128x512xf32>
    %mul3A_878 = arith.mulf %sub3A_874, %sub3A_874 : vector<128x512xf32>
    %add3A_879 = arith.addf %add3A_877, %mul3A_878 : vector<128x512xf32>
    %min3A_880 = arith.minimumf %min3A_850, %add3A_879 : vector<128x512xf32>
    %get3A_881 = arith.constant 0 : index
    %get3A_882 = arith.constant 9 : index
    %get3A_883 = vector.load %arg1[%get3A_881, %get3A_882] : memref<128x24xf32, #tpu.memory_space<vmem>>, vector<128x1xf32>
    %get3A_884 = vector.shape_cast %get3A_883 : vector<128x1xf32> to vector<128xf32>
    %broadcast_in_dim3A_885 = vector.shape_cast %get3A_884 : vector<128xf32> to vector<128x1xf32>
    %sub3A_886 = vector.broadcast %broadcast_in_dim3A_885 : vector<128x1xf32> to vector<128x512xf32>
    %sub3A_887 = vector.broadcast %get3A_785 : vector<1x512xf32> to vector<128x512xf32>
    %sub3A_888 = arith.subf %sub3A_886, %sub3A_887 : vector<128x512xf32>
    %get3A_889 = arith.constant 0 : index
    %get3A_890 = arith.constant 10 : index
    %get3A_891 = vector.load %arg1[%get3A_889, %get3A_890] : memref<128x24xf32, #tpu.memory_space<vmem>>, vector<128x1xf32>
    %get3A_892 = vector.shape_cast %get3A_891 : vector<128x1xf32> to vector<128xf32>
    %broadcast_in_dim3A_893 = vector.shape_cast %get3A_892 : vector<128xf32> to vector<128x1xf32>
    %sub3A_894 = vector.broadcast %broadcast_in_dim3A_893 : vector<128x1xf32> to vector<128x512xf32>
    %sub3A_895 = vector.broadcast %get3A_788 : vector<1x512xf32> to vector<128x512xf32>
    %sub3A_896 = arith.subf %sub3A_894, %sub3A_895 : vector<128x512xf32>
    %get3A_897 = arith.constant 0 : index
    %get3A_898 = arith.constant 11 : index
    %get3A_899 = vector.load %arg1[%get3A_897, %get3A_898] : memref<128x24xf32, #tpu.memory_space<vmem>>, vector<128x1xf32>
    %get3A_900 = vector.shape_cast %get3A_899 : vector<128x1xf32> to vector<128xf32>
    %broadcast_in_dim3A_901 = vector.shape_cast %get3A_900 : vector<128xf32> to vector<128x1xf32>
    %sub3A_902 = vector.broadcast %broadcast_in_dim3A_901 : vector<128x1xf32> to vector<128x512xf32>
    %sub3A_903 = vector.broadcast %get3A_791 : vector<1x512xf32> to vector<128x512xf32>
    %sub3A_904 = arith.subf %sub3A_902, %sub3A_903 : vector<128x512xf32>
    %mul3A_905 = arith.mulf %sub3A_888, %sub3A_888 : vector<128x512xf32>
    %mul3A_906 = arith.mulf %sub3A_896, %sub3A_896 : vector<128x512xf32>
    %add3A_907 = arith.addf %mul3A_905, %mul3A_906 : vector<128x512xf32>
    %mul3A_908 = arith.mulf %sub3A_904, %sub3A_904 : vector<128x512xf32>
    %add3A_909 = arith.addf %add3A_907, %mul3A_908 : vector<128x512xf32>
    %min3A_910 = arith.minimumf %min3A_880, %add3A_909 : vector<128x512xf32>
    %get3A_911 = arith.constant 0 : index
    %get3A_912 = arith.constant 12 : index
    %get3A_913 = vector.load %arg1[%get3A_911, %get3A_912] : memref<128x24xf32, #tpu.memory_space<vmem>>, vector<128x1xf32>
    %get3A_914 = vector.shape_cast %get3A_913 : vector<128x1xf32> to vector<128xf32>
    %broadcast_in_dim3A_915 = vector.shape_cast %get3A_914 : vector<128xf32> to vector<128x1xf32>
    %sub3A_916 = vector.broadcast %broadcast_in_dim3A_915 : vector<128x1xf32> to vector<128x512xf32>
    %sub3A_917 = vector.broadcast %get3A_785 : vector<1x512xf32> to vector<128x512xf32>
    %sub3A_918 = arith.subf %sub3A_916, %sub3A_917 : vector<128x512xf32>
    %get3A_919 = arith.constant 0 : index
    %get3A_920 = arith.constant 13 : index
    %get3A_921 = vector.load %arg1[%get3A_919, %get3A_920] : memref<128x24xf32, #tpu.memory_space<vmem>>, vector<128x1xf32>
    %get3A_922 = vector.shape_cast %get3A_921 : vector<128x1xf32> to vector<128xf32>
    %broadcast_in_dim3A_923 = vector.shape_cast %get3A_922 : vector<128xf32> to vector<128x1xf32>
    %sub3A_924 = vector.broadcast %broadcast_in_dim3A_923 : vector<128x1xf32> to vector<128x512xf32>
    %sub3A_925 = vector.broadcast %get3A_788 : vector<1x512xf32> to vector<128x512xf32>
    %sub3A_926 = arith.subf %sub3A_924, %sub3A_925 : vector<128x512xf32>
    %get3A_927 = arith.constant 0 : index
    %get3A_928 = arith.constant 14 : index
    %get3A_929 = vector.load %arg1[%get3A_927, %get3A_928] : memref<128x24xf32, #tpu.memory_space<vmem>>, vector<128x1xf32>
    %get3A_930 = vector.shape_cast %get3A_929 : vector<128x1xf32> to vector<128xf32>
    %broadcast_in_dim3A_931 = vector.shape_cast %get3A_930 : vector<128xf32> to vector<128x1xf32>
    %sub3A_932 = vector.broadcast %broadcast_in_dim3A_931 : vector<128x1xf32> to vector<128x512xf32>
    %sub3A_933 = vector.broadcast %get3A_791 : vector<1x512xf32> to vector<128x512xf32>
    %sub3A_934 = arith.subf %sub3A_932, %sub3A_933 : vector<128x512xf32>
    %mul3A_935 = arith.mulf %sub3A_918, %sub3A_918 : vector<128x512xf32>
    %mul3A_936 = arith.mulf %sub3A_926, %sub3A_926 : vector<128x512xf32>
    %add3A_937 = arith.addf %mul3A_935, %mul3A_936 : vector<128x512xf32>
    %mul3A_938 = arith.mulf %sub3A_934, %sub3A_934 : vector<128x512xf32>
    %add3A_939 = arith.addf %add3A_937, %mul3A_938 : vector<128x512xf32>
    %min3A_940 = arith.minimumf %min3A_910, %add3A_939 : vector<128x512xf32>
    %get3A_941 = arith.constant 0 : index
    %get3A_942 = arith.constant 15 : index
    %get3A_943 = vector.load %arg1[%get3A_941, %get3A_942] : memref<128x24xf32, #tpu.memory_space<vmem>>, vector<128x1xf32>
    %get3A_944 = vector.shape_cast %get3A_943 : vector<128x1xf32> to vector<128xf32>
    %broadcast_in_dim3A_945 = vector.shape_cast %get3A_944 : vector<128xf32> to vector<128x1xf32>
    %sub3A_946 = vector.broadcast %broadcast_in_dim3A_945 : vector<128x1xf32> to vector<128x512xf32>
    %sub3A_947 = vector.broadcast %get3A_785 : vector<1x512xf32> to vector<128x512xf32>
    %sub3A_948 = arith.subf %sub3A_946, %sub3A_947 : vector<128x512xf32>
    %get3A_949 = arith.constant 0 : index
    %get3A_950 = arith.constant 16 : index
    %get3A_951 = vector.load %arg1[%get3A_949, %get3A_950] : memref<128x24xf32, #tpu.memory_space<vmem>>, vector<128x1xf32>
    %get3A_952 = vector.shape_cast %get3A_951 : vector<128x1xf32> to vector<128xf32>
    %broadcast_in_dim3A_953 = vector.shape_cast %get3A_952 : vector<128xf32> to vector<128x1xf32>
    %sub3A_954 = vector.broadcast %broadcast_in_dim3A_953 : vector<128x1xf32> to vector<128x512xf32>
    %sub3A_955 = vector.broadcast %get3A_788 : vector<1x512xf32> to vector<128x512xf32>
    %sub3A_956 = arith.subf %sub3A_954, %sub3A_955 : vector<128x512xf32>
    %get3A_957 = arith.constant 0 : index
    %get3A_958 = arith.constant 17 : index
    %get3A_959 = vector.load %arg1[%get3A_957, %get3A_958] : memref<128x24xf32, #tpu.memory_space<vmem>>, vector<128x1xf32>
    %get3A_960 = vector.shape_cast %get3A_959 : vector<128x1xf32> to vector<128xf32>
    %broadcast_in_dim3A_961 = vector.shape_cast %get3A_960 : vector<128xf32> to vector<128x1xf32>
    %sub3A_962 = vector.broadcast %broadcast_in_dim3A_961 : vector<128x1xf32> to vector<128x512xf32>
    %sub3A_963 = vector.broadcast %get3A_791 : vector<1x512xf32> to vector<128x512xf32>
    %sub3A_964 = arith.subf %sub3A_962, %sub3A_963 : vector<128x512xf32>
    %mul3A_965 = arith.mulf %sub3A_948, %sub3A_948 : vector<128x512xf32>
    %mul3A_966 = arith.mulf %sub3A_956, %sub3A_956 : vector<128x512xf32>
    %add3A_967 = arith.addf %mul3A_965, %mul3A_966 : vector<128x512xf32>
    %mul3A_968 = arith.mulf %sub3A_964, %sub3A_964 : vector<128x512xf32>
    %add3A_969 = arith.addf %add3A_967, %mul3A_968 : vector<128x512xf32>
    %min3A_970 = arith.minimumf %min3A_940, %add3A_969 : vector<128x512xf32>
    %get3A_971 = arith.constant 0 : index
    %get3A_972 = arith.constant 18 : index
    %get3A_973 = vector.load %arg1[%get3A_971, %get3A_972] : memref<128x24xf32, #tpu.memory_space<vmem>>, vector<128x1xf32>
    %get3A_974 = vector.shape_cast %get3A_973 : vector<128x1xf32> to vector<128xf32>
    %broadcast_in_dim3A_975 = vector.shape_cast %get3A_974 : vector<128xf32> to vector<128x1xf32>
    %sub3A_976 = vector.broadcast %broadcast_in_dim3A_975 : vector<128x1xf32> to vector<128x512xf32>
    %sub3A_977 = vector.broadcast %get3A_785 : vector<1x512xf32> to vector<128x512xf32>
    %sub3A_978 = arith.subf %sub3A_976, %sub3A_977 : vector<128x512xf32>
    %get3A_979 = arith.constant 0 : index
    %get3A_980 = arith.constant 19 : index
    %get3A_981 = vector.load %arg1[%get3A_979, %get3A_980] : memref<128x24xf32, #tpu.memory_space<vmem>>, vector<128x1xf32>
    %get3A_982 = vector.shape_cast %get3A_981 : vector<128x1xf32> to vector<128xf32>
    %broadcast_in_dim3A_983 = vector.shape_cast %get3A_982 : vector<128xf32> to vector<128x1xf32>
    %sub3A_984 = vector.broadcast %broadcast_in_dim3A_983 : vector<128x1xf32> to vector<128x512xf32>
    %sub3A_985 = vector.broadcast %get3A_788 : vector<1x512xf32> to vector<128x512xf32>
    %sub3A_986 = arith.subf %sub3A_984, %sub3A_985 : vector<128x512xf32>
    %get3A_987 = arith.constant 0 : index
    %get3A_988 = arith.constant 20 : index
    %get3A_989 = vector.load %arg1[%get3A_987, %get3A_988] : memref<128x24xf32, #tpu.memory_space<vmem>>, vector<128x1xf32>
    %get3A_990 = vector.shape_cast %get3A_989 : vector<128x1xf32> to vector<128xf32>
    %broadcast_in_dim3A_991 = vector.shape_cast %get3A_990 : vector<128xf32> to vector<128x1xf32>
    %sub3A_992 = vector.broadcast %broadcast_in_dim3A_991 : vector<128x1xf32> to vector<128x512xf32>
    %sub3A_993 = vector.broadcast %get3A_791 : vector<1x512xf32> to vector<128x512xf32>
    %sub3A_994 = arith.subf %sub3A_992, %sub3A_993 : vector<128x512xf32>
    %mul3A_995 = arith.mulf %sub3A_978, %sub3A_978 : vector<128x512xf32>
    %mul3A_996 = arith.mulf %sub3A_986, %sub3A_986 : vector<128x512xf32>
    %add3A_997 = arith.addf %mul3A_995, %mul3A_996 : vector<128x512xf32>
    %mul3A_998 = arith.mulf %sub3A_994, %sub3A_994 : vector<128x512xf32>
    %add3A_999 = arith.addf %add3A_997, %mul3A_998 : vector<128x512xf32>
    %min3A_1000 = arith.minimumf %min3A_970, %add3A_999 : vector<128x512xf32>
    %get3A_1001 = arith.constant 0 : index
    %get3A_1002 = arith.constant 21 : index
    %get3A_1003 = vector.load %arg1[%get3A_1001, %get3A_1002] : memref<128x24xf32, #tpu.memory_space<vmem>>, vector<128x1xf32>
    %get3A_1004 = vector.shape_cast %get3A_1003 : vector<128x1xf32> to vector<128xf32>
    %broadcast_in_dim3A_1005 = vector.shape_cast %get3A_1004 : vector<128xf32> to vector<128x1xf32>
    %sub3A_1006 = vector.broadcast %broadcast_in_dim3A_1005 : vector<128x1xf32> to vector<128x512xf32>
    %sub3A_1007 = vector.broadcast %get3A_785 : vector<1x512xf32> to vector<128x512xf32>
    %sub3A_1008 = arith.subf %sub3A_1006, %sub3A_1007 : vector<128x512xf32>
    %get3A_1009 = arith.constant 0 : index
    %get3A_1010 = arith.constant 22 : index
    %get3A_1011 = vector.load %arg1[%get3A_1009, %get3A_1010] : memref<128x24xf32, #tpu.memory_space<vmem>>, vector<128x1xf32>
    %get3A_1012 = vector.shape_cast %get3A_1011 : vector<128x1xf32> to vector<128xf32>
    %broadcast_in_dim3A_1013 = vector.shape_cast %get3A_1012 : vector<128xf32> to vector<128x1xf32>
    %sub3A_1014 = vector.broadcast %broadcast_in_dim3A_1013 : vector<128x1xf32> to vector<128x512xf32>
    %sub3A_1015 = vector.broadcast %get3A_788 : vector<1x512xf32> to vector<128x512xf32>
    %sub3A_1016 = arith.subf %sub3A_1014, %sub3A_1015 : vector<128x512xf32>
    %get3A_1017 = arith.constant 0 : index
    %get3A_1018 = arith.constant 23 : index
    %get3A_1019 = vector.load %arg1[%get3A_1017, %get3A_1018] : memref<128x24xf32, #tpu.memory_space<vmem>>, vector<128x1xf32>
    %get3A_1020 = vector.shape_cast %get3A_1019 : vector<128x1xf32> to vector<128xf32>
    %broadcast_in_dim3A_1021 = vector.shape_cast %get3A_1020 : vector<128xf32> to vector<128x1xf32>
    %sub3A_1022 = vector.broadcast %broadcast_in_dim3A_1021 : vector<128x1xf32> to vector<128x512xf32>
    %sub3A_1023 = vector.broadcast %get3A_791 : vector<1x512xf32> to vector<128x512xf32>
    %sub3A_1024 = arith.subf %sub3A_1022, %sub3A_1023 : vector<128x512xf32>
    %mul3A_1025 = arith.mulf %sub3A_1008, %sub3A_1008 : vector<128x512xf32>
    %mul3A_1026 = arith.mulf %sub3A_1016, %sub3A_1016 : vector<128x512xf32>
    %add3A_1027 = arith.addf %mul3A_1025, %mul3A_1026 : vector<128x512xf32>
    %mul3A_1028 = arith.mulf %sub3A_1024, %sub3A_1024 : vector<128x512xf32>
    %add3A_1029 = arith.addf %add3A_1027, %mul3A_1028 : vector<128x512xf32>
    %min3A_1030 = arith.minimumf %min3A_1000, %add3A_1029 : vector<128x512xf32>
    %reduce_min3A_1031 = arith.constant dense<0x7F800000> : vector<128xf32>
    %reduce_min3A_1032 = vector.multi_reduction <minimumf>, %min3A_1030, %reduce_min3A_1031 [1] : vector<128x512xf32> to vector<128xf32>
    %broadcast_in_dim3A_1033 = vector.shape_cast %reduce_min3A_1032 : vector<128xf32> to vector<128x1xf32>
    %iota3A_1034 = tpu.iota {dimensions = array<i32: 1>} : vector<128x512xi32>
    %add3A_1035 = arith.constant 1536 : i32
    %add3A_1036 = vector.broadcast %add3A_1035 : i32 to vector<128x512xi32>
    %add3A_1037 = arith.addi %iota3A_1034, %add3A_1036 : vector<128x512xi32>
    %eq3A_1038 = vector.broadcast %broadcast_in_dim3A_1033 : vector<128x1xf32> to vector<128x512xf32>
    %eq3A_1039 = arith.cmpf oeq, %min3A_1030, %eq3A_1038 : vector<128x512xf32>
    %jit3A_1040 = arith.constant 4096 : i32
    %broadcast_in_dim3A_1041 = vector.broadcast %jit3A_1040 : i32 to vector<128x512xi32>
    %select_n3A_1042 = arith.select %eq3A_1039, %add3A_1037, %broadcast_in_dim3A_1041 : vector<128x512xi1>, vector<128x512xi32>
    %reduce_min3A_1043 = arith.constant dense<2147483647> : vector<128xi32>
    %reduce_min3A_1044 = vector.multi_reduction <minsi>, %select_n3A_1042, %reduce_min3A_1043 [1] : vector<128x512xi32> to vector<128xi32>
    %broadcast_in_dim3A_1045 = vector.shape_cast %reduce_min3A_1044 : vector<128xi32> to vector<128x1xi32>
    %lt3A_1046 = arith.cmpf olt, %broadcast_in_dim3A_1033, %select_n3A_782 : vector<128x1xf32>
    %select_n3A_1047 = arith.select %lt3A_1046, %broadcast_in_dim3A_1045, %select_n3A_781 : vector<128x1xi1>, vector<128x1xi32>
    %select_n3A_1048 = arith.select %lt3A_1046, %broadcast_in_dim3A_1033, %select_n3A_782 : vector<128x1xi1>, vector<128x1xf32>
    %get3A_1049 = arith.constant 0 : index
    %get3A_1050 = arith.constant 2048 : index
    %get3A_1051 = vector.load %arg2[%get3A_1049, %get3A_1050] : memref<3x4096xf32, #tpu.memory_space<vmem>>, vector<1x512xf32>
    %get3A_1052 = arith.constant 1 : index
    %get3A_1053 = arith.constant 2048 : index
    %get3A_1054 = vector.load %arg2[%get3A_1052, %get3A_1053] : memref<3x4096xf32, #tpu.memory_space<vmem>>, vector<1x512xf32>
    %get3A_1055 = arith.constant 2 : index
    %get3A_1056 = arith.constant 2048 : index
    %get3A_1057 = vector.load %arg2[%get3A_1055, %get3A_1056] : memref<3x4096xf32, #tpu.memory_space<vmem>>, vector<1x512xf32>
    %get3A_1058 = arith.constant 0 : index
    %get3A_1059 = arith.constant 0 : index
    %get3A_1060 = vector.load %arg1[%get3A_1058, %get3A_1059] : memref<128x24xf32, #tpu.memory_space<vmem>>, vector<128x1xf32>
    %get3A_1061 = vector.shape_cast %get3A_1060 : vector<128x1xf32> to vector<128xf32>
    %broadcast_in_dim3A_1062 = vector.shape_cast %get3A_1061 : vector<128xf32> to vector<128x1xf32>
    %sub3A_1063 = vector.broadcast %broadcast_in_dim3A_1062 : vector<128x1xf32> to vector<128x512xf32>
    %sub3A_1064 = vector.broadcast %get3A_1051 : vector<1x512xf32> to vector<128x512xf32>
    %sub3A_1065 = arith.subf %sub3A_1063, %sub3A_1064 : vector<128x512xf32>
    %get3A_1066 = arith.constant 0 : index
    %get3A_1067 = arith.constant 1 : index
    %get3A_1068 = vector.load %arg1[%get3A_1066, %get3A_1067] : memref<128x24xf32, #tpu.memory_space<vmem>>, vector<128x1xf32>
    %get3A_1069 = vector.shape_cast %get3A_1068 : vector<128x1xf32> to vector<128xf32>
    %broadcast_in_dim3A_1070 = vector.shape_cast %get3A_1069 : vector<128xf32> to vector<128x1xf32>
    %sub3A_1071 = vector.broadcast %broadcast_in_dim3A_1070 : vector<128x1xf32> to vector<128x512xf32>
    %sub3A_1072 = vector.broadcast %get3A_1054 : vector<1x512xf32> to vector<128x512xf32>
    %sub3A_1073 = arith.subf %sub3A_1071, %sub3A_1072 : vector<128x512xf32>
    %get3A_1074 = arith.constant 0 : index
    %get3A_1075 = arith.constant 2 : index
    %get3A_1076 = vector.load %arg1[%get3A_1074, %get3A_1075] : memref<128x24xf32, #tpu.memory_space<vmem>>, vector<128x1xf32>
    %get3A_1077 = vector.shape_cast %get3A_1076 : vector<128x1xf32> to vector<128xf32>
    %broadcast_in_dim3A_1078 = vector.shape_cast %get3A_1077 : vector<128xf32> to vector<128x1xf32>
    %sub3A_1079 = vector.broadcast %broadcast_in_dim3A_1078 : vector<128x1xf32> to vector<128x512xf32>
    %sub3A_1080 = vector.broadcast %get3A_1057 : vector<1x512xf32> to vector<128x512xf32>
    %sub3A_1081 = arith.subf %sub3A_1079, %sub3A_1080 : vector<128x512xf32>
    %mul3A_1082 = arith.mulf %sub3A_1065, %sub3A_1065 : vector<128x512xf32>
    %mul3A_1083 = arith.mulf %sub3A_1073, %sub3A_1073 : vector<128x512xf32>
    %add3A_1084 = arith.addf %mul3A_1082, %mul3A_1083 : vector<128x512xf32>
    %mul3A_1085 = arith.mulf %sub3A_1081, %sub3A_1081 : vector<128x512xf32>
    %add3A_1086 = arith.addf %add3A_1084, %mul3A_1085 : vector<128x512xf32>
    %get3A_1087 = arith.constant 0 : index
    %get3A_1088 = arith.constant 3 : index
    %get3A_1089 = vector.load %arg1[%get3A_1087, %get3A_1088] : memref<128x24xf32, #tpu.memory_space<vmem>>, vector<128x1xf32>
    %get3A_1090 = vector.shape_cast %get3A_1089 : vector<128x1xf32> to vector<128xf32>
    %broadcast_in_dim3A_1091 = vector.shape_cast %get3A_1090 : vector<128xf32> to vector<128x1xf32>
    %sub3A_1092 = vector.broadcast %broadcast_in_dim3A_1091 : vector<128x1xf32> to vector<128x512xf32>
    %sub3A_1093 = vector.broadcast %get3A_1051 : vector<1x512xf32> to vector<128x512xf32>
    %sub3A_1094 = arith.subf %sub3A_1092, %sub3A_1093 : vector<128x512xf32>
    %get3A_1095 = arith.constant 0 : index
    %get3A_1096 = arith.constant 4 : index
    %get3A_1097 = vector.load %arg1[%get3A_1095, %get3A_1096] : memref<128x24xf32, #tpu.memory_space<vmem>>, vector<128x1xf32>
    %get3A_1098 = vector.shape_cast %get3A_1097 : vector<128x1xf32> to vector<128xf32>
    %broadcast_in_dim3A_1099 = vector.shape_cast %get3A_1098 : vector<128xf32> to vector<128x1xf32>
    %sub3A_1100 = vector.broadcast %broadcast_in_dim3A_1099 : vector<128x1xf32> to vector<128x512xf32>
    %sub3A_1101 = vector.broadcast %get3A_1054 : vector<1x512xf32> to vector<128x512xf32>
    %sub3A_1102 = arith.subf %sub3A_1100, %sub3A_1101 : vector<128x512xf32>
    %get3A_1103 = arith.constant 0 : index
    %get3A_1104 = arith.constant 5 : index
    %get3A_1105 = vector.load %arg1[%get3A_1103, %get3A_1104] : memref<128x24xf32, #tpu.memory_space<vmem>>, vector<128x1xf32>
    %get3A_1106 = vector.shape_cast %get3A_1105 : vector<128x1xf32> to vector<128xf32>
    %broadcast_in_dim3A_1107 = vector.shape_cast %get3A_1106 : vector<128xf32> to vector<128x1xf32>
    %sub3A_1108 = vector.broadcast %broadcast_in_dim3A_1107 : vector<128x1xf32> to vector<128x512xf32>
    %sub3A_1109 = vector.broadcast %get3A_1057 : vector<1x512xf32> to vector<128x512xf32>
    %sub3A_1110 = arith.subf %sub3A_1108, %sub3A_1109 : vector<128x512xf32>
    %mul3A_1111 = arith.mulf %sub3A_1094, %sub3A_1094 : vector<128x512xf32>
    %mul3A_1112 = arith.mulf %sub3A_1102, %sub3A_1102 : vector<128x512xf32>
    %add3A_1113 = arith.addf %mul3A_1111, %mul3A_1112 : vector<128x512xf32>
    %mul3A_1114 = arith.mulf %sub3A_1110, %sub3A_1110 : vector<128x512xf32>
    %add3A_1115 = arith.addf %add3A_1113, %mul3A_1114 : vector<128x512xf32>
    %min3A_1116 = arith.minimumf %add3A_1086, %add3A_1115 : vector<128x512xf32>
    %get3A_1117 = arith.constant 0 : index
    %get3A_1118 = arith.constant 6 : index
    %get3A_1119 = vector.load %arg1[%get3A_1117, %get3A_1118] : memref<128x24xf32, #tpu.memory_space<vmem>>, vector<128x1xf32>
    %get3A_1120 = vector.shape_cast %get3A_1119 : vector<128x1xf32> to vector<128xf32>
    %broadcast_in_dim3A_1121 = vector.shape_cast %get3A_1120 : vector<128xf32> to vector<128x1xf32>
    %sub3A_1122 = vector.broadcast %broadcast_in_dim3A_1121 : vector<128x1xf32> to vector<128x512xf32>
    %sub3A_1123 = vector.broadcast %get3A_1051 : vector<1x512xf32> to vector<128x512xf32>
    %sub3A_1124 = arith.subf %sub3A_1122, %sub3A_1123 : vector<128x512xf32>
    %get3A_1125 = arith.constant 0 : index
    %get3A_1126 = arith.constant 7 : index
    %get3A_1127 = vector.load %arg1[%get3A_1125, %get3A_1126] : memref<128x24xf32, #tpu.memory_space<vmem>>, vector<128x1xf32>
    %get3A_1128 = vector.shape_cast %get3A_1127 : vector<128x1xf32> to vector<128xf32>
    %broadcast_in_dim3A_1129 = vector.shape_cast %get3A_1128 : vector<128xf32> to vector<128x1xf32>
    %sub3A_1130 = vector.broadcast %broadcast_in_dim3A_1129 : vector<128x1xf32> to vector<128x512xf32>
    %sub3A_1131 = vector.broadcast %get3A_1054 : vector<1x512xf32> to vector<128x512xf32>
    %sub3A_1132 = arith.subf %sub3A_1130, %sub3A_1131 : vector<128x512xf32>
    %get3A_1133 = arith.constant 0 : index
    %get3A_1134 = arith.constant 8 : index
    %get3A_1135 = vector.load %arg1[%get3A_1133, %get3A_1134] : memref<128x24xf32, #tpu.memory_space<vmem>>, vector<128x1xf32>
    %get3A_1136 = vector.shape_cast %get3A_1135 : vector<128x1xf32> to vector<128xf32>
    %broadcast_in_dim3A_1137 = vector.shape_cast %get3A_1136 : vector<128xf32> to vector<128x1xf32>
    %sub3A_1138 = vector.broadcast %broadcast_in_dim3A_1137 : vector<128x1xf32> to vector<128x512xf32>
    %sub3A_1139 = vector.broadcast %get3A_1057 : vector<1x512xf32> to vector<128x512xf32>
    %sub3A_1140 = arith.subf %sub3A_1138, %sub3A_1139 : vector<128x512xf32>
    %mul3A_1141 = arith.mulf %sub3A_1124, %sub3A_1124 : vector<128x512xf32>
    %mul3A_1142 = arith.mulf %sub3A_1132, %sub3A_1132 : vector<128x512xf32>
    %add3A_1143 = arith.addf %mul3A_1141, %mul3A_1142 : vector<128x512xf32>
    %mul3A_1144 = arith.mulf %sub3A_1140, %sub3A_1140 : vector<128x512xf32>
    %add3A_1145 = arith.addf %add3A_1143, %mul3A_1144 : vector<128x512xf32>
    %min3A_1146 = arith.minimumf %min3A_1116, %add3A_1145 : vector<128x512xf32>
    %get3A_1147 = arith.constant 0 : index
    %get3A_1148 = arith.constant 9 : index
    %get3A_1149 = vector.load %arg1[%get3A_1147, %get3A_1148] : memref<128x24xf32, #tpu.memory_space<vmem>>, vector<128x1xf32>
    %get3A_1150 = vector.shape_cast %get3A_1149 : vector<128x1xf32> to vector<128xf32>
    %broadcast_in_dim3A_1151 = vector.shape_cast %get3A_1150 : vector<128xf32> to vector<128x1xf32>
    %sub3A_1152 = vector.broadcast %broadcast_in_dim3A_1151 : vector<128x1xf32> to vector<128x512xf32>
    %sub3A_1153 = vector.broadcast %get3A_1051 : vector<1x512xf32> to vector<128x512xf32>
    %sub3A_1154 = arith.subf %sub3A_1152, %sub3A_1153 : vector<128x512xf32>
    %get3A_1155 = arith.constant 0 : index
    %get3A_1156 = arith.constant 10 : index
    %get3A_1157 = vector.load %arg1[%get3A_1155, %get3A_1156] : memref<128x24xf32, #tpu.memory_space<vmem>>, vector<128x1xf32>
    %get3A_1158 = vector.shape_cast %get3A_1157 : vector<128x1xf32> to vector<128xf32>
    %broadcast_in_dim3A_1159 = vector.shape_cast %get3A_1158 : vector<128xf32> to vector<128x1xf32>
    %sub3A_1160 = vector.broadcast %broadcast_in_dim3A_1159 : vector<128x1xf32> to vector<128x512xf32>
    %sub3A_1161 = vector.broadcast %get3A_1054 : vector<1x512xf32> to vector<128x512xf32>
    %sub3A_1162 = arith.subf %sub3A_1160, %sub3A_1161 : vector<128x512xf32>
    %get3A_1163 = arith.constant 0 : index
    %get3A_1164 = arith.constant 11 : index
    %get3A_1165 = vector.load %arg1[%get3A_1163, %get3A_1164] : memref<128x24xf32, #tpu.memory_space<vmem>>, vector<128x1xf32>
    %get3A_1166 = vector.shape_cast %get3A_1165 : vector<128x1xf32> to vector<128xf32>
    %broadcast_in_dim3A_1167 = vector.shape_cast %get3A_1166 : vector<128xf32> to vector<128x1xf32>
    %sub3A_1168 = vector.broadcast %broadcast_in_dim3A_1167 : vector<128x1xf32> to vector<128x512xf32>
    %sub3A_1169 = vector.broadcast %get3A_1057 : vector<1x512xf32> to vector<128x512xf32>
    %sub3A_1170 = arith.subf %sub3A_1168, %sub3A_1169 : vector<128x512xf32>
    %mul3A_1171 = arith.mulf %sub3A_1154, %sub3A_1154 : vector<128x512xf32>
    %mul3A_1172 = arith.mulf %sub3A_1162, %sub3A_1162 : vector<128x512xf32>
    %add3A_1173 = arith.addf %mul3A_1171, %mul3A_1172 : vector<128x512xf32>
    %mul3A_1174 = arith.mulf %sub3A_1170, %sub3A_1170 : vector<128x512xf32>
    %add3A_1175 = arith.addf %add3A_1173, %mul3A_1174 : vector<128x512xf32>
    %min3A_1176 = arith.minimumf %min3A_1146, %add3A_1175 : vector<128x512xf32>
    %get3A_1177 = arith.constant 0 : index
    %get3A_1178 = arith.constant 12 : index
    %get3A_1179 = vector.load %arg1[%get3A_1177, %get3A_1178] : memref<128x24xf32, #tpu.memory_space<vmem>>, vector<128x1xf32>
    %get3A_1180 = vector.shape_cast %get3A_1179 : vector<128x1xf32> to vector<128xf32>
    %broadcast_in_dim3A_1181 = vector.shape_cast %get3A_1180 : vector<128xf32> to vector<128x1xf32>
    %sub3A_1182 = vector.broadcast %broadcast_in_dim3A_1181 : vector<128x1xf32> to vector<128x512xf32>
    %sub3A_1183 = vector.broadcast %get3A_1051 : vector<1x512xf32> to vector<128x512xf32>
    %sub3A_1184 = arith.subf %sub3A_1182, %sub3A_1183 : vector<128x512xf32>
    %get3A_1185 = arith.constant 0 : index
    %get3A_1186 = arith.constant 13 : index
    %get3A_1187 = vector.load %arg1[%get3A_1185, %get3A_1186] : memref<128x24xf32, #tpu.memory_space<vmem>>, vector<128x1xf32>
    %get3A_1188 = vector.shape_cast %get3A_1187 : vector<128x1xf32> to vector<128xf32>
    %broadcast_in_dim3A_1189 = vector.shape_cast %get3A_1188 : vector<128xf32> to vector<128x1xf32>
    %sub3A_1190 = vector.broadcast %broadcast_in_dim3A_1189 : vector<128x1xf32> to vector<128x512xf32>
    %sub3A_1191 = vector.broadcast %get3A_1054 : vector<1x512xf32> to vector<128x512xf32>
    %sub3A_1192 = arith.subf %sub3A_1190, %sub3A_1191 : vector<128x512xf32>
    %get3A_1193 = arith.constant 0 : index
    %get3A_1194 = arith.constant 14 : index
    %get3A_1195 = vector.load %arg1[%get3A_1193, %get3A_1194] : memref<128x24xf32, #tpu.memory_space<vmem>>, vector<128x1xf32>
    %get3A_1196 = vector.shape_cast %get3A_1195 : vector<128x1xf32> to vector<128xf32>
    %broadcast_in_dim3A_1197 = vector.shape_cast %get3A_1196 : vector<128xf32> to vector<128x1xf32>
    %sub3A_1198 = vector.broadcast %broadcast_in_dim3A_1197 : vector<128x1xf32> to vector<128x512xf32>
    %sub3A_1199 = vector.broadcast %get3A_1057 : vector<1x512xf32> to vector<128x512xf32>
    %sub3A_1200 = arith.subf %sub3A_1198, %sub3A_1199 : vector<128x512xf32>
    %mul3A_1201 = arith.mulf %sub3A_1184, %sub3A_1184 : vector<128x512xf32>
    %mul3A_1202 = arith.mulf %sub3A_1192, %sub3A_1192 : vector<128x512xf32>
    %add3A_1203 = arith.addf %mul3A_1201, %mul3A_1202 : vector<128x512xf32>
    %mul3A_1204 = arith.mulf %sub3A_1200, %sub3A_1200 : vector<128x512xf32>
    %add3A_1205 = arith.addf %add3A_1203, %mul3A_1204 : vector<128x512xf32>
    %min3A_1206 = arith.minimumf %min3A_1176, %add3A_1205 : vector<128x512xf32>
    %get3A_1207 = arith.constant 0 : index
    %get3A_1208 = arith.constant 15 : index
    %get3A_1209 = vector.load %arg1[%get3A_1207, %get3A_1208] : memref<128x24xf32, #tpu.memory_space<vmem>>, vector<128x1xf32>
    %get3A_1210 = vector.shape_cast %get3A_1209 : vector<128x1xf32> to vector<128xf32>
    %broadcast_in_dim3A_1211 = vector.shape_cast %get3A_1210 : vector<128xf32> to vector<128x1xf32>
    %sub3A_1212 = vector.broadcast %broadcast_in_dim3A_1211 : vector<128x1xf32> to vector<128x512xf32>
    %sub3A_1213 = vector.broadcast %get3A_1051 : vector<1x512xf32> to vector<128x512xf32>
    %sub3A_1214 = arith.subf %sub3A_1212, %sub3A_1213 : vector<128x512xf32>
    %get3A_1215 = arith.constant 0 : index
    %get3A_1216 = arith.constant 16 : index
    %get3A_1217 = vector.load %arg1[%get3A_1215, %get3A_1216] : memref<128x24xf32, #tpu.memory_space<vmem>>, vector<128x1xf32>
    %get3A_1218 = vector.shape_cast %get3A_1217 : vector<128x1xf32> to vector<128xf32>
    %broadcast_in_dim3A_1219 = vector.shape_cast %get3A_1218 : vector<128xf32> to vector<128x1xf32>
    %sub3A_1220 = vector.broadcast %broadcast_in_dim3A_1219 : vector<128x1xf32> to vector<128x512xf32>
    %sub3A_1221 = vector.broadcast %get3A_1054 : vector<1x512xf32> to vector<128x512xf32>
    %sub3A_1222 = arith.subf %sub3A_1220, %sub3A_1221 : vector<128x512xf32>
    %get3A_1223 = arith.constant 0 : index
    %get3A_1224 = arith.constant 17 : index
    %get3A_1225 = vector.load %arg1[%get3A_1223, %get3A_1224] : memref<128x24xf32, #tpu.memory_space<vmem>>, vector<128x1xf32>
    %get3A_1226 = vector.shape_cast %get3A_1225 : vector<128x1xf32> to vector<128xf32>
    %broadcast_in_dim3A_1227 = vector.shape_cast %get3A_1226 : vector<128xf32> to vector<128x1xf32>
    %sub3A_1228 = vector.broadcast %broadcast_in_dim3A_1227 : vector<128x1xf32> to vector<128x512xf32>
    %sub3A_1229 = vector.broadcast %get3A_1057 : vector<1x512xf32> to vector<128x512xf32>
    %sub3A_1230 = arith.subf %sub3A_1228, %sub3A_1229 : vector<128x512xf32>
    %mul3A_1231 = arith.mulf %sub3A_1214, %sub3A_1214 : vector<128x512xf32>
    %mul3A_1232 = arith.mulf %sub3A_1222, %sub3A_1222 : vector<128x512xf32>
    %add3A_1233 = arith.addf %mul3A_1231, %mul3A_1232 : vector<128x512xf32>
    %mul3A_1234 = arith.mulf %sub3A_1230, %sub3A_1230 : vector<128x512xf32>
    %add3A_1235 = arith.addf %add3A_1233, %mul3A_1234 : vector<128x512xf32>
    %min3A_1236 = arith.minimumf %min3A_1206, %add3A_1235 : vector<128x512xf32>
    %get3A_1237 = arith.constant 0 : index
    %get3A_1238 = arith.constant 18 : index
    %get3A_1239 = vector.load %arg1[%get3A_1237, %get3A_1238] : memref<128x24xf32, #tpu.memory_space<vmem>>, vector<128x1xf32>
    %get3A_1240 = vector.shape_cast %get3A_1239 : vector<128x1xf32> to vector<128xf32>
    %broadcast_in_dim3A_1241 = vector.shape_cast %get3A_1240 : vector<128xf32> to vector<128x1xf32>
    %sub3A_1242 = vector.broadcast %broadcast_in_dim3A_1241 : vector<128x1xf32> to vector<128x512xf32>
    %sub3A_1243 = vector.broadcast %get3A_1051 : vector<1x512xf32> to vector<128x512xf32>
    %sub3A_1244 = arith.subf %sub3A_1242, %sub3A_1243 : vector<128x512xf32>
    %get3A_1245 = arith.constant 0 : index
    %get3A_1246 = arith.constant 19 : index
    %get3A_1247 = vector.load %arg1[%get3A_1245, %get3A_1246] : memref<128x24xf32, #tpu.memory_space<vmem>>, vector<128x1xf32>
    %get3A_1248 = vector.shape_cast %get3A_1247 : vector<128x1xf32> to vector<128xf32>
    %broadcast_in_dim3A_1249 = vector.shape_cast %get3A_1248 : vector<128xf32> to vector<128x1xf32>
    %sub3A_1250 = vector.broadcast %broadcast_in_dim3A_1249 : vector<128x1xf32> to vector<128x512xf32>
    %sub3A_1251 = vector.broadcast %get3A_1054 : vector<1x512xf32> to vector<128x512xf32>
    %sub3A_1252 = arith.subf %sub3A_1250, %sub3A_1251 : vector<128x512xf32>
    %get3A_1253 = arith.constant 0 : index
    %get3A_1254 = arith.constant 20 : index
    %get3A_1255 = vector.load %arg1[%get3A_1253, %get3A_1254] : memref<128x24xf32, #tpu.memory_space<vmem>>, vector<128x1xf32>
    %get3A_1256 = vector.shape_cast %get3A_1255 : vector<128x1xf32> to vector<128xf32>
    %broadcast_in_dim3A_1257 = vector.shape_cast %get3A_1256 : vector<128xf32> to vector<128x1xf32>
    %sub3A_1258 = vector.broadcast %broadcast_in_dim3A_1257 : vector<128x1xf32> to vector<128x512xf32>
    %sub3A_1259 = vector.broadcast %get3A_1057 : vector<1x512xf32> to vector<128x512xf32>
    %sub3A_1260 = arith.subf %sub3A_1258, %sub3A_1259 : vector<128x512xf32>
    %mul3A_1261 = arith.mulf %sub3A_1244, %sub3A_1244 : vector<128x512xf32>
    %mul3A_1262 = arith.mulf %sub3A_1252, %sub3A_1252 : vector<128x512xf32>
    %add3A_1263 = arith.addf %mul3A_1261, %mul3A_1262 : vector<128x512xf32>
    %mul3A_1264 = arith.mulf %sub3A_1260, %sub3A_1260 : vector<128x512xf32>
    %add3A_1265 = arith.addf %add3A_1263, %mul3A_1264 : vector<128x512xf32>
    %min3A_1266 = arith.minimumf %min3A_1236, %add3A_1265 : vector<128x512xf32>
    %get3A_1267 = arith.constant 0 : index
    %get3A_1268 = arith.constant 21 : index
    %get3A_1269 = vector.load %arg1[%get3A_1267, %get3A_1268] : memref<128x24xf32, #tpu.memory_space<vmem>>, vector<128x1xf32>
    %get3A_1270 = vector.shape_cast %get3A_1269 : vector<128x1xf32> to vector<128xf32>
    %broadcast_in_dim3A_1271 = vector.shape_cast %get3A_1270 : vector<128xf32> to vector<128x1xf32>
    %sub3A_1272 = vector.broadcast %broadcast_in_dim3A_1271 : vector<128x1xf32> to vector<128x512xf32>
    %sub3A_1273 = vector.broadcast %get3A_1051 : vector<1x512xf32> to vector<128x512xf32>
    %sub3A_1274 = arith.subf %sub3A_1272, %sub3A_1273 : vector<128x512xf32>
    %get3A_1275 = arith.constant 0 : index
    %get3A_1276 = arith.constant 22 : index
    %get3A_1277 = vector.load %arg1[%get3A_1275, %get3A_1276] : memref<128x24xf32, #tpu.memory_space<vmem>>, vector<128x1xf32>
    %get3A_1278 = vector.shape_cast %get3A_1277 : vector<128x1xf32> to vector<128xf32>
    %broadcast_in_dim3A_1279 = vector.shape_cast %get3A_1278 : vector<128xf32> to vector<128x1xf32>
    %sub3A_1280 = vector.broadcast %broadcast_in_dim3A_1279 : vector<128x1xf32> to vector<128x512xf32>
    %sub3A_1281 = vector.broadcast %get3A_1054 : vector<1x512xf32> to vector<128x512xf32>
    %sub3A_1282 = arith.subf %sub3A_1280, %sub3A_1281 : vector<128x512xf32>
    %get3A_1283 = arith.constant 0 : index
    %get3A_1284 = arith.constant 23 : index
    %get3A_1285 = vector.load %arg1[%get3A_1283, %get3A_1284] : memref<128x24xf32, #tpu.memory_space<vmem>>, vector<128x1xf32>
    %get3A_1286 = vector.shape_cast %get3A_1285 : vector<128x1xf32> to vector<128xf32>
    %broadcast_in_dim3A_1287 = vector.shape_cast %get3A_1286 : vector<128xf32> to vector<128x1xf32>
    %sub3A_1288 = vector.broadcast %broadcast_in_dim3A_1287 : vector<128x1xf32> to vector<128x512xf32>
    %sub3A_1289 = vector.broadcast %get3A_1057 : vector<1x512xf32> to vector<128x512xf32>
    %sub3A_1290 = arith.subf %sub3A_1288, %sub3A_1289 : vector<128x512xf32>
    %mul3A_1291 = arith.mulf %sub3A_1274, %sub3A_1274 : vector<128x512xf32>
    %mul3A_1292 = arith.mulf %sub3A_1282, %sub3A_1282 : vector<128x512xf32>
    %add3A_1293 = arith.addf %mul3A_1291, %mul3A_1292 : vector<128x512xf32>
    %mul3A_1294 = arith.mulf %sub3A_1290, %sub3A_1290 : vector<128x512xf32>
    %add3A_1295 = arith.addf %add3A_1293, %mul3A_1294 : vector<128x512xf32>
    %min3A_1296 = arith.minimumf %min3A_1266, %add3A_1295 : vector<128x512xf32>
    %reduce_min3A_1297 = arith.constant dense<0x7F800000> : vector<128xf32>
    %reduce_min3A_1298 = vector.multi_reduction <minimumf>, %min3A_1296, %reduce_min3A_1297 [1] : vector<128x512xf32> to vector<128xf32>
    %broadcast_in_dim3A_1299 = vector.shape_cast %reduce_min3A_1298 : vector<128xf32> to vector<128x1xf32>
    %iota3A_1300 = tpu.iota {dimensions = array<i32: 1>} : vector<128x512xi32>
    %add3A_1301 = arith.constant 2048 : i32
    %add3A_1302 = vector.broadcast %add3A_1301 : i32 to vector<128x512xi32>
    %add3A_1303 = arith.addi %iota3A_1300, %add3A_1302 : vector<128x512xi32>
    %eq3A_1304 = vector.broadcast %broadcast_in_dim3A_1299 : vector<128x1xf32> to vector<128x512xf32>
    %eq3A_1305 = arith.cmpf oeq, %min3A_1296, %eq3A_1304 : vector<128x512xf32>
    %jit3A_1306 = arith.constant 4096 : i32
    %broadcast_in_dim3A_1307 = vector.broadcast %jit3A_1306 : i32 to vector<128x512xi32>
    %select_n3A_1308 = arith.select %eq3A_1305, %add3A_1303, %broadcast_in_dim3A_1307 : vector<128x512xi1>, vector<128x512xi32>
    %reduce_min3A_1309 = arith.constant dense<2147483647> : vector<128xi32>
    %reduce_min3A_1310 = vector.multi_reduction <minsi>, %select_n3A_1308, %reduce_min3A_1309 [1] : vector<128x512xi32> to vector<128xi32>
    %broadcast_in_dim3A_1311 = vector.shape_cast %reduce_min3A_1310 : vector<128xi32> to vector<128x1xi32>
    %lt3A_1312 = arith.cmpf olt, %broadcast_in_dim3A_1299, %select_n3A_1048 : vector<128x1xf32>
    %select_n3A_1313 = arith.select %lt3A_1312, %broadcast_in_dim3A_1311, %select_n3A_1047 : vector<128x1xi1>, vector<128x1xi32>
    %select_n3A_1314 = arith.select %lt3A_1312, %broadcast_in_dim3A_1299, %select_n3A_1048 : vector<128x1xi1>, vector<128x1xf32>
    %get3A_1315 = arith.constant 0 : index
    %get3A_1316 = arith.constant 2560 : index
    %get3A_1317 = vector.load %arg2[%get3A_1315, %get3A_1316] : memref<3x4096xf32, #tpu.memory_space<vmem>>, vector<1x512xf32>
    %get3A_1318 = arith.constant 1 : index
    %get3A_1319 = arith.constant 2560 : index
    %get3A_1320 = vector.load %arg2[%get3A_1318, %get3A_1319] : memref<3x4096xf32, #tpu.memory_space<vmem>>, vector<1x512xf32>
    %get3A_1321 = arith.constant 2 : index
    %get3A_1322 = arith.constant 2560 : index
    %get3A_1323 = vector.load %arg2[%get3A_1321, %get3A_1322] : memref<3x4096xf32, #tpu.memory_space<vmem>>, vector<1x512xf32>
    %get3A_1324 = arith.constant 0 : index
    %get3A_1325 = arith.constant 0 : index
    %get3A_1326 = vector.load %arg1[%get3A_1324, %get3A_1325] : memref<128x24xf32, #tpu.memory_space<vmem>>, vector<128x1xf32>
    %get3A_1327 = vector.shape_cast %get3A_1326 : vector<128x1xf32> to vector<128xf32>
    %broadcast_in_dim3A_1328 = vector.shape_cast %get3A_1327 : vector<128xf32> to vector<128x1xf32>
    %sub3A_1329 = vector.broadcast %broadcast_in_dim3A_1328 : vector<128x1xf32> to vector<128x512xf32>
    %sub3A_1330 = vector.broadcast %get3A_1317 : vector<1x512xf32> to vector<128x512xf32>
    %sub3A_1331 = arith.subf %sub3A_1329, %sub3A_1330 : vector<128x512xf32>
    %get3A_1332 = arith.constant 0 : index
    %get3A_1333 = arith.constant 1 : index
    %get3A_1334 = vector.load %arg1[%get3A_1332, %get3A_1333] : memref<128x24xf32, #tpu.memory_space<vmem>>, vector<128x1xf32>
    %get3A_1335 = vector.shape_cast %get3A_1334 : vector<128x1xf32> to vector<128xf32>
    %broadcast_in_dim3A_1336 = vector.shape_cast %get3A_1335 : vector<128xf32> to vector<128x1xf32>
    %sub3A_1337 = vector.broadcast %broadcast_in_dim3A_1336 : vector<128x1xf32> to vector<128x512xf32>
    %sub3A_1338 = vector.broadcast %get3A_1320 : vector<1x512xf32> to vector<128x512xf32>
    %sub3A_1339 = arith.subf %sub3A_1337, %sub3A_1338 : vector<128x512xf32>
    %get3A_1340 = arith.constant 0 : index
    %get3A_1341 = arith.constant 2 : index
    %get3A_1342 = vector.load %arg1[%get3A_1340, %get3A_1341] : memref<128x24xf32, #tpu.memory_space<vmem>>, vector<128x1xf32>
    %get3A_1343 = vector.shape_cast %get3A_1342 : vector<128x1xf32> to vector<128xf32>
    %broadcast_in_dim3A_1344 = vector.shape_cast %get3A_1343 : vector<128xf32> to vector<128x1xf32>
    %sub3A_1345 = vector.broadcast %broadcast_in_dim3A_1344 : vector<128x1xf32> to vector<128x512xf32>
    %sub3A_1346 = vector.broadcast %get3A_1323 : vector<1x512xf32> to vector<128x512xf32>
    %sub3A_1347 = arith.subf %sub3A_1345, %sub3A_1346 : vector<128x512xf32>
    %mul3A_1348 = arith.mulf %sub3A_1331, %sub3A_1331 : vector<128x512xf32>
    %mul3A_1349 = arith.mulf %sub3A_1339, %sub3A_1339 : vector<128x512xf32>
    %add3A_1350 = arith.addf %mul3A_1348, %mul3A_1349 : vector<128x512xf32>
    %mul3A_1351 = arith.mulf %sub3A_1347, %sub3A_1347 : vector<128x512xf32>
    %add3A_1352 = arith.addf %add3A_1350, %mul3A_1351 : vector<128x512xf32>
    %get3A_1353 = arith.constant 0 : index
    %get3A_1354 = arith.constant 3 : index
    %get3A_1355 = vector.load %arg1[%get3A_1353, %get3A_1354] : memref<128x24xf32, #tpu.memory_space<vmem>>, vector<128x1xf32>
    %get3A_1356 = vector.shape_cast %get3A_1355 : vector<128x1xf32> to vector<128xf32>
    %broadcast_in_dim3A_1357 = vector.shape_cast %get3A_1356 : vector<128xf32> to vector<128x1xf32>
    %sub3A_1358 = vector.broadcast %broadcast_in_dim3A_1357 : vector<128x1xf32> to vector<128x512xf32>
    %sub3A_1359 = vector.broadcast %get3A_1317 : vector<1x512xf32> to vector<128x512xf32>
    %sub3A_1360 = arith.subf %sub3A_1358, %sub3A_1359 : vector<128x512xf32>
    %get3A_1361 = arith.constant 0 : index
    %get3A_1362 = arith.constant 4 : index
    %get3A_1363 = vector.load %arg1[%get3A_1361, %get3A_1362] : memref<128x24xf32, #tpu.memory_space<vmem>>, vector<128x1xf32>
    %get3A_1364 = vector.shape_cast %get3A_1363 : vector<128x1xf32> to vector<128xf32>
    %broadcast_in_dim3A_1365 = vector.shape_cast %get3A_1364 : vector<128xf32> to vector<128x1xf32>
    %sub3A_1366 = vector.broadcast %broadcast_in_dim3A_1365 : vector<128x1xf32> to vector<128x512xf32>
    %sub3A_1367 = vector.broadcast %get3A_1320 : vector<1x512xf32> to vector<128x512xf32>
    %sub3A_1368 = arith.subf %sub3A_1366, %sub3A_1367 : vector<128x512xf32>
    %get3A_1369 = arith.constant 0 : index
    %get3A_1370 = arith.constant 5 : index
    %get3A_1371 = vector.load %arg1[%get3A_1369, %get3A_1370] : memref<128x24xf32, #tpu.memory_space<vmem>>, vector<128x1xf32>
    %get3A_1372 = vector.shape_cast %get3A_1371 : vector<128x1xf32> to vector<128xf32>
    %broadcast_in_dim3A_1373 = vector.shape_cast %get3A_1372 : vector<128xf32> to vector<128x1xf32>
    %sub3A_1374 = vector.broadcast %broadcast_in_dim3A_1373 : vector<128x1xf32> to vector<128x512xf32>
    %sub3A_1375 = vector.broadcast %get3A_1323 : vector<1x512xf32> to vector<128x512xf32>
    %sub3A_1376 = arith.subf %sub3A_1374, %sub3A_1375 : vector<128x512xf32>
    %mul3A_1377 = arith.mulf %sub3A_1360, %sub3A_1360 : vector<128x512xf32>
    %mul3A_1378 = arith.mulf %sub3A_1368, %sub3A_1368 : vector<128x512xf32>
    %add3A_1379 = arith.addf %mul3A_1377, %mul3A_1378 : vector<128x512xf32>
    %mul3A_1380 = arith.mulf %sub3A_1376, %sub3A_1376 : vector<128x512xf32>
    %add3A_1381 = arith.addf %add3A_1379, %mul3A_1380 : vector<128x512xf32>
    %min3A_1382 = arith.minimumf %add3A_1352, %add3A_1381 : vector<128x512xf32>
    %get3A_1383 = arith.constant 0 : index
    %get3A_1384 = arith.constant 6 : index
    %get3A_1385 = vector.load %arg1[%get3A_1383, %get3A_1384] : memref<128x24xf32, #tpu.memory_space<vmem>>, vector<128x1xf32>
    %get3A_1386 = vector.shape_cast %get3A_1385 : vector<128x1xf32> to vector<128xf32>
    %broadcast_in_dim3A_1387 = vector.shape_cast %get3A_1386 : vector<128xf32> to vector<128x1xf32>
    %sub3A_1388 = vector.broadcast %broadcast_in_dim3A_1387 : vector<128x1xf32> to vector<128x512xf32>
    %sub3A_1389 = vector.broadcast %get3A_1317 : vector<1x512xf32> to vector<128x512xf32>
    %sub3A_1390 = arith.subf %sub3A_1388, %sub3A_1389 : vector<128x512xf32>
    %get3A_1391 = arith.constant 0 : index
    %get3A_1392 = arith.constant 7 : index
    %get3A_1393 = vector.load %arg1[%get3A_1391, %get3A_1392] : memref<128x24xf32, #tpu.memory_space<vmem>>, vector<128x1xf32>
    %get3A_1394 = vector.shape_cast %get3A_1393 : vector<128x1xf32> to vector<128xf32>
    %broadcast_in_dim3A_1395 = vector.shape_cast %get3A_1394 : vector<128xf32> to vector<128x1xf32>
    %sub3A_1396 = vector.broadcast %broadcast_in_dim3A_1395 : vector<128x1xf32> to vector<128x512xf32>
    %sub3A_1397 = vector.broadcast %get3A_1320 : vector<1x512xf32> to vector<128x512xf32>
    %sub3A_1398 = arith.subf %sub3A_1396, %sub3A_1397 : vector<128x512xf32>
    %get3A_1399 = arith.constant 0 : index
    %get3A_1400 = arith.constant 8 : index
    %get3A_1401 = vector.load %arg1[%get3A_1399, %get3A_1400] : memref<128x24xf32, #tpu.memory_space<vmem>>, vector<128x1xf32>
    %get3A_1402 = vector.shape_cast %get3A_1401 : vector<128x1xf32> to vector<128xf32>
    %broadcast_in_dim3A_1403 = vector.shape_cast %get3A_1402 : vector<128xf32> to vector<128x1xf32>
    %sub3A_1404 = vector.broadcast %broadcast_in_dim3A_1403 : vector<128x1xf32> to vector<128x512xf32>
    %sub3A_1405 = vector.broadcast %get3A_1323 : vector<1x512xf32> to vector<128x512xf32>
    %sub3A_1406 = arith.subf %sub3A_1404, %sub3A_1405 : vector<128x512xf32>
    %mul3A_1407 = arith.mulf %sub3A_1390, %sub3A_1390 : vector<128x512xf32>
    %mul3A_1408 = arith.mulf %sub3A_1398, %sub3A_1398 : vector<128x512xf32>
    %add3A_1409 = arith.addf %mul3A_1407, %mul3A_1408 : vector<128x512xf32>
    %mul3A_1410 = arith.mulf %sub3A_1406, %sub3A_1406 : vector<128x512xf32>
    %add3A_1411 = arith.addf %add3A_1409, %mul3A_1410 : vector<128x512xf32>
    %min3A_1412 = arith.minimumf %min3A_1382, %add3A_1411 : vector<128x512xf32>
    %get3A_1413 = arith.constant 0 : index
    %get3A_1414 = arith.constant 9 : index
    %get3A_1415 = vector.load %arg1[%get3A_1413, %get3A_1414] : memref<128x24xf32, #tpu.memory_space<vmem>>, vector<128x1xf32>
    %get3A_1416 = vector.shape_cast %get3A_1415 : vector<128x1xf32> to vector<128xf32>
    %broadcast_in_dim3A_1417 = vector.shape_cast %get3A_1416 : vector<128xf32> to vector<128x1xf32>
    %sub3A_1418 = vector.broadcast %broadcast_in_dim3A_1417 : vector<128x1xf32> to vector<128x512xf32>
    %sub3A_1419 = vector.broadcast %get3A_1317 : vector<1x512xf32> to vector<128x512xf32>
    %sub3A_1420 = arith.subf %sub3A_1418, %sub3A_1419 : vector<128x512xf32>
    %get3A_1421 = arith.constant 0 : index
    %get3A_1422 = arith.constant 10 : index
    %get3A_1423 = vector.load %arg1[%get3A_1421, %get3A_1422] : memref<128x24xf32, #tpu.memory_space<vmem>>, vector<128x1xf32>
    %get3A_1424 = vector.shape_cast %get3A_1423 : vector<128x1xf32> to vector<128xf32>
    %broadcast_in_dim3A_1425 = vector.shape_cast %get3A_1424 : vector<128xf32> to vector<128x1xf32>
    %sub3A_1426 = vector.broadcast %broadcast_in_dim3A_1425 : vector<128x1xf32> to vector<128x512xf32>
    %sub3A_1427 = vector.broadcast %get3A_1320 : vector<1x512xf32> to vector<128x512xf32>
    %sub3A_1428 = arith.subf %sub3A_1426, %sub3A_1427 : vector<128x512xf32>
    %get3A_1429 = arith.constant 0 : index
    %get3A_1430 = arith.constant 11 : index
    %get3A_1431 = vector.load %arg1[%get3A_1429, %get3A_1430] : memref<128x24xf32, #tpu.memory_space<vmem>>, vector<128x1xf32>
    %get3A_1432 = vector.shape_cast %get3A_1431 : vector<128x1xf32> to vector<128xf32>
    %broadcast_in_dim3A_1433 = vector.shape_cast %get3A_1432 : vector<128xf32> to vector<128x1xf32>
    %sub3A_1434 = vector.broadcast %broadcast_in_dim3A_1433 : vector<128x1xf32> to vector<128x512xf32>
    %sub3A_1435 = vector.broadcast %get3A_1323 : vector<1x512xf32> to vector<128x512xf32>
    %sub3A_1436 = arith.subf %sub3A_1434, %sub3A_1435 : vector<128x512xf32>
    %mul3A_1437 = arith.mulf %sub3A_1420, %sub3A_1420 : vector<128x512xf32>
    %mul3A_1438 = arith.mulf %sub3A_1428, %sub3A_1428 : vector<128x512xf32>
    %add3A_1439 = arith.addf %mul3A_1437, %mul3A_1438 : vector<128x512xf32>
    %mul3A_1440 = arith.mulf %sub3A_1436, %sub3A_1436 : vector<128x512xf32>
    %add3A_1441 = arith.addf %add3A_1439, %mul3A_1440 : vector<128x512xf32>
    %min3A_1442 = arith.minimumf %min3A_1412, %add3A_1441 : vector<128x512xf32>
    %get3A_1443 = arith.constant 0 : index
    %get3A_1444 = arith.constant 12 : index
    %get3A_1445 = vector.load %arg1[%get3A_1443, %get3A_1444] : memref<128x24xf32, #tpu.memory_space<vmem>>, vector<128x1xf32>
    %get3A_1446 = vector.shape_cast %get3A_1445 : vector<128x1xf32> to vector<128xf32>
    %broadcast_in_dim3A_1447 = vector.shape_cast %get3A_1446 : vector<128xf32> to vector<128x1xf32>
    %sub3A_1448 = vector.broadcast %broadcast_in_dim3A_1447 : vector<128x1xf32> to vector<128x512xf32>
    %sub3A_1449 = vector.broadcast %get3A_1317 : vector<1x512xf32> to vector<128x512xf32>
    %sub3A_1450 = arith.subf %sub3A_1448, %sub3A_1449 : vector<128x512xf32>
    %get3A_1451 = arith.constant 0 : index
    %get3A_1452 = arith.constant 13 : index
    %get3A_1453 = vector.load %arg1[%get3A_1451, %get3A_1452] : memref<128x24xf32, #tpu.memory_space<vmem>>, vector<128x1xf32>
    %get3A_1454 = vector.shape_cast %get3A_1453 : vector<128x1xf32> to vector<128xf32>
    %broadcast_in_dim3A_1455 = vector.shape_cast %get3A_1454 : vector<128xf32> to vector<128x1xf32>
    %sub3A_1456 = vector.broadcast %broadcast_in_dim3A_1455 : vector<128x1xf32> to vector<128x512xf32>
    %sub3A_1457 = vector.broadcast %get3A_1320 : vector<1x512xf32> to vector<128x512xf32>
    %sub3A_1458 = arith.subf %sub3A_1456, %sub3A_1457 : vector<128x512xf32>
    %get3A_1459 = arith.constant 0 : index
    %get3A_1460 = arith.constant 14 : index
    %get3A_1461 = vector.load %arg1[%get3A_1459, %get3A_1460] : memref<128x24xf32, #tpu.memory_space<vmem>>, vector<128x1xf32>
    %get3A_1462 = vector.shape_cast %get3A_1461 : vector<128x1xf32> to vector<128xf32>
    %broadcast_in_dim3A_1463 = vector.shape_cast %get3A_1462 : vector<128xf32> to vector<128x1xf32>
    %sub3A_1464 = vector.broadcast %broadcast_in_dim3A_1463 : vector<128x1xf32> to vector<128x512xf32>
    %sub3A_1465 = vector.broadcast %get3A_1323 : vector<1x512xf32> to vector<128x512xf32>
    %sub3A_1466 = arith.subf %sub3A_1464, %sub3A_1465 : vector<128x512xf32>
    %mul3A_1467 = arith.mulf %sub3A_1450, %sub3A_1450 : vector<128x512xf32>
    %mul3A_1468 = arith.mulf %sub3A_1458, %sub3A_1458 : vector<128x512xf32>
    %add3A_1469 = arith.addf %mul3A_1467, %mul3A_1468 : vector<128x512xf32>
    %mul3A_1470 = arith.mulf %sub3A_1466, %sub3A_1466 : vector<128x512xf32>
    %add3A_1471 = arith.addf %add3A_1469, %mul3A_1470 : vector<128x512xf32>
    %min3A_1472 = arith.minimumf %min3A_1442, %add3A_1471 : vector<128x512xf32>
    %get3A_1473 = arith.constant 0 : index
    %get3A_1474 = arith.constant 15 : index
    %get3A_1475 = vector.load %arg1[%get3A_1473, %get3A_1474] : memref<128x24xf32, #tpu.memory_space<vmem>>, vector<128x1xf32>
    %get3A_1476 = vector.shape_cast %get3A_1475 : vector<128x1xf32> to vector<128xf32>
    %broadcast_in_dim3A_1477 = vector.shape_cast %get3A_1476 : vector<128xf32> to vector<128x1xf32>
    %sub3A_1478 = vector.broadcast %broadcast_in_dim3A_1477 : vector<128x1xf32> to vector<128x512xf32>
    %sub3A_1479 = vector.broadcast %get3A_1317 : vector<1x512xf32> to vector<128x512xf32>
    %sub3A_1480 = arith.subf %sub3A_1478, %sub3A_1479 : vector<128x512xf32>
    %get3A_1481 = arith.constant 0 : index
    %get3A_1482 = arith.constant 16 : index
    %get3A_1483 = vector.load %arg1[%get3A_1481, %get3A_1482] : memref<128x24xf32, #tpu.memory_space<vmem>>, vector<128x1xf32>
    %get3A_1484 = vector.shape_cast %get3A_1483 : vector<128x1xf32> to vector<128xf32>
    %broadcast_in_dim3A_1485 = vector.shape_cast %get3A_1484 : vector<128xf32> to vector<128x1xf32>
    %sub3A_1486 = vector.broadcast %broadcast_in_dim3A_1485 : vector<128x1xf32> to vector<128x512xf32>
    %sub3A_1487 = vector.broadcast %get3A_1320 : vector<1x512xf32> to vector<128x512xf32>
    %sub3A_1488 = arith.subf %sub3A_1486, %sub3A_1487 : vector<128x512xf32>
    %get3A_1489 = arith.constant 0 : index
    %get3A_1490 = arith.constant 17 : index
    %get3A_1491 = vector.load %arg1[%get3A_1489, %get3A_1490] : memref<128x24xf32, #tpu.memory_space<vmem>>, vector<128x1xf32>
    %get3A_1492 = vector.shape_cast %get3A_1491 : vector<128x1xf32> to vector<128xf32>
    %broadcast_in_dim3A_1493 = vector.shape_cast %get3A_1492 : vector<128xf32> to vector<128x1xf32>
    %sub3A_1494 = vector.broadcast %broadcast_in_dim3A_1493 : vector<128x1xf32> to vector<128x512xf32>
    %sub3A_1495 = vector.broadcast %get3A_1323 : vector<1x512xf32> to vector<128x512xf32>
    %sub3A_1496 = arith.subf %sub3A_1494, %sub3A_1495 : vector<128x512xf32>
    %mul3A_1497 = arith.mulf %sub3A_1480, %sub3A_1480 : vector<128x512xf32>
    %mul3A_1498 = arith.mulf %sub3A_1488, %sub3A_1488 : vector<128x512xf32>
    %add3A_1499 = arith.addf %mul3A_1497, %mul3A_1498 : vector<128x512xf32>
    %mul3A_1500 = arith.mulf %sub3A_1496, %sub3A_1496 : vector<128x512xf32>
    %add3A_1501 = arith.addf %add3A_1499, %mul3A_1500 : vector<128x512xf32>
    %min3A_1502 = arith.minimumf %min3A_1472, %add3A_1501 : vector<128x512xf32>
    %get3A_1503 = arith.constant 0 : index
    %get3A_1504 = arith.constant 18 : index
    %get3A_1505 = vector.load %arg1[%get3A_1503, %get3A_1504] : memref<128x24xf32, #tpu.memory_space<vmem>>, vector<128x1xf32>
    %get3A_1506 = vector.shape_cast %get3A_1505 : vector<128x1xf32> to vector<128xf32>
    %broadcast_in_dim3A_1507 = vector.shape_cast %get3A_1506 : vector<128xf32> to vector<128x1xf32>
    %sub3A_1508 = vector.broadcast %broadcast_in_dim3A_1507 : vector<128x1xf32> to vector<128x512xf32>
    %sub3A_1509 = vector.broadcast %get3A_1317 : vector<1x512xf32> to vector<128x512xf32>
    %sub3A_1510 = arith.subf %sub3A_1508, %sub3A_1509 : vector<128x512xf32>
    %get3A_1511 = arith.constant 0 : index
    %get3A_1512 = arith.constant 19 : index
    %get3A_1513 = vector.load %arg1[%get3A_1511, %get3A_1512] : memref<128x24xf32, #tpu.memory_space<vmem>>, vector<128x1xf32>
    %get3A_1514 = vector.shape_cast %get3A_1513 : vector<128x1xf32> to vector<128xf32>
    %broadcast_in_dim3A_1515 = vector.shape_cast %get3A_1514 : vector<128xf32> to vector<128x1xf32>
    %sub3A_1516 = vector.broadcast %broadcast_in_dim3A_1515 : vector<128x1xf32> to vector<128x512xf32>
    %sub3A_1517 = vector.broadcast %get3A_1320 : vector<1x512xf32> to vector<128x512xf32>
    %sub3A_1518 = arith.subf %sub3A_1516, %sub3A_1517 : vector<128x512xf32>
    %get3A_1519 = arith.constant 0 : index
    %get3A_1520 = arith.constant 20 : index
    %get3A_1521 = vector.load %arg1[%get3A_1519, %get3A_1520] : memref<128x24xf32, #tpu.memory_space<vmem>>, vector<128x1xf32>
    %get3A_1522 = vector.shape_cast %get3A_1521 : vector<128x1xf32> to vector<128xf32>
    %broadcast_in_dim3A_1523 = vector.shape_cast %get3A_1522 : vector<128xf32> to vector<128x1xf32>
    %sub3A_1524 = vector.broadcast %broadcast_in_dim3A_1523 : vector<128x1xf32> to vector<128x512xf32>
    %sub3A_1525 = vector.broadcast %get3A_1323 : vector<1x512xf32> to vector<128x512xf32>
    %sub3A_1526 = arith.subf %sub3A_1524, %sub3A_1525 : vector<128x512xf32>
    %mul3A_1527 = arith.mulf %sub3A_1510, %sub3A_1510 : vector<128x512xf32>
    %mul3A_1528 = arith.mulf %sub3A_1518, %sub3A_1518 : vector<128x512xf32>
    %add3A_1529 = arith.addf %mul3A_1527, %mul3A_1528 : vector<128x512xf32>
    %mul3A_1530 = arith.mulf %sub3A_1526, %sub3A_1526 : vector<128x512xf32>
    %add3A_1531 = arith.addf %add3A_1529, %mul3A_1530 : vector<128x512xf32>
    %min3A_1532 = arith.minimumf %min3A_1502, %add3A_1531 : vector<128x512xf32>
    %get3A_1533 = arith.constant 0 : index
    %get3A_1534 = arith.constant 21 : index
    %get3A_1535 = vector.load %arg1[%get3A_1533, %get3A_1534] : memref<128x24xf32, #tpu.memory_space<vmem>>, vector<128x1xf32>
    %get3A_1536 = vector.shape_cast %get3A_1535 : vector<128x1xf32> to vector<128xf32>
    %broadcast_in_dim3A_1537 = vector.shape_cast %get3A_1536 : vector<128xf32> to vector<128x1xf32>
    %sub3A_1538 = vector.broadcast %broadcast_in_dim3A_1537 : vector<128x1xf32> to vector<128x512xf32>
    %sub3A_1539 = vector.broadcast %get3A_1317 : vector<1x512xf32> to vector<128x512xf32>
    %sub3A_1540 = arith.subf %sub3A_1538, %sub3A_1539 : vector<128x512xf32>
    %get3A_1541 = arith.constant 0 : index
    %get3A_1542 = arith.constant 22 : index
    %get3A_1543 = vector.load %arg1[%get3A_1541, %get3A_1542] : memref<128x24xf32, #tpu.memory_space<vmem>>, vector<128x1xf32>
    %get3A_1544 = vector.shape_cast %get3A_1543 : vector<128x1xf32> to vector<128xf32>
    %broadcast_in_dim3A_1545 = vector.shape_cast %get3A_1544 : vector<128xf32> to vector<128x1xf32>
    %sub3A_1546 = vector.broadcast %broadcast_in_dim3A_1545 : vector<128x1xf32> to vector<128x512xf32>
    %sub3A_1547 = vector.broadcast %get3A_1320 : vector<1x512xf32> to vector<128x512xf32>
    %sub3A_1548 = arith.subf %sub3A_1546, %sub3A_1547 : vector<128x512xf32>
    %get3A_1549 = arith.constant 0 : index
    %get3A_1550 = arith.constant 23 : index
    %get3A_1551 = vector.load %arg1[%get3A_1549, %get3A_1550] : memref<128x24xf32, #tpu.memory_space<vmem>>, vector<128x1xf32>
    %get3A_1552 = vector.shape_cast %get3A_1551 : vector<128x1xf32> to vector<128xf32>
    %broadcast_in_dim3A_1553 = vector.shape_cast %get3A_1552 : vector<128xf32> to vector<128x1xf32>
    %sub3A_1554 = vector.broadcast %broadcast_in_dim3A_1553 : vector<128x1xf32> to vector<128x512xf32>
    %sub3A_1555 = vector.broadcast %get3A_1323 : vector<1x512xf32> to vector<128x512xf32>
    %sub3A_1556 = arith.subf %sub3A_1554, %sub3A_1555 : vector<128x512xf32>
    %mul3A_1557 = arith.mulf %sub3A_1540, %sub3A_1540 : vector<128x512xf32>
    %mul3A_1558 = arith.mulf %sub3A_1548, %sub3A_1548 : vector<128x512xf32>
    %add3A_1559 = arith.addf %mul3A_1557, %mul3A_1558 : vector<128x512xf32>
    %mul3A_1560 = arith.mulf %sub3A_1556, %sub3A_1556 : vector<128x512xf32>
    %add3A_1561 = arith.addf %add3A_1559, %mul3A_1560 : vector<128x512xf32>
    %min3A_1562 = arith.minimumf %min3A_1532, %add3A_1561 : vector<128x512xf32>
    %reduce_min3A_1563 = arith.constant dense<0x7F800000> : vector<128xf32>
    %reduce_min3A_1564 = vector.multi_reduction <minimumf>, %min3A_1562, %reduce_min3A_1563 [1] : vector<128x512xf32> to vector<128xf32>
    %broadcast_in_dim3A_1565 = vector.shape_cast %reduce_min3A_1564 : vector<128xf32> to vector<128x1xf32>
    %iota3A_1566 = tpu.iota {dimensions = array<i32: 1>} : vector<128x512xi32>
    %add3A_1567 = arith.constant 2560 : i32
    %add3A_1568 = vector.broadcast %add3A_1567 : i32 to vector<128x512xi32>
    %add3A_1569 = arith.addi %iota3A_1566, %add3A_1568 : vector<128x512xi32>
    %eq3A_1570 = vector.broadcast %broadcast_in_dim3A_1565 : vector<128x1xf32> to vector<128x512xf32>
    %eq3A_1571 = arith.cmpf oeq, %min3A_1562, %eq3A_1570 : vector<128x512xf32>
    %jit3A_1572 = arith.constant 4096 : i32
    %broadcast_in_dim3A_1573 = vector.broadcast %jit3A_1572 : i32 to vector<128x512xi32>
    %select_n3A_1574 = arith.select %eq3A_1571, %add3A_1569, %broadcast_in_dim3A_1573 : vector<128x512xi1>, vector<128x512xi32>
    %reduce_min3A_1575 = arith.constant dense<2147483647> : vector<128xi32>
    %reduce_min3A_1576 = vector.multi_reduction <minsi>, %select_n3A_1574, %reduce_min3A_1575 [1] : vector<128x512xi32> to vector<128xi32>
    %broadcast_in_dim3A_1577 = vector.shape_cast %reduce_min3A_1576 : vector<128xi32> to vector<128x1xi32>
    %lt3A_1578 = arith.cmpf olt, %broadcast_in_dim3A_1565, %select_n3A_1314 : vector<128x1xf32>
    %select_n3A_1579 = arith.select %lt3A_1578, %broadcast_in_dim3A_1577, %select_n3A_1313 : vector<128x1xi1>, vector<128x1xi32>
    %select_n3A_1580 = arith.select %lt3A_1578, %broadcast_in_dim3A_1565, %select_n3A_1314 : vector<128x1xi1>, vector<128x1xf32>
    %get3A_1581 = arith.constant 0 : index
    %get3A_1582 = arith.constant 3072 : index
    %get3A_1583 = vector.load %arg2[%get3A_1581, %get3A_1582] : memref<3x4096xf32, #tpu.memory_space<vmem>>, vector<1x512xf32>
    %get3A_1584 = arith.constant 1 : index
    %get3A_1585 = arith.constant 3072 : index
    %get3A_1586 = vector.load %arg2[%get3A_1584, %get3A_1585] : memref<3x4096xf32, #tpu.memory_space<vmem>>, vector<1x512xf32>
    %get3A_1587 = arith.constant 2 : index
    %get3A_1588 = arith.constant 3072 : index
    %get3A_1589 = vector.load %arg2[%get3A_1587, %get3A_1588] : memref<3x4096xf32, #tpu.memory_space<vmem>>, vector<1x512xf32>
    %get3A_1590 = arith.constant 0 : index
    %get3A_1591 = arith.constant 0 : index
    %get3A_1592 = vector.load %arg1[%get3A_1590, %get3A_1591] : memref<128x24xf32, #tpu.memory_space<vmem>>, vector<128x1xf32>
    %get3A_1593 = vector.shape_cast %get3A_1592 : vector<128x1xf32> to vector<128xf32>
    %broadcast_in_dim3A_1594 = vector.shape_cast %get3A_1593 : vector<128xf32> to vector<128x1xf32>
    %sub3A_1595 = vector.broadcast %broadcast_in_dim3A_1594 : vector<128x1xf32> to vector<128x512xf32>
    %sub3A_1596 = vector.broadcast %get3A_1583 : vector<1x512xf32> to vector<128x512xf32>
    %sub3A_1597 = arith.subf %sub3A_1595, %sub3A_1596 : vector<128x512xf32>
    %get3A_1598 = arith.constant 0 : index
    %get3A_1599 = arith.constant 1 : index
    %get3A_1600 = vector.load %arg1[%get3A_1598, %get3A_1599] : memref<128x24xf32, #tpu.memory_space<vmem>>, vector<128x1xf32>
    %get3A_1601 = vector.shape_cast %get3A_1600 : vector<128x1xf32> to vector<128xf32>
    %broadcast_in_dim3A_1602 = vector.shape_cast %get3A_1601 : vector<128xf32> to vector<128x1xf32>
    %sub3A_1603 = vector.broadcast %broadcast_in_dim3A_1602 : vector<128x1xf32> to vector<128x512xf32>
    %sub3A_1604 = vector.broadcast %get3A_1586 : vector<1x512xf32> to vector<128x512xf32>
    %sub3A_1605 = arith.subf %sub3A_1603, %sub3A_1604 : vector<128x512xf32>
    %get3A_1606 = arith.constant 0 : index
    %get3A_1607 = arith.constant 2 : index
    %get3A_1608 = vector.load %arg1[%get3A_1606, %get3A_1607] : memref<128x24xf32, #tpu.memory_space<vmem>>, vector<128x1xf32>
    %get3A_1609 = vector.shape_cast %get3A_1608 : vector<128x1xf32> to vector<128xf32>
    %broadcast_in_dim3A_1610 = vector.shape_cast %get3A_1609 : vector<128xf32> to vector<128x1xf32>
    %sub3A_1611 = vector.broadcast %broadcast_in_dim3A_1610 : vector<128x1xf32> to vector<128x512xf32>
    %sub3A_1612 = vector.broadcast %get3A_1589 : vector<1x512xf32> to vector<128x512xf32>
    %sub3A_1613 = arith.subf %sub3A_1611, %sub3A_1612 : vector<128x512xf32>
    %mul3A_1614 = arith.mulf %sub3A_1597, %sub3A_1597 : vector<128x512xf32>
    %mul3A_1615 = arith.mulf %sub3A_1605, %sub3A_1605 : vector<128x512xf32>
    %add3A_1616 = arith.addf %mul3A_1614, %mul3A_1615 : vector<128x512xf32>
    %mul3A_1617 = arith.mulf %sub3A_1613, %sub3A_1613 : vector<128x512xf32>
    %add3A_1618 = arith.addf %add3A_1616, %mul3A_1617 : vector<128x512xf32>
    %get3A_1619 = arith.constant 0 : index
    %get3A_1620 = arith.constant 3 : index
    %get3A_1621 = vector.load %arg1[%get3A_1619, %get3A_1620] : memref<128x24xf32, #tpu.memory_space<vmem>>, vector<128x1xf32>
    %get3A_1622 = vector.shape_cast %get3A_1621 : vector<128x1xf32> to vector<128xf32>
    %broadcast_in_dim3A_1623 = vector.shape_cast %get3A_1622 : vector<128xf32> to vector<128x1xf32>
    %sub3A_1624 = vector.broadcast %broadcast_in_dim3A_1623 : vector<128x1xf32> to vector<128x512xf32>
    %sub3A_1625 = vector.broadcast %get3A_1583 : vector<1x512xf32> to vector<128x512xf32>
    %sub3A_1626 = arith.subf %sub3A_1624, %sub3A_1625 : vector<128x512xf32>
    %get3A_1627 = arith.constant 0 : index
    %get3A_1628 = arith.constant 4 : index
    %get3A_1629 = vector.load %arg1[%get3A_1627, %get3A_1628] : memref<128x24xf32, #tpu.memory_space<vmem>>, vector<128x1xf32>
    %get3A_1630 = vector.shape_cast %get3A_1629 : vector<128x1xf32> to vector<128xf32>
    %broadcast_in_dim3A_1631 = vector.shape_cast %get3A_1630 : vector<128xf32> to vector<128x1xf32>
    %sub3A_1632 = vector.broadcast %broadcast_in_dim3A_1631 : vector<128x1xf32> to vector<128x512xf32>
    %sub3A_1633 = vector.broadcast %get3A_1586 : vector<1x512xf32> to vector<128x512xf32>
    %sub3A_1634 = arith.subf %sub3A_1632, %sub3A_1633 : vector<128x512xf32>
    %get3A_1635 = arith.constant 0 : index
    %get3A_1636 = arith.constant 5 : index
    %get3A_1637 = vector.load %arg1[%get3A_1635, %get3A_1636] : memref<128x24xf32, #tpu.memory_space<vmem>>, vector<128x1xf32>
    %get3A_1638 = vector.shape_cast %get3A_1637 : vector<128x1xf32> to vector<128xf32>
    %broadcast_in_dim3A_1639 = vector.shape_cast %get3A_1638 : vector<128xf32> to vector<128x1xf32>
    %sub3A_1640 = vector.broadcast %broadcast_in_dim3A_1639 : vector<128x1xf32> to vector<128x512xf32>
    %sub3A_1641 = vector.broadcast %get3A_1589 : vector<1x512xf32> to vector<128x512xf32>
    %sub3A_1642 = arith.subf %sub3A_1640, %sub3A_1641 : vector<128x512xf32>
    %mul3A_1643 = arith.mulf %sub3A_1626, %sub3A_1626 : vector<128x512xf32>
    %mul3A_1644 = arith.mulf %sub3A_1634, %sub3A_1634 : vector<128x512xf32>
    %add3A_1645 = arith.addf %mul3A_1643, %mul3A_1644 : vector<128x512xf32>
    %mul3A_1646 = arith.mulf %sub3A_1642, %sub3A_1642 : vector<128x512xf32>
    %add3A_1647 = arith.addf %add3A_1645, %mul3A_1646 : vector<128x512xf32>
    %min3A_1648 = arith.minimumf %add3A_1618, %add3A_1647 : vector<128x512xf32>
    %get3A_1649 = arith.constant 0 : index
    %get3A_1650 = arith.constant 6 : index
    %get3A_1651 = vector.load %arg1[%get3A_1649, %get3A_1650] : memref<128x24xf32, #tpu.memory_space<vmem>>, vector<128x1xf32>
    %get3A_1652 = vector.shape_cast %get3A_1651 : vector<128x1xf32> to vector<128xf32>
    %broadcast_in_dim3A_1653 = vector.shape_cast %get3A_1652 : vector<128xf32> to vector<128x1xf32>
    %sub3A_1654 = vector.broadcast %broadcast_in_dim3A_1653 : vector<128x1xf32> to vector<128x512xf32>
    %sub3A_1655 = vector.broadcast %get3A_1583 : vector<1x512xf32> to vector<128x512xf32>
    %sub3A_1656 = arith.subf %sub3A_1654, %sub3A_1655 : vector<128x512xf32>
    %get3A_1657 = arith.constant 0 : index
    %get3A_1658 = arith.constant 7 : index
    %get3A_1659 = vector.load %arg1[%get3A_1657, %get3A_1658] : memref<128x24xf32, #tpu.memory_space<vmem>>, vector<128x1xf32>
    %get3A_1660 = vector.shape_cast %get3A_1659 : vector<128x1xf32> to vector<128xf32>
    %broadcast_in_dim3A_1661 = vector.shape_cast %get3A_1660 : vector<128xf32> to vector<128x1xf32>
    %sub3A_1662 = vector.broadcast %broadcast_in_dim3A_1661 : vector<128x1xf32> to vector<128x512xf32>
    %sub3A_1663 = vector.broadcast %get3A_1586 : vector<1x512xf32> to vector<128x512xf32>
    %sub3A_1664 = arith.subf %sub3A_1662, %sub3A_1663 : vector<128x512xf32>
    %get3A_1665 = arith.constant 0 : index
    %get3A_1666 = arith.constant 8 : index
    %get3A_1667 = vector.load %arg1[%get3A_1665, %get3A_1666] : memref<128x24xf32, #tpu.memory_space<vmem>>, vector<128x1xf32>
    %get3A_1668 = vector.shape_cast %get3A_1667 : vector<128x1xf32> to vector<128xf32>
    %broadcast_in_dim3A_1669 = vector.shape_cast %get3A_1668 : vector<128xf32> to vector<128x1xf32>
    %sub3A_1670 = vector.broadcast %broadcast_in_dim3A_1669 : vector<128x1xf32> to vector<128x512xf32>
    %sub3A_1671 = vector.broadcast %get3A_1589 : vector<1x512xf32> to vector<128x512xf32>
    %sub3A_1672 = arith.subf %sub3A_1670, %sub3A_1671 : vector<128x512xf32>
    %mul3A_1673 = arith.mulf %sub3A_1656, %sub3A_1656 : vector<128x512xf32>
    %mul3A_1674 = arith.mulf %sub3A_1664, %sub3A_1664 : vector<128x512xf32>
    %add3A_1675 = arith.addf %mul3A_1673, %mul3A_1674 : vector<128x512xf32>
    %mul3A_1676 = arith.mulf %sub3A_1672, %sub3A_1672 : vector<128x512xf32>
    %add3A_1677 = arith.addf %add3A_1675, %mul3A_1676 : vector<128x512xf32>
    %min3A_1678 = arith.minimumf %min3A_1648, %add3A_1677 : vector<128x512xf32>
    %get3A_1679 = arith.constant 0 : index
    %get3A_1680 = arith.constant 9 : index
    %get3A_1681 = vector.load %arg1[%get3A_1679, %get3A_1680] : memref<128x24xf32, #tpu.memory_space<vmem>>, vector<128x1xf32>
    %get3A_1682 = vector.shape_cast %get3A_1681 : vector<128x1xf32> to vector<128xf32>
    %broadcast_in_dim3A_1683 = vector.shape_cast %get3A_1682 : vector<128xf32> to vector<128x1xf32>
    %sub3A_1684 = vector.broadcast %broadcast_in_dim3A_1683 : vector<128x1xf32> to vector<128x512xf32>
    %sub3A_1685 = vector.broadcast %get3A_1583 : vector<1x512xf32> to vector<128x512xf32>
    %sub3A_1686 = arith.subf %sub3A_1684, %sub3A_1685 : vector<128x512xf32>
    %get3A_1687 = arith.constant 0 : index
    %get3A_1688 = arith.constant 10 : index
    %get3A_1689 = vector.load %arg1[%get3A_1687, %get3A_1688] : memref<128x24xf32, #tpu.memory_space<vmem>>, vector<128x1xf32>
    %get3A_1690 = vector.shape_cast %get3A_1689 : vector<128x1xf32> to vector<128xf32>
    %broadcast_in_dim3A_1691 = vector.shape_cast %get3A_1690 : vector<128xf32> to vector<128x1xf32>
    %sub3A_1692 = vector.broadcast %broadcast_in_dim3A_1691 : vector<128x1xf32> to vector<128x512xf32>
    %sub3A_1693 = vector.broadcast %get3A_1586 : vector<1x512xf32> to vector<128x512xf32>
    %sub3A_1694 = arith.subf %sub3A_1692, %sub3A_1693 : vector<128x512xf32>
    %get3A_1695 = arith.constant 0 : index
    %get3A_1696 = arith.constant 11 : index
    %get3A_1697 = vector.load %arg1[%get3A_1695, %get3A_1696] : memref<128x24xf32, #tpu.memory_space<vmem>>, vector<128x1xf32>
    %get3A_1698 = vector.shape_cast %get3A_1697 : vector<128x1xf32> to vector<128xf32>
    %broadcast_in_dim3A_1699 = vector.shape_cast %get3A_1698 : vector<128xf32> to vector<128x1xf32>
    %sub3A_1700 = vector.broadcast %broadcast_in_dim3A_1699 : vector<128x1xf32> to vector<128x512xf32>
    %sub3A_1701 = vector.broadcast %get3A_1589 : vector<1x512xf32> to vector<128x512xf32>
    %sub3A_1702 = arith.subf %sub3A_1700, %sub3A_1701 : vector<128x512xf32>
    %mul3A_1703 = arith.mulf %sub3A_1686, %sub3A_1686 : vector<128x512xf32>
    %mul3A_1704 = arith.mulf %sub3A_1694, %sub3A_1694 : vector<128x512xf32>
    %add3A_1705 = arith.addf %mul3A_1703, %mul3A_1704 : vector<128x512xf32>
    %mul3A_1706 = arith.mulf %sub3A_1702, %sub3A_1702 : vector<128x512xf32>
    %add3A_1707 = arith.addf %add3A_1705, %mul3A_1706 : vector<128x512xf32>
    %min3A_1708 = arith.minimumf %min3A_1678, %add3A_1707 : vector<128x512xf32>
    %get3A_1709 = arith.constant 0 : index
    %get3A_1710 = arith.constant 12 : index
    %get3A_1711 = vector.load %arg1[%get3A_1709, %get3A_1710] : memref<128x24xf32, #tpu.memory_space<vmem>>, vector<128x1xf32>
    %get3A_1712 = vector.shape_cast %get3A_1711 : vector<128x1xf32> to vector<128xf32>
    %broadcast_in_dim3A_1713 = vector.shape_cast %get3A_1712 : vector<128xf32> to vector<128x1xf32>
    %sub3A_1714 = vector.broadcast %broadcast_in_dim3A_1713 : vector<128x1xf32> to vector<128x512xf32>
    %sub3A_1715 = vector.broadcast %get3A_1583 : vector<1x512xf32> to vector<128x512xf32>
    %sub3A_1716 = arith.subf %sub3A_1714, %sub3A_1715 : vector<128x512xf32>
    %get3A_1717 = arith.constant 0 : index
    %get3A_1718 = arith.constant 13 : index
    %get3A_1719 = vector.load %arg1[%get3A_1717, %get3A_1718] : memref<128x24xf32, #tpu.memory_space<vmem>>, vector<128x1xf32>
    %get3A_1720 = vector.shape_cast %get3A_1719 : vector<128x1xf32> to vector<128xf32>
    %broadcast_in_dim3A_1721 = vector.shape_cast %get3A_1720 : vector<128xf32> to vector<128x1xf32>
    %sub3A_1722 = vector.broadcast %broadcast_in_dim3A_1721 : vector<128x1xf32> to vector<128x512xf32>
    %sub3A_1723 = vector.broadcast %get3A_1586 : vector<1x512xf32> to vector<128x512xf32>
    %sub3A_1724 = arith.subf %sub3A_1722, %sub3A_1723 : vector<128x512xf32>
    %get3A_1725 = arith.constant 0 : index
    %get3A_1726 = arith.constant 14 : index
    %get3A_1727 = vector.load %arg1[%get3A_1725, %get3A_1726] : memref<128x24xf32, #tpu.memory_space<vmem>>, vector<128x1xf32>
    %get3A_1728 = vector.shape_cast %get3A_1727 : vector<128x1xf32> to vector<128xf32>
    %broadcast_in_dim3A_1729 = vector.shape_cast %get3A_1728 : vector<128xf32> to vector<128x1xf32>
    %sub3A_1730 = vector.broadcast %broadcast_in_dim3A_1729 : vector<128x1xf32> to vector<128x512xf32>
    %sub3A_1731 = vector.broadcast %get3A_1589 : vector<1x512xf32> to vector<128x512xf32>
    %sub3A_1732 = arith.subf %sub3A_1730, %sub3A_1731 : vector<128x512xf32>
    %mul3A_1733 = arith.mulf %sub3A_1716, %sub3A_1716 : vector<128x512xf32>
    %mul3A_1734 = arith.mulf %sub3A_1724, %sub3A_1724 : vector<128x512xf32>
    %add3A_1735 = arith.addf %mul3A_1733, %mul3A_1734 : vector<128x512xf32>
    %mul3A_1736 = arith.mulf %sub3A_1732, %sub3A_1732 : vector<128x512xf32>
    %add3A_1737 = arith.addf %add3A_1735, %mul3A_1736 : vector<128x512xf32>
    %min3A_1738 = arith.minimumf %min3A_1708, %add3A_1737 : vector<128x512xf32>
    %get3A_1739 = arith.constant 0 : index
    %get3A_1740 = arith.constant 15 : index
    %get3A_1741 = vector.load %arg1[%get3A_1739, %get3A_1740] : memref<128x24xf32, #tpu.memory_space<vmem>>, vector<128x1xf32>
    %get3A_1742 = vector.shape_cast %get3A_1741 : vector<128x1xf32> to vector<128xf32>
    %broadcast_in_dim3A_1743 = vector.shape_cast %get3A_1742 : vector<128xf32> to vector<128x1xf32>
    %sub3A_1744 = vector.broadcast %broadcast_in_dim3A_1743 : vector<128x1xf32> to vector<128x512xf32>
    %sub3A_1745 = vector.broadcast %get3A_1583 : vector<1x512xf32> to vector<128x512xf32>
    %sub3A_1746 = arith.subf %sub3A_1744, %sub3A_1745 : vector<128x512xf32>
    %get3A_1747 = arith.constant 0 : index
    %get3A_1748 = arith.constant 16 : index
    %get3A_1749 = vector.load %arg1[%get3A_1747, %get3A_1748] : memref<128x24xf32, #tpu.memory_space<vmem>>, vector<128x1xf32>
    %get3A_1750 = vector.shape_cast %get3A_1749 : vector<128x1xf32> to vector<128xf32>
    %broadcast_in_dim3A_1751 = vector.shape_cast %get3A_1750 : vector<128xf32> to vector<128x1xf32>
    %sub3A_1752 = vector.broadcast %broadcast_in_dim3A_1751 : vector<128x1xf32> to vector<128x512xf32>
    %sub3A_1753 = vector.broadcast %get3A_1586 : vector<1x512xf32> to vector<128x512xf32>
    %sub3A_1754 = arith.subf %sub3A_1752, %sub3A_1753 : vector<128x512xf32>
    %get3A_1755 = arith.constant 0 : index
    %get3A_1756 = arith.constant 17 : index
    %get3A_1757 = vector.load %arg1[%get3A_1755, %get3A_1756] : memref<128x24xf32, #tpu.memory_space<vmem>>, vector<128x1xf32>
    %get3A_1758 = vector.shape_cast %get3A_1757 : vector<128x1xf32> to vector<128xf32>
    %broadcast_in_dim3A_1759 = vector.shape_cast %get3A_1758 : vector<128xf32> to vector<128x1xf32>
    %sub3A_1760 = vector.broadcast %broadcast_in_dim3A_1759 : vector<128x1xf32> to vector<128x512xf32>
    %sub3A_1761 = vector.broadcast %get3A_1589 : vector<1x512xf32> to vector<128x512xf32>
    %sub3A_1762 = arith.subf %sub3A_1760, %sub3A_1761 : vector<128x512xf32>
    %mul3A_1763 = arith.mulf %sub3A_1746, %sub3A_1746 : vector<128x512xf32>
    %mul3A_1764 = arith.mulf %sub3A_1754, %sub3A_1754 : vector<128x512xf32>
    %add3A_1765 = arith.addf %mul3A_1763, %mul3A_1764 : vector<128x512xf32>
    %mul3A_1766 = arith.mulf %sub3A_1762, %sub3A_1762 : vector<128x512xf32>
    %add3A_1767 = arith.addf %add3A_1765, %mul3A_1766 : vector<128x512xf32>
    %min3A_1768 = arith.minimumf %min3A_1738, %add3A_1767 : vector<128x512xf32>
    %get3A_1769 = arith.constant 0 : index
    %get3A_1770 = arith.constant 18 : index
    %get3A_1771 = vector.load %arg1[%get3A_1769, %get3A_1770] : memref<128x24xf32, #tpu.memory_space<vmem>>, vector<128x1xf32>
    %get3A_1772 = vector.shape_cast %get3A_1771 : vector<128x1xf32> to vector<128xf32>
    %broadcast_in_dim3A_1773 = vector.shape_cast %get3A_1772 : vector<128xf32> to vector<128x1xf32>
    %sub3A_1774 = vector.broadcast %broadcast_in_dim3A_1773 : vector<128x1xf32> to vector<128x512xf32>
    %sub3A_1775 = vector.broadcast %get3A_1583 : vector<1x512xf32> to vector<128x512xf32>
    %sub3A_1776 = arith.subf %sub3A_1774, %sub3A_1775 : vector<128x512xf32>
    %get3A_1777 = arith.constant 0 : index
    %get3A_1778 = arith.constant 19 : index
    %get3A_1779 = vector.load %arg1[%get3A_1777, %get3A_1778] : memref<128x24xf32, #tpu.memory_space<vmem>>, vector<128x1xf32>
    %get3A_1780 = vector.shape_cast %get3A_1779 : vector<128x1xf32> to vector<128xf32>
    %broadcast_in_dim3A_1781 = vector.shape_cast %get3A_1780 : vector<128xf32> to vector<128x1xf32>
    %sub3A_1782 = vector.broadcast %broadcast_in_dim3A_1781 : vector<128x1xf32> to vector<128x512xf32>
    %sub3A_1783 = vector.broadcast %get3A_1586 : vector<1x512xf32> to vector<128x512xf32>
    %sub3A_1784 = arith.subf %sub3A_1782, %sub3A_1783 : vector<128x512xf32>
    %get3A_1785 = arith.constant 0 : index
    %get3A_1786 = arith.constant 20 : index
    %get3A_1787 = vector.load %arg1[%get3A_1785, %get3A_1786] : memref<128x24xf32, #tpu.memory_space<vmem>>, vector<128x1xf32>
    %get3A_1788 = vector.shape_cast %get3A_1787 : vector<128x1xf32> to vector<128xf32>
    %broadcast_in_dim3A_1789 = vector.shape_cast %get3A_1788 : vector<128xf32> to vector<128x1xf32>
    %sub3A_1790 = vector.broadcast %broadcast_in_dim3A_1789 : vector<128x1xf32> to vector<128x512xf32>
    %sub3A_1791 = vector.broadcast %get3A_1589 : vector<1x512xf32> to vector<128x512xf32>
    %sub3A_1792 = arith.subf %sub3A_1790, %sub3A_1791 : vector<128x512xf32>
    %mul3A_1793 = arith.mulf %sub3A_1776, %sub3A_1776 : vector<128x512xf32>
    %mul3A_1794 = arith.mulf %sub3A_1784, %sub3A_1784 : vector<128x512xf32>
    %add3A_1795 = arith.addf %mul3A_1793, %mul3A_1794 : vector<128x512xf32>
    %mul3A_1796 = arith.mulf %sub3A_1792, %sub3A_1792 : vector<128x512xf32>
    %add3A_1797 = arith.addf %add3A_1795, %mul3A_1796 : vector<128x512xf32>
    %min3A_1798 = arith.minimumf %min3A_1768, %add3A_1797 : vector<128x512xf32>
    %get3A_1799 = arith.constant 0 : index
    %get3A_1800 = arith.constant 21 : index
    %get3A_1801 = vector.load %arg1[%get3A_1799, %get3A_1800] : memref<128x24xf32, #tpu.memory_space<vmem>>, vector<128x1xf32>
    %get3A_1802 = vector.shape_cast %get3A_1801 : vector<128x1xf32> to vector<128xf32>
    %broadcast_in_dim3A_1803 = vector.shape_cast %get3A_1802 : vector<128xf32> to vector<128x1xf32>
    %sub3A_1804 = vector.broadcast %broadcast_in_dim3A_1803 : vector<128x1xf32> to vector<128x512xf32>
    %sub3A_1805 = vector.broadcast %get3A_1583 : vector<1x512xf32> to vector<128x512xf32>
    %sub3A_1806 = arith.subf %sub3A_1804, %sub3A_1805 : vector<128x512xf32>
    %get3A_1807 = arith.constant 0 : index
    %get3A_1808 = arith.constant 22 : index
    %get3A_1809 = vector.load %arg1[%get3A_1807, %get3A_1808] : memref<128x24xf32, #tpu.memory_space<vmem>>, vector<128x1xf32>
    %get3A_1810 = vector.shape_cast %get3A_1809 : vector<128x1xf32> to vector<128xf32>
    %broadcast_in_dim3A_1811 = vector.shape_cast %get3A_1810 : vector<128xf32> to vector<128x1xf32>
    %sub3A_1812 = vector.broadcast %broadcast_in_dim3A_1811 : vector<128x1xf32> to vector<128x512xf32>
    %sub3A_1813 = vector.broadcast %get3A_1586 : vector<1x512xf32> to vector<128x512xf32>
    %sub3A_1814 = arith.subf %sub3A_1812, %sub3A_1813 : vector<128x512xf32>
    %get3A_1815 = arith.constant 0 : index
    %get3A_1816 = arith.constant 23 : index
    %get3A_1817 = vector.load %arg1[%get3A_1815, %get3A_1816] : memref<128x24xf32, #tpu.memory_space<vmem>>, vector<128x1xf32>
    %get3A_1818 = vector.shape_cast %get3A_1817 : vector<128x1xf32> to vector<128xf32>
    %broadcast_in_dim3A_1819 = vector.shape_cast %get3A_1818 : vector<128xf32> to vector<128x1xf32>
    %sub3A_1820 = vector.broadcast %broadcast_in_dim3A_1819 : vector<128x1xf32> to vector<128x512xf32>
    %sub3A_1821 = vector.broadcast %get3A_1589 : vector<1x512xf32> to vector<128x512xf32>
    %sub3A_1822 = arith.subf %sub3A_1820, %sub3A_1821 : vector<128x512xf32>
    %mul3A_1823 = arith.mulf %sub3A_1806, %sub3A_1806 : vector<128x512xf32>
    %mul3A_1824 = arith.mulf %sub3A_1814, %sub3A_1814 : vector<128x512xf32>
    %add3A_1825 = arith.addf %mul3A_1823, %mul3A_1824 : vector<128x512xf32>
    %mul3A_1826 = arith.mulf %sub3A_1822, %sub3A_1822 : vector<128x512xf32>
    %add3A_1827 = arith.addf %add3A_1825, %mul3A_1826 : vector<128x512xf32>
    %min3A_1828 = arith.minimumf %min3A_1798, %add3A_1827 : vector<128x512xf32>
    %reduce_min3A_1829 = arith.constant dense<0x7F800000> : vector<128xf32>
    %reduce_min3A_1830 = vector.multi_reduction <minimumf>, %min3A_1828, %reduce_min3A_1829 [1] : vector<128x512xf32> to vector<128xf32>
    %broadcast_in_dim3A_1831 = vector.shape_cast %reduce_min3A_1830 : vector<128xf32> to vector<128x1xf32>
    %iota3A_1832 = tpu.iota {dimensions = array<i32: 1>} : vector<128x512xi32>
    %add3A_1833 = arith.constant 3072 : i32
    %add3A_1834 = vector.broadcast %add3A_1833 : i32 to vector<128x512xi32>
    %add3A_1835 = arith.addi %iota3A_1832, %add3A_1834 : vector<128x512xi32>
    %eq3A_1836 = vector.broadcast %broadcast_in_dim3A_1831 : vector<128x1xf32> to vector<128x512xf32>
    %eq3A_1837 = arith.cmpf oeq, %min3A_1828, %eq3A_1836 : vector<128x512xf32>
    %jit3A_1838 = arith.constant 4096 : i32
    %broadcast_in_dim3A_1839 = vector.broadcast %jit3A_1838 : i32 to vector<128x512xi32>
    %select_n3A_1840 = arith.select %eq3A_1837, %add3A_1835, %broadcast_in_dim3A_1839 : vector<128x512xi1>, vector<128x512xi32>
    %reduce_min3A_1841 = arith.constant dense<2147483647> : vector<128xi32>
    %reduce_min3A_1842 = vector.multi_reduction <minsi>, %select_n3A_1840, %reduce_min3A_1841 [1] : vector<128x512xi32> to vector<128xi32>
    %broadcast_in_dim3A_1843 = vector.shape_cast %reduce_min3A_1842 : vector<128xi32> to vector<128x1xi32>
    %lt3A_1844 = arith.cmpf olt, %broadcast_in_dim3A_1831, %select_n3A_1580 : vector<128x1xf32>
    %select_n3A_1845 = arith.select %lt3A_1844, %broadcast_in_dim3A_1843, %select_n3A_1579 : vector<128x1xi1>, vector<128x1xi32>
    %select_n3A_1846 = arith.select %lt3A_1844, %broadcast_in_dim3A_1831, %select_n3A_1580 : vector<128x1xi1>, vector<128x1xf32>
    %get3A_1847 = arith.constant 0 : index
    %get3A_1848 = arith.constant 3584 : index
    %get3A_1849 = vector.load %arg2[%get3A_1847, %get3A_1848] : memref<3x4096xf32, #tpu.memory_space<vmem>>, vector<1x512xf32>
    %get3A_1850 = arith.constant 1 : index
    %get3A_1851 = arith.constant 3584 : index
    %get3A_1852 = vector.load %arg2[%get3A_1850, %get3A_1851] : memref<3x4096xf32, #tpu.memory_space<vmem>>, vector<1x512xf32>
    %get3A_1853 = arith.constant 2 : index
    %get3A_1854 = arith.constant 3584 : index
    %get3A_1855 = vector.load %arg2[%get3A_1853, %get3A_1854] : memref<3x4096xf32, #tpu.memory_space<vmem>>, vector<1x512xf32>
    %get3A_1856 = arith.constant 0 : index
    %get3A_1857 = arith.constant 0 : index
    %get3A_1858 = vector.load %arg1[%get3A_1856, %get3A_1857] : memref<128x24xf32, #tpu.memory_space<vmem>>, vector<128x1xf32>
    %get3A_1859 = vector.shape_cast %get3A_1858 : vector<128x1xf32> to vector<128xf32>
    %broadcast_in_dim3A_1860 = vector.shape_cast %get3A_1859 : vector<128xf32> to vector<128x1xf32>
    %sub3A_1861 = vector.broadcast %broadcast_in_dim3A_1860 : vector<128x1xf32> to vector<128x512xf32>
    %sub3A_1862 = vector.broadcast %get3A_1849 : vector<1x512xf32> to vector<128x512xf32>
    %sub3A_1863 = arith.subf %sub3A_1861, %sub3A_1862 : vector<128x512xf32>
    %get3A_1864 = arith.constant 0 : index
    %get3A_1865 = arith.constant 1 : index
    %get3A_1866 = vector.load %arg1[%get3A_1864, %get3A_1865] : memref<128x24xf32, #tpu.memory_space<vmem>>, vector<128x1xf32>
    %get3A_1867 = vector.shape_cast %get3A_1866 : vector<128x1xf32> to vector<128xf32>
    %broadcast_in_dim3A_1868 = vector.shape_cast %get3A_1867 : vector<128xf32> to vector<128x1xf32>
    %sub3A_1869 = vector.broadcast %broadcast_in_dim3A_1868 : vector<128x1xf32> to vector<128x512xf32>
    %sub3A_1870 = vector.broadcast %get3A_1852 : vector<1x512xf32> to vector<128x512xf32>
    %sub3A_1871 = arith.subf %sub3A_1869, %sub3A_1870 : vector<128x512xf32>
    %get3A_1872 = arith.constant 0 : index
    %get3A_1873 = arith.constant 2 : index
    %get3A_1874 = vector.load %arg1[%get3A_1872, %get3A_1873] : memref<128x24xf32, #tpu.memory_space<vmem>>, vector<128x1xf32>
    %get3A_1875 = vector.shape_cast %get3A_1874 : vector<128x1xf32> to vector<128xf32>
    %broadcast_in_dim3A_1876 = vector.shape_cast %get3A_1875 : vector<128xf32> to vector<128x1xf32>
    %sub3A_1877 = vector.broadcast %broadcast_in_dim3A_1876 : vector<128x1xf32> to vector<128x512xf32>
    %sub3A_1878 = vector.broadcast %get3A_1855 : vector<1x512xf32> to vector<128x512xf32>
    %sub3A_1879 = arith.subf %sub3A_1877, %sub3A_1878 : vector<128x512xf32>
    %mul3A_1880 = arith.mulf %sub3A_1863, %sub3A_1863 : vector<128x512xf32>
    %mul3A_1881 = arith.mulf %sub3A_1871, %sub3A_1871 : vector<128x512xf32>
    %add3A_1882 = arith.addf %mul3A_1880, %mul3A_1881 : vector<128x512xf32>
    %mul3A_1883 = arith.mulf %sub3A_1879, %sub3A_1879 : vector<128x512xf32>
    %add3A_1884 = arith.addf %add3A_1882, %mul3A_1883 : vector<128x512xf32>
    %get3A_1885 = arith.constant 0 : index
    %get3A_1886 = arith.constant 3 : index
    %get3A_1887 = vector.load %arg1[%get3A_1885, %get3A_1886] : memref<128x24xf32, #tpu.memory_space<vmem>>, vector<128x1xf32>
    %get3A_1888 = vector.shape_cast %get3A_1887 : vector<128x1xf32> to vector<128xf32>
    %broadcast_in_dim3A_1889 = vector.shape_cast %get3A_1888 : vector<128xf32> to vector<128x1xf32>
    %sub3A_1890 = vector.broadcast %broadcast_in_dim3A_1889 : vector<128x1xf32> to vector<128x512xf32>
    %sub3A_1891 = vector.broadcast %get3A_1849 : vector<1x512xf32> to vector<128x512xf32>
    %sub3A_1892 = arith.subf %sub3A_1890, %sub3A_1891 : vector<128x512xf32>
    %get3A_1893 = arith.constant 0 : index
    %get3A_1894 = arith.constant 4 : index
    %get3A_1895 = vector.load %arg1[%get3A_1893, %get3A_1894] : memref<128x24xf32, #tpu.memory_space<vmem>>, vector<128x1xf32>
    %get3A_1896 = vector.shape_cast %get3A_1895 : vector<128x1xf32> to vector<128xf32>
    %broadcast_in_dim3A_1897 = vector.shape_cast %get3A_1896 : vector<128xf32> to vector<128x1xf32>
    %sub3A_1898 = vector.broadcast %broadcast_in_dim3A_1897 : vector<128x1xf32> to vector<128x512xf32>
    %sub3A_1899 = vector.broadcast %get3A_1852 : vector<1x512xf32> to vector<128x512xf32>
    %sub3A_1900 = arith.subf %sub3A_1898, %sub3A_1899 : vector<128x512xf32>
    %get3A_1901 = arith.constant 0 : index
    %get3A_1902 = arith.constant 5 : index
    %get3A_1903 = vector.load %arg1[%get3A_1901, %get3A_1902] : memref<128x24xf32, #tpu.memory_space<vmem>>, vector<128x1xf32>
    %get3A_1904 = vector.shape_cast %get3A_1903 : vector<128x1xf32> to vector<128xf32>
    %broadcast_in_dim3A_1905 = vector.shape_cast %get3A_1904 : vector<128xf32> to vector<128x1xf32>
    %sub3A_1906 = vector.broadcast %broadcast_in_dim3A_1905 : vector<128x1xf32> to vector<128x512xf32>
    %sub3A_1907 = vector.broadcast %get3A_1855 : vector<1x512xf32> to vector<128x512xf32>
    %sub3A_1908 = arith.subf %sub3A_1906, %sub3A_1907 : vector<128x512xf32>
    %mul3A_1909 = arith.mulf %sub3A_1892, %sub3A_1892 : vector<128x512xf32>
    %mul3A_1910 = arith.mulf %sub3A_1900, %sub3A_1900 : vector<128x512xf32>
    %add3A_1911 = arith.addf %mul3A_1909, %mul3A_1910 : vector<128x512xf32>
    %mul3A_1912 = arith.mulf %sub3A_1908, %sub3A_1908 : vector<128x512xf32>
    %add3A_1913 = arith.addf %add3A_1911, %mul3A_1912 : vector<128x512xf32>
    %min3A_1914 = arith.minimumf %add3A_1884, %add3A_1913 : vector<128x512xf32>
    %get3A_1915 = arith.constant 0 : index
    %get3A_1916 = arith.constant 6 : index
    %get3A_1917 = vector.load %arg1[%get3A_1915, %get3A_1916] : memref<128x24xf32, #tpu.memory_space<vmem>>, vector<128x1xf32>
    %get3A_1918 = vector.shape_cast %get3A_1917 : vector<128x1xf32> to vector<128xf32>
    %broadcast_in_dim3A_1919 = vector.shape_cast %get3A_1918 : vector<128xf32> to vector<128x1xf32>
    %sub3A_1920 = vector.broadcast %broadcast_in_dim3A_1919 : vector<128x1xf32> to vector<128x512xf32>
    %sub3A_1921 = vector.broadcast %get3A_1849 : vector<1x512xf32> to vector<128x512xf32>
    %sub3A_1922 = arith.subf %sub3A_1920, %sub3A_1921 : vector<128x512xf32>
    %get3A_1923 = arith.constant 0 : index
    %get3A_1924 = arith.constant 7 : index
    %get3A_1925 = vector.load %arg1[%get3A_1923, %get3A_1924] : memref<128x24xf32, #tpu.memory_space<vmem>>, vector<128x1xf32>
    %get3A_1926 = vector.shape_cast %get3A_1925 : vector<128x1xf32> to vector<128xf32>
    %broadcast_in_dim3A_1927 = vector.shape_cast %get3A_1926 : vector<128xf32> to vector<128x1xf32>
    %sub3A_1928 = vector.broadcast %broadcast_in_dim3A_1927 : vector<128x1xf32> to vector<128x512xf32>
    %sub3A_1929 = vector.broadcast %get3A_1852 : vector<1x512xf32> to vector<128x512xf32>
    %sub3A_1930 = arith.subf %sub3A_1928, %sub3A_1929 : vector<128x512xf32>
    %get3A_1931 = arith.constant 0 : index
    %get3A_1932 = arith.constant 8 : index
    %get3A_1933 = vector.load %arg1[%get3A_1931, %get3A_1932] : memref<128x24xf32, #tpu.memory_space<vmem>>, vector<128x1xf32>
    %get3A_1934 = vector.shape_cast %get3A_1933 : vector<128x1xf32> to vector<128xf32>
    %broadcast_in_dim3A_1935 = vector.shape_cast %get3A_1934 : vector<128xf32> to vector<128x1xf32>
    %sub3A_1936 = vector.broadcast %broadcast_in_dim3A_1935 : vector<128x1xf32> to vector<128x512xf32>
    %sub3A_1937 = vector.broadcast %get3A_1855 : vector<1x512xf32> to vector<128x512xf32>
    %sub3A_1938 = arith.subf %sub3A_1936, %sub3A_1937 : vector<128x512xf32>
    %mul3A_1939 = arith.mulf %sub3A_1922, %sub3A_1922 : vector<128x512xf32>
    %mul3A_1940 = arith.mulf %sub3A_1930, %sub3A_1930 : vector<128x512xf32>
    %add3A_1941 = arith.addf %mul3A_1939, %mul3A_1940 : vector<128x512xf32>
    %mul3A_1942 = arith.mulf %sub3A_1938, %sub3A_1938 : vector<128x512xf32>
    %add3A_1943 = arith.addf %add3A_1941, %mul3A_1942 : vector<128x512xf32>
    %min3A_1944 = arith.minimumf %min3A_1914, %add3A_1943 : vector<128x512xf32>
    %get3A_1945 = arith.constant 0 : index
    %get3A_1946 = arith.constant 9 : index
    %get3A_1947 = vector.load %arg1[%get3A_1945, %get3A_1946] : memref<128x24xf32, #tpu.memory_space<vmem>>, vector<128x1xf32>
    %get3A_1948 = vector.shape_cast %get3A_1947 : vector<128x1xf32> to vector<128xf32>
    %broadcast_in_dim3A_1949 = vector.shape_cast %get3A_1948 : vector<128xf32> to vector<128x1xf32>
    %sub3A_1950 = vector.broadcast %broadcast_in_dim3A_1949 : vector<128x1xf32> to vector<128x512xf32>
    %sub3A_1951 = vector.broadcast %get3A_1849 : vector<1x512xf32> to vector<128x512xf32>
    %sub3A_1952 = arith.subf %sub3A_1950, %sub3A_1951 : vector<128x512xf32>
    %get3A_1953 = arith.constant 0 : index
    %get3A_1954 = arith.constant 10 : index
    %get3A_1955 = vector.load %arg1[%get3A_1953, %get3A_1954] : memref<128x24xf32, #tpu.memory_space<vmem>>, vector<128x1xf32>
    %get3A_1956 = vector.shape_cast %get3A_1955 : vector<128x1xf32> to vector<128xf32>
    %broadcast_in_dim3A_1957 = vector.shape_cast %get3A_1956 : vector<128xf32> to vector<128x1xf32>
    %sub3A_1958 = vector.broadcast %broadcast_in_dim3A_1957 : vector<128x1xf32> to vector<128x512xf32>
    %sub3A_1959 = vector.broadcast %get3A_1852 : vector<1x512xf32> to vector<128x512xf32>
    %sub3A_1960 = arith.subf %sub3A_1958, %sub3A_1959 : vector<128x512xf32>
    %get3A_1961 = arith.constant 0 : index
    %get3A_1962 = arith.constant 11 : index
    %get3A_1963 = vector.load %arg1[%get3A_1961, %get3A_1962] : memref<128x24xf32, #tpu.memory_space<vmem>>, vector<128x1xf32>
    %get3A_1964 = vector.shape_cast %get3A_1963 : vector<128x1xf32> to vector<128xf32>
    %broadcast_in_dim3A_1965 = vector.shape_cast %get3A_1964 : vector<128xf32> to vector<128x1xf32>
    %sub3A_1966 = vector.broadcast %broadcast_in_dim3A_1965 : vector<128x1xf32> to vector<128x512xf32>
    %sub3A_1967 = vector.broadcast %get3A_1855 : vector<1x512xf32> to vector<128x512xf32>
    %sub3A_1968 = arith.subf %sub3A_1966, %sub3A_1967 : vector<128x512xf32>
    %mul3A_1969 = arith.mulf %sub3A_1952, %sub3A_1952 : vector<128x512xf32>
    %mul3A_1970 = arith.mulf %sub3A_1960, %sub3A_1960 : vector<128x512xf32>
    %add3A_1971 = arith.addf %mul3A_1969, %mul3A_1970 : vector<128x512xf32>
    %mul3A_1972 = arith.mulf %sub3A_1968, %sub3A_1968 : vector<128x512xf32>
    %add3A_1973 = arith.addf %add3A_1971, %mul3A_1972 : vector<128x512xf32>
    %min3A_1974 = arith.minimumf %min3A_1944, %add3A_1973 : vector<128x512xf32>
    %get3A_1975 = arith.constant 0 : index
    %get3A_1976 = arith.constant 12 : index
    %get3A_1977 = vector.load %arg1[%get3A_1975, %get3A_1976] : memref<128x24xf32, #tpu.memory_space<vmem>>, vector<128x1xf32>
    %get3A_1978 = vector.shape_cast %get3A_1977 : vector<128x1xf32> to vector<128xf32>
    %broadcast_in_dim3A_1979 = vector.shape_cast %get3A_1978 : vector<128xf32> to vector<128x1xf32>
    %sub3A_1980 = vector.broadcast %broadcast_in_dim3A_1979 : vector<128x1xf32> to vector<128x512xf32>
    %sub3A_1981 = vector.broadcast %get3A_1849 : vector<1x512xf32> to vector<128x512xf32>
    %sub3A_1982 = arith.subf %sub3A_1980, %sub3A_1981 : vector<128x512xf32>
    %get3A_1983 = arith.constant 0 : index
    %get3A_1984 = arith.constant 13 : index
    %get3A_1985 = vector.load %arg1[%get3A_1983, %get3A_1984] : memref<128x24xf32, #tpu.memory_space<vmem>>, vector<128x1xf32>
    %get3A_1986 = vector.shape_cast %get3A_1985 : vector<128x1xf32> to vector<128xf32>
    %broadcast_in_dim3A_1987 = vector.shape_cast %get3A_1986 : vector<128xf32> to vector<128x1xf32>
    %sub3A_1988 = vector.broadcast %broadcast_in_dim3A_1987 : vector<128x1xf32> to vector<128x512xf32>
    %sub3A_1989 = vector.broadcast %get3A_1852 : vector<1x512xf32> to vector<128x512xf32>
    %sub3A_1990 = arith.subf %sub3A_1988, %sub3A_1989 : vector<128x512xf32>
    %get3A_1991 = arith.constant 0 : index
    %get3A_1992 = arith.constant 14 : index
    %get3A_1993 = vector.load %arg1[%get3A_1991, %get3A_1992] : memref<128x24xf32, #tpu.memory_space<vmem>>, vector<128x1xf32>
    %get3A_1994 = vector.shape_cast %get3A_1993 : vector<128x1xf32> to vector<128xf32>
    %broadcast_in_dim3A_1995 = vector.shape_cast %get3A_1994 : vector<128xf32> to vector<128x1xf32>
    %sub3A_1996 = vector.broadcast %broadcast_in_dim3A_1995 : vector<128x1xf32> to vector<128x512xf32>
    %sub3A_1997 = vector.broadcast %get3A_1855 : vector<1x512xf32> to vector<128x512xf32>
    %sub3A_1998 = arith.subf %sub3A_1996, %sub3A_1997 : vector<128x512xf32>
    %mul3A_1999 = arith.mulf %sub3A_1982, %sub3A_1982 : vector<128x512xf32>
    %mul3A_2000 = arith.mulf %sub3A_1990, %sub3A_1990 : vector<128x512xf32>
    %add3A_2001 = arith.addf %mul3A_1999, %mul3A_2000 : vector<128x512xf32>
    %mul3A_2002 = arith.mulf %sub3A_1998, %sub3A_1998 : vector<128x512xf32>
    %add3A_2003 = arith.addf %add3A_2001, %mul3A_2002 : vector<128x512xf32>
    %min3A_2004 = arith.minimumf %min3A_1974, %add3A_2003 : vector<128x512xf32>
    %get3A_2005 = arith.constant 0 : index
    %get3A_2006 = arith.constant 15 : index
    %get3A_2007 = vector.load %arg1[%get3A_2005, %get3A_2006] : memref<128x24xf32, #tpu.memory_space<vmem>>, vector<128x1xf32>
    %get3A_2008 = vector.shape_cast %get3A_2007 : vector<128x1xf32> to vector<128xf32>
    %broadcast_in_dim3A_2009 = vector.shape_cast %get3A_2008 : vector<128xf32> to vector<128x1xf32>
    %sub3A_2010 = vector.broadcast %broadcast_in_dim3A_2009 : vector<128x1xf32> to vector<128x512xf32>
    %sub3A_2011 = vector.broadcast %get3A_1849 : vector<1x512xf32> to vector<128x512xf32>
    %sub3A_2012 = arith.subf %sub3A_2010, %sub3A_2011 : vector<128x512xf32>
    %get3A_2013 = arith.constant 0 : index
    %get3A_2014 = arith.constant 16 : index
    %get3A_2015 = vector.load %arg1[%get3A_2013, %get3A_2014] : memref<128x24xf32, #tpu.memory_space<vmem>>, vector<128x1xf32>
    %get3A_2016 = vector.shape_cast %get3A_2015 : vector<128x1xf32> to vector<128xf32>
    %broadcast_in_dim3A_2017 = vector.shape_cast %get3A_2016 : vector<128xf32> to vector<128x1xf32>
    %sub3A_2018 = vector.broadcast %broadcast_in_dim3A_2017 : vector<128x1xf32> to vector<128x512xf32>
    %sub3A_2019 = vector.broadcast %get3A_1852 : vector<1x512xf32> to vector<128x512xf32>
    %sub3A_2020 = arith.subf %sub3A_2018, %sub3A_2019 : vector<128x512xf32>
    %get3A_2021 = arith.constant 0 : index
    %get3A_2022 = arith.constant 17 : index
    %get3A_2023 = vector.load %arg1[%get3A_2021, %get3A_2022] : memref<128x24xf32, #tpu.memory_space<vmem>>, vector<128x1xf32>
    %get3A_2024 = vector.shape_cast %get3A_2023 : vector<128x1xf32> to vector<128xf32>
    %broadcast_in_dim3A_2025 = vector.shape_cast %get3A_2024 : vector<128xf32> to vector<128x1xf32>
    %sub3A_2026 = vector.broadcast %broadcast_in_dim3A_2025 : vector<128x1xf32> to vector<128x512xf32>
    %sub3A_2027 = vector.broadcast %get3A_1855 : vector<1x512xf32> to vector<128x512xf32>
    %sub3A_2028 = arith.subf %sub3A_2026, %sub3A_2027 : vector<128x512xf32>
    %mul3A_2029 = arith.mulf %sub3A_2012, %sub3A_2012 : vector<128x512xf32>
    %mul3A_2030 = arith.mulf %sub3A_2020, %sub3A_2020 : vector<128x512xf32>
    %add3A_2031 = arith.addf %mul3A_2029, %mul3A_2030 : vector<128x512xf32>
    %mul3A_2032 = arith.mulf %sub3A_2028, %sub3A_2028 : vector<128x512xf32>
    %add3A_2033 = arith.addf %add3A_2031, %mul3A_2032 : vector<128x512xf32>
    %min3A_2034 = arith.minimumf %min3A_2004, %add3A_2033 : vector<128x512xf32>
    %get3A_2035 = arith.constant 0 : index
    %get3A_2036 = arith.constant 18 : index
    %get3A_2037 = vector.load %arg1[%get3A_2035, %get3A_2036] : memref<128x24xf32, #tpu.memory_space<vmem>>, vector<128x1xf32>
    %get3A_2038 = vector.shape_cast %get3A_2037 : vector<128x1xf32> to vector<128xf32>
    %broadcast_in_dim3A_2039 = vector.shape_cast %get3A_2038 : vector<128xf32> to vector<128x1xf32>
    %sub3A_2040 = vector.broadcast %broadcast_in_dim3A_2039 : vector<128x1xf32> to vector<128x512xf32>
    %sub3A_2041 = vector.broadcast %get3A_1849 : vector<1x512xf32> to vector<128x512xf32>
    %sub3A_2042 = arith.subf %sub3A_2040, %sub3A_2041 : vector<128x512xf32>
    %get3A_2043 = arith.constant 0 : index
    %get3A_2044 = arith.constant 19 : index
    %get3A_2045 = vector.load %arg1[%get3A_2043, %get3A_2044] : memref<128x24xf32, #tpu.memory_space<vmem>>, vector<128x1xf32>
    %get3A_2046 = vector.shape_cast %get3A_2045 : vector<128x1xf32> to vector<128xf32>
    %broadcast_in_dim3A_2047 = vector.shape_cast %get3A_2046 : vector<128xf32> to vector<128x1xf32>
    %sub3A_2048 = vector.broadcast %broadcast_in_dim3A_2047 : vector<128x1xf32> to vector<128x512xf32>
    %sub3A_2049 = vector.broadcast %get3A_1852 : vector<1x512xf32> to vector<128x512xf32>
    %sub3A_2050 = arith.subf %sub3A_2048, %sub3A_2049 : vector<128x512xf32>
    %get3A_2051 = arith.constant 0 : index
    %get3A_2052 = arith.constant 20 : index
    %get3A_2053 = vector.load %arg1[%get3A_2051, %get3A_2052] : memref<128x24xf32, #tpu.memory_space<vmem>>, vector<128x1xf32>
    %get3A_2054 = vector.shape_cast %get3A_2053 : vector<128x1xf32> to vector<128xf32>
    %broadcast_in_dim3A_2055 = vector.shape_cast %get3A_2054 : vector<128xf32> to vector<128x1xf32>
    %sub3A_2056 = vector.broadcast %broadcast_in_dim3A_2055 : vector<128x1xf32> to vector<128x512xf32>
    %sub3A_2057 = vector.broadcast %get3A_1855 : vector<1x512xf32> to vector<128x512xf32>
    %sub3A_2058 = arith.subf %sub3A_2056, %sub3A_2057 : vector<128x512xf32>
    %mul3A_2059 = arith.mulf %sub3A_2042, %sub3A_2042 : vector<128x512xf32>
    %mul3A_2060 = arith.mulf %sub3A_2050, %sub3A_2050 : vector<128x512xf32>
    %add3A_2061 = arith.addf %mul3A_2059, %mul3A_2060 : vector<128x512xf32>
    %mul3A_2062 = arith.mulf %sub3A_2058, %sub3A_2058 : vector<128x512xf32>
    %add3A_2063 = arith.addf %add3A_2061, %mul3A_2062 : vector<128x512xf32>
    %min3A_2064 = arith.minimumf %min3A_2034, %add3A_2063 : vector<128x512xf32>
    %get3A_2065 = arith.constant 0 : index
    %get3A_2066 = arith.constant 21 : index
    %get3A_2067 = vector.load %arg1[%get3A_2065, %get3A_2066] : memref<128x24xf32, #tpu.memory_space<vmem>>, vector<128x1xf32>
    %get3A_2068 = vector.shape_cast %get3A_2067 : vector<128x1xf32> to vector<128xf32>
    %broadcast_in_dim3A_2069 = vector.shape_cast %get3A_2068 : vector<128xf32> to vector<128x1xf32>
    %sub3A_2070 = vector.broadcast %broadcast_in_dim3A_2069 : vector<128x1xf32> to vector<128x512xf32>
    %sub3A_2071 = vector.broadcast %get3A_1849 : vector<1x512xf32> to vector<128x512xf32>
    %sub3A_2072 = arith.subf %sub3A_2070, %sub3A_2071 : vector<128x512xf32>
    %get3A_2073 = arith.constant 0 : index
    %get3A_2074 = arith.constant 22 : index
    %get3A_2075 = vector.load %arg1[%get3A_2073, %get3A_2074] : memref<128x24xf32, #tpu.memory_space<vmem>>, vector<128x1xf32>
    %get3A_2076 = vector.shape_cast %get3A_2075 : vector<128x1xf32> to vector<128xf32>
    %broadcast_in_dim3A_2077 = vector.shape_cast %get3A_2076 : vector<128xf32> to vector<128x1xf32>
    %sub3A_2078 = vector.broadcast %broadcast_in_dim3A_2077 : vector<128x1xf32> to vector<128x512xf32>
    %sub3A_2079 = vector.broadcast %get3A_1852 : vector<1x512xf32> to vector<128x512xf32>
    %sub3A_2080 = arith.subf %sub3A_2078, %sub3A_2079 : vector<128x512xf32>
    %get3A_2081 = arith.constant 0 : index
    %get3A_2082 = arith.constant 23 : index
    %get3A_2083 = vector.load %arg1[%get3A_2081, %get3A_2082] : memref<128x24xf32, #tpu.memory_space<vmem>>, vector<128x1xf32>
    %get3A_2084 = vector.shape_cast %get3A_2083 : vector<128x1xf32> to vector<128xf32>
    %broadcast_in_dim3A_2085 = vector.shape_cast %get3A_2084 : vector<128xf32> to vector<128x1xf32>
    %sub3A_2086 = vector.broadcast %broadcast_in_dim3A_2085 : vector<128x1xf32> to vector<128x512xf32>
    %sub3A_2087 = vector.broadcast %get3A_1855 : vector<1x512xf32> to vector<128x512xf32>
    %sub3A_2088 = arith.subf %sub3A_2086, %sub3A_2087 : vector<128x512xf32>
    %mul3A_2089 = arith.mulf %sub3A_2072, %sub3A_2072 : vector<128x512xf32>
    %mul3A_2090 = arith.mulf %sub3A_2080, %sub3A_2080 : vector<128x512xf32>
    %add3A_2091 = arith.addf %mul3A_2089, %mul3A_2090 : vector<128x512xf32>
    %mul3A_2092 = arith.mulf %sub3A_2088, %sub3A_2088 : vector<128x512xf32>
    %add3A_2093 = arith.addf %add3A_2091, %mul3A_2092 : vector<128x512xf32>
    %min3A_2094 = arith.minimumf %min3A_2064, %add3A_2093 : vector<128x512xf32>
    %reduce_min3A_2095 = arith.constant dense<0x7F800000> : vector<128xf32>
    %reduce_min3A_2096 = vector.multi_reduction <minimumf>, %min3A_2094, %reduce_min3A_2095 [1] : vector<128x512xf32> to vector<128xf32>
    %broadcast_in_dim3A_2097 = vector.shape_cast %reduce_min3A_2096 : vector<128xf32> to vector<128x1xf32>
    %iota3A_2098 = tpu.iota {dimensions = array<i32: 1>} : vector<128x512xi32>
    %add3A_2099 = arith.constant 3584 : i32
    %add3A_2100 = vector.broadcast %add3A_2099 : i32 to vector<128x512xi32>
    %add3A_2101 = arith.addi %iota3A_2098, %add3A_2100 : vector<128x512xi32>
    %eq3A_2102 = vector.broadcast %broadcast_in_dim3A_2097 : vector<128x1xf32> to vector<128x512xf32>
    %eq3A_2103 = arith.cmpf oeq, %min3A_2094, %eq3A_2102 : vector<128x512xf32>
    %jit3A_2104 = arith.constant 4096 : i32
    %broadcast_in_dim3A_2105 = vector.broadcast %jit3A_2104 : i32 to vector<128x512xi32>
    %select_n3A_2106 = arith.select %eq3A_2103, %add3A_2101, %broadcast_in_dim3A_2105 : vector<128x512xi1>, vector<128x512xi32>
    %reduce_min3A_2107 = arith.constant dense<2147483647> : vector<128xi32>
    %reduce_min3A_2108 = vector.multi_reduction <minsi>, %select_n3A_2106, %reduce_min3A_2107 [1] : vector<128x512xi32> to vector<128xi32>
    %broadcast_in_dim3A_2109 = vector.shape_cast %reduce_min3A_2108 : vector<128xi32> to vector<128x1xi32>
    %lt3A_2110 = arith.cmpf olt, %broadcast_in_dim3A_2097, %select_n3A_1846 : vector<128x1xf32>
    %select_n3A_2111 = arith.select %lt3A_2110, %broadcast_in_dim3A_2109, %select_n3A_1845 : vector<128x1xi1>, vector<128x1xi32>
    %squeeze3A = vector.shape_cast %select_n3A_2111 : vector<128x1xi32> to vector<128xi32>
    %swap3A = arith.constant 0 : index
    %swap3A_2112 = arith.constant 0 : index
    %swap3A_2113 = arith.constant 0 : index
    %swap3A_2114 = vector.load %arg3[%swap3A, %swap3A_2112, %swap3A_2113] : memref<1x1x128xi32, #tpu.memory_space<vmem>>, vector<1x1x128xi32>
    %swap3A_2115 = vector.shape_cast %swap3A_2114 : vector<1x1x128xi32> to vector<128xi32>
    %swap3A_2116 = vector.shape_cast %squeeze3A : vector<128xi32> to vector<1x1x128xi32>
    tpu.vector_store %arg3[%swap3A, %swap3A_2112, %swap3A_2113], %swap3A_2116 {strides = array<i32>} : memref<1x1x128xi32, #tpu.memory_space<vmem>>, vector<1x1x128xi32>,
    return
  }
  func.func @transform_0(%arg0: i32) -> (i32, i32) {
    %c0_i32 = arith.constant 0 : i32
    %c0_i32_0 = arith.constant 0 : i32
    return %arg0, %c0_i32 : i32, i32
  }
  func.func @transform_1(%arg0: i32) -> (i32, i32) {
    %c0_i32 = arith.constant 0 : i32
    %c0_i32_0 = arith.constant 0 : i32
    %c0_i32_1 = arith.constant 0 : i32
    return %c0_i32, %c0_i32_0 : i32, i32
  }
  func.func @transform_2(%arg0: i32) -> (i32, i32, i32) {
    %c0_i32 = arith.constant 0 : i32
    %c0_i32_0 = arith.constant 0 : i32
    %c0_i32_1 = arith.constant 0 : i32
    return %arg0, %c0_i32, %c0_i32_0 : i32, i32, i32
  }
}

</mosaic_0001>

<sc_bundles>
// kernel: kernel.4.cloned.1.call-start
scs
__scs_entry_jumppad:
0x0: {  	(pc) =	sbr.rel $0x88, $3  }
0x1: {  	(tag) =	ssettag $0x0;
	lr =	simm.s32 $0x1  }
0x2: {  	[smem:$0x3F9D] =	sst lr;
	_ =	strace $0xD0000000  }
0x3: {  	_ = 	snop  }
0x4: {  	_ = 	snop  }
0x5: {  	_ = 	snop  }
0x6: {  	_ = 	snop  }
0x7: {  	_ = 	snop  }
__scs_overlays_trampoline_lowered:
0x8: {  	[smem:$0x3FAC] =	sst s0  }
0x9: {  	[smem:$0x3FAD] =	sst s1  }
0xa: {  	[smem:$0x3FAE] =	sst s2  }
0xb: {  	[smem:$0x3FAF] =	sst s3  }
0xc: {  	[smem:$0x3FB0] =	sst s4  }
0xd: {  	[smem:$0x3FB1] =	sst s5  }
0xe: {  	[smem:$0x3FB2] =	sst s6  }
0xf: {  	[smem:$0x3FB3] =	sst s7  }
0x10: {  	[smem:$0x3FB4] =	sst s8  }
0x11: {  	[smem:$0x3FB5] =	sst s9;
	s0 =	simm.s32 @!p0 $0x0  }
0x12: {  	s1 =	sld [smem:$0x3F9B];
	s0 =	simm.s32 @p0 $0x1  }
0x13: {  	[smem:$0x3FB6] =	sst s0;
	s0 =	simm.s32 @!p1 $0x0  }
0x14: {  	s2 =	sld [smem:$0x3F9A];
	s0 =	simm.s32 @p1 $0x1  }
0x15: {  	[smem:$0x3FB7] =	sst s0;
	s0 =	simm.s32 @!p2 $0x0  }
0x16: {  	s3 =	sld [smem:$0x3FDB];
	s0 =	simm.s32 @p2 $0x1  }
0x17: {  	s4 =	simm.s32 $0x1BF5;
	[smem:$0x3FB9] =	sst s0  }
0x18: {  	s0 =	sld [smem:$0x3F9C];
	_ =	swait.ge [sflag:s4], $0x0  }
0x19: {  	s7 =	sld [smem:$0x3F9D]  }
0x1a: {  	s8 =	sadd.s32 $0xFFFFE003, lr  }
0x1b: {  	s9 =	sadd.s32 $0xFFFFFEF7, lr;
	s5 =	simm.s32 $0xFFFFFFFF;
	p2 =	slt.u32 s8, $0xFFFFF086  }
0x1c: {  	p1 =	slt.u32 s9, $0xF7A;
	s5 =	simm.s32 @!p2 $0x0  }
0x1d: {  	s5 =	simm.s32 @p1 $0x1;
	p0 =	seq.s32 s7, s2  }
0x1e: {  	s7 =	smul.u32 @!p0 $0xF7A, s2;
	p2 =	seq.s32 @!p0 s5, $0x0  }
0x1f: {  	s9 =	smul.u32 $0xF7A, s1;
	s8 =	simm.s32 @!p0 $0x1BF5;
	p2 =	por !p2, p0  }
0x20: {  	[sflag:s8] =	ssyncset.s32 @!p0 $0xFFFFF086;
	s6 =	sadd.s32 @!p0 s3, s7;
	s7 =	simm.s32 @!p0 $0x108  }
0x21: {  	s3 =	sadd.s32 s3, s9;
	s6 =	sadd.s32 @!p0 $0x88, s6;
	s7 =	simm.s32 @p2 $0x1082  }
0x22: {  	[simem:s7], [sflag:s8] =	dma.local @!p0 [hbm:s6], $0xF7A  }
0x23: {  	s9 =	sor.u32 $0xD0000000, s2;
	s6 =	simm.s32 $0x108;
	_ =	swait.ge @!p0 [sflag:s8], $0x0  }
0x24: {  	s3 =	sadd.s32 $0x88, s3;
	s6 =	simm.s32 @!p1 $0x1082;
	[sflag:s4] =	ssyncset.s32 $0xFFFFF086  }
0x25: {  	[simem:s6], [sflag:s4] =	dma.local [hbm:s3], $0xF7A  }
0x26: {  	[smem:$0x3F9D] =	sst s1;
	(tag) =	ssettag s2;
	_ =	strace s9  }
0x27: {  	s1 =	sld [smem:$0x3FAD]  }
0x28: {  	s2 =	sld [smem:$0x3FAE]  }
0x29: {  	s4 =	sld [smem:$0x3FB0]  }
0x2a: {  	p0 =	seq.s32 s5, $0x0;
	s5 =	sld [smem:$0x3FB1]  }
0x2b: {  	s6 =	sld [smem:$0x3FB2]  }
0x2c: {  	s7 =	sld [smem:$0x3FB3]  }
0x2d: {  	s3 =	simm.s32 $0x108;
	s8 =	sld [smem:$0x3FB4]  }
0x2e: {  	s3 =	simm.s32 @!p0 $0x1082;
	s9 =	sld [smem:$0x3FB5]  }
0x2f: {  	lr =	sadd.s32 s0, s3;
	s0 =	sld [smem:$0x3FAC]  }
0x30: {  	s3 =	sld [smem:$0x3FAF]  }
0x31: {  	[smem:$0x3FB8] =	sst s10  }
0x32: {  	s10 =	sld [smem:$0x3FB6];
	_ =	sdelay $0x3  }
0x33: {  	p0 =	seq.s32 s10, $0x1;
	s10 =	sld [smem:$0x3FB8];
	_ =	sdelay $0x3  }
0x34: {  	[smem:$0x3FB8] =	sst s10  }
0x35: {  	s10 =	sld [smem:$0x3FB7];
	_ =	sdelay $0x3  }
0x36: {  	p1 =	seq.s32 s10, $0x1;
	s10 =	sld [smem:$0x3FB8];
	_ =	sdelay $0x3  }
0x37: {  	[smem:$0x3FB8] =	sst s10  }
0x38: {  	s10 =	sld [smem:$0x3FB9]  }
0x39: {  	_ = 	snop;
	(pc) =	sbr.ind lr, $3  }
0x3a: {  	_ = 	snop  }
0x3b: {  	_ = 	snop  }
0x3c: {  	p2 =	seq.s32 s10, $0x1;
	s10 =	sld [smem:$0x3FB8]  }
0x3d: {  	_ =	shalt  }
0x3e: {  	_ =	shalt  }
0x3f: {  	_ =	shalt  }
0x40: {  	_ =	shalt  }
0x41: {  	_ =	shalt  }
0x42: {  	_ =	shalt  }
0x43: {  	_ =	shalt  }
0x44: {  	_ =	shalt  }
0x45: {  	_ =	shalt  }
0x46: {  	_ =	shalt  }
0x47: {  	_ =	shalt  }
0x48: {  	_ =	shalt  }
0x49: {  	_ =	shalt  }
0x4a: {  	_ =	shalt  }
0x4b: {  	_ =	shalt  }
0x4c: {  	_ =	shalt  }
0x4d: {  	_ =	shalt  }
0x4e: {  	_ =	shalt  }
0x4f: {  	_ =	shalt  }
0x50: {  	_ =	shalt  }
0x51: {  	_ =	shalt  }
0x52: {  	_ =	shalt  }
0x53: {  	_ =	shalt  }
0x54: {  	_ =	shalt  }
0x55: {  	_ =	shalt  }
0x56: {  	_ =	shalt  }
0x57: {  	_ =	shalt  }
0x58: {  	_ =	shalt  }
0x59: {  	_ =	shalt  }
0x5a: {  	_ =	shalt  }
0x5b: {  	_ =	shalt  }
0x5c: {  	_ =	shalt  }
0x5d: {  	_ =	shalt  }
0x5e: {  	_ =	shalt  }
0x5f: {  	_ =	shalt  }
0x60: {  	_ =	shalt  }
0x61: {  	_ =	shalt  }
0x62: {  	_ =	shalt  }
0x63: {  	_ =	shalt  }
0x64: {  	_ =	shalt  }
0x65: {  	_ =	shalt  }
0x66: {  	_ =	shalt  }
0x67: {  	_ =	shalt  }
0x68: {  	_ =	shalt  }
0x69: {  	_ =	shalt  }
0x6a: {  	_ =	shalt  }
0x6b: {  	_ =	shalt  }
0x6c: {  	_ =	shalt  }
0x6d: {  	_ =	shalt  }
0x6e: {  	_ =	shalt  }
0x6f: {  	_ =	shalt  }
0x70: {  	_ =	shalt  }
0x71: {  	_ =	shalt  }
0x72: {  	_ =	shalt  }
0x73: {  	_ =	shalt  }
0x74: {  	_ =	shalt  }
0x75: {  	_ =	shalt  }
0x76: {  	_ =	shalt  }
0x77: {  	_ =	shalt  }
0x78: {  	_ =	shalt  }
0x79: {  	_ =	shalt  }
0x7a: {  	_ =	shalt  }
0x7b: {  	_ =	shalt  }
0x7c: {  	_ =	shalt  }
0x7d: {  	_ =	shalt  }
0x7e: {  	_ =	shalt  }
0x7f: {  	_ =	shalt  }
0x80: {  	_ =	shalt  }
0x81: {  	_ =	shalt  }
0x82: {  	_ =	shalt  }
0x83: {  	_ =	shalt  }
0x84: {  	_ =	shalt  }
0x85: {  	_ =	shalt  }
0x86: {  	_ =	shalt  }
0x87: {  	_ =	shalt  }
.Lfunc_end0:
.L_simem_size_0:
called_computation_lowered:
.L_overlay_start_0:
0x88: {  	s2 =	sld [smem:$0x3FD9]  }
0x89: {  	s3 =	sld [smem:$0x3FFE];
	_ =	sdelay $0x1  }
0x8a: {  	s1 =	srdreg.scid  }
0x8b: {  	s0 =	sand.u32 $0x1, s1  }
0x8c: {  	s17 =	sshll.u32 s0, $0xA;
	s2 =	sadd.s32 s3, s2  }
0x8d: {  	s2 =	sadd.s32 s2, s17  }
0x8e: {  	[smem:$0x3FC4] =	sst s2  }
0x8f: {  	_ = 	snop  }
0x90: {  	s2 =	sld [smem:$0x3FC6]  }
0x91: {  	s18 =	sld [smem:$0x3FD0];
	(tm) =	ssettm $0x1  }
0x92: {  	s4 =	sld [smem:$0x3FFB];
	_ =	sdelay $0x3  }
0x93: {  	_ =	strace s4  }
0x94: {  	s4 =	sld [smem:$0x3FFC];
	_ =	sdelay $0x3  }
0x95: {  	_ =	strace s4  }
0x96: {  	s4 =	sld [smem:$0x3FFD];
	_ =	sdelay $0x3  }
0x97: {  	_ =	strace s4  }
0x98: {  	_ =	strace $0x8FFFFFFF  }
0x99: {  	s19 =	sld [smem:$0x3FDB];
	_ =	sdelay $0x1  }
0x9a: {  	s5 =	simm.s32 $_scs_section_size  }
0x9b: {  	s6 =	simm.s32 $_size__tile_overlayer_lowered;
	s7 =	simm.s32 $_tile_overlayer_lowered  }
0x9c: {  	s22 =	simm.s32 $0x1BFF;
	s21 =	sshll.u32 s7, $0x1;
	s4 =	sadd.s32 s5, s19  }
0x9d: {  	s8 =	simm.s32 $0x0;
	s20 =	sshll.u32 s6, $0x1;
	s6 =	sadd.s32 s21, s4  }
0x9e: {  	[timem:s8], [sflag:s22] =	dma.local [hbm:s6], s20  }
0x9f: {  	_ =	swait.ge [sflag:s22], s20  }
0xa0: {  	s5 =	ssub.s32 $0x0, s20;
	[sflag:s22] =	ssyncset.done $0x0  }
0xa1: {  	[sflag:s22] =	ssyncadd.s32 s5;
	_ =	sdelay $0x1  }
0xa2: {  	s23 =	simm.s32 $0x1B8B  }
0xa3: {  	_ =	swait.ge [sflag:s23], $0x1  }
0xa4: {  	[sflag:s23] =	ssyncset.done $0x0  }
0xa5: {  	s25 =	simm.s32 $0x1B8E;
	s24 =	sld [smem:$0x3FFE];
	[sflag:s23] =	ssyncadd.s32 $0xFFFFFFFF  }
0xa6: {  	s26 =	simm.s32 $execute0_lowered;
	[smem:$0x3FD2] =	sst s25  }
0xa7: {  	s6 =	sshll.u32 s26, $0x1;
	_ =	strace $0x80000046;
	[dreg:$0x1] =	wrdreg $0xFFFFFFFF  }
0xa8: {  	s28 =	simm.s32 $_size_execute0_lowered;
	s4 =	sadd.s32 s4, s6;
	[dreg:$0x0] =	wrdreg $0x0  }
0xa9: {  	s6 =	sshll.u32 s28, $0x1;
	[dreg:$0x2] =	wrdreg s4  }
0xaa: {  	[dreg:$0x3] =	wrdreg s6  }
0xab: {  	[dreg:$0x4] =	wrdreg $0xC0  }
0xac: {  	_ =	task [dreg:s8], $0x5FFFF  }
0xad: {  	[dreg:$0x1] =	wrdreg $0xFFFFFFFF  }
0xae: {  	[dreg:$0x0] =	wrdreg $0x60  }
0xaf: {  	[dreg:$0x2] =	wrdreg s24  }
0xb0: {  	[dreg:$0x3] =	wrdreg s2  }
0xb1: {  	[dreg:$0x4] =	wrdreg s18  }
0xb2: {  	[dreg:$0x5] =	wrdreg $0x9  }
0xb3: {  	_ =	task.clear_ibuf [dreg:s8], $0x6FFFF;
	_ =	strace $0x90000046  }
0xb4: {  	s29 =	simm.s32 $0x9;
	_ =	strace $0x80000048  }
0xb5: {  	_ =	swait.ge [sflag:s29], $0x1  }
0xb6: {  	[sflag:s29] =	ssyncadd.s32 $0xFFFFFFFF  }
0xb7: {  	_ =	strace $0x90000048  }
0xb8: {  	_ =	sfence  }
0xb9: {  	s30 =	sld [smem:$0x0];
	_ =	sdelay $0x2  }
0xba: {  	s31 =	sshll.u32 s1, $0xD;
	s1 =	sshrl.u32 s1, $0x2  }
0xbb: {  	s3 =	sand.u32 $0x4000, s31;
	s1 =	sadd.s32 s1, s30  }
0xbc: {  	s0 =	sor.u32 s3, s0;
	s1 =	sshll.u32 s1, $0x11  }
0xbd: {  	s0 =	sor.u32 s1, s0  }
0xbe: {  	s0 =	sadd.s32 $0x8F2B, s0  }
0xbf: {  	[sflag:s0] =	ssyncadd.remote.s32 $0x1  }
0xc0: {  	_ =	sfence.sel $0xFFFF  }
0xc1: {  	[dreg:$0x0] =	wrdreg $0xFFFFFFFF;
	(pc) =	sbr.abs _section_cstart, $3  }
0xc2: {  	[dreg:$0x1] =	wrdreg $0xFFFFFFFF  }
0xc3: {  	_ =	task.clear_ibuf [dreg:s8], $0x2FFFF;
	_ =	strace $0x9FFFFFFF  }
0xc4: {  	(tm) =	ssettm $0x7FFFFFFF  }
0xc5: {  	_ =	shalt  }
tec
execute0_lowered:
.L_overlay_start_1:
0x0: {  	(tag) =	ssettag $0x1  }
0x1: {  	s2 =	rddreg [dreg:$0x1]  }
0x2: {  	s0 =	rddreg [dreg:$0x2]  }
0x3: {  	s1 =	srdreg.scid;
	s3 =	simm.s32 $0x0;
	s6 =	stileid.u32  }
0x4: {  	s30 =	simm.s32 $0x3;
	s31 =	simm.s32 $0x400;
	s1 =	sand.u32 $0x1, s1  }
0x5: {  	[smem:$0x7FF] =	sst s3;
	s22 =	sshll.u32 s6, $0x6;
	s6 =	sadd.s32 $0x100, s2  }
0x6: {  	s7 =	sadd.s32 $0x200, s2;
	s8 =	sadd.s32 $0x300, s2;
	s9 =	sadd.s32 $0x400, s2  }
0x7: {  	s10 =	sadd.s32 $0x500, s2;
	s11 =	sadd.s32 $0x600, s2;
	s12 =	sadd.s32 $0x700, s2  }
0x8: {  	s13 =	sadd.s32 $0x800, s2;
	s14 =	sadd.s32 $0x900, s2;
	s15 =	sadd.s32 $0xA00, s2  }
0x9: {  	s16 =	sadd.s32 $0xB00, s2;
	s28 =	sadd.s32 $0xE00, s2;
	s4 =	ssub.s32 $0x2, s1  }
0xa: {  	s29 =	sadd.s32 $0xF00, s2;
	s1 =	sshll.u32 s1, $0x5;
	s5 =	sshrl.u32 s4, $0x1  }
0xb: {  	_ =	strace $0x80000047;
	s4 =	ssub.s32 s4, s5;
	s5 =	sor.u32 s1, s22  }
0xc: {  	s1 =	sshll.u32 s5, $0x7;
	s17 =	sor.u32 $0x8, s5;
	s18 =	sor.u32 $0x10, s5  }
0xd: {  	s24 =	sor.u32 $0x18, s5;
	s26 =	smax.u32 s4, $0x1;
	[dreg:$0x4] =	wrdreg s17  }
0xe: {  	s1 =	sadd.s32 s0, s1;
	s23 =	sshll.u32 s17, $0x7;
	[dreg:$0x6] =	wrdreg s18  }
0xf: {  	s25 =	sshll.u32 s18, $0x7;
	[dreg:$0x7] =	wrdreg s24;
	s17 =	sshll.u32 s24, $0x7  }
0x10: {  	s24 =	sadd.s32 $0xC00, s2;
	[dreg:$0xb] =	wrdreg s26;
	s26 =	sadd.s32 $0xD00, s2  }
0x11: {  	s18 =	simm.s32 $0x8400;
	[dreg:$0x5] =	wrdreg s1;
	s1 =	sadd.s32 s0, s23  }
0x12: {  	v0 =	vlaneseq.u32;
	s23 =	simm.s32 $0x0;
	[dreg:$0x8] =	wrdreg s1;
	s1 =	sadd.s32 s0, s25  }
0x13: {  	v1 =	vshrl.u32 v0, $0x3;
	s0 =	sadd.s32 s0, s17;
	s17 =	simm.s32 $0x2;
	[dreg:$0x9] =	wrdreg s1  }
0x14: {  	vm0 =	vmmov $0xffff;
	v0 =	vand.u32 $0x7, v0;
	v1 =	vmul.u32 $0x8, v1;
	[dreg:$0xa] =	wrdreg s0;
	s1 =	simm.s32 $0x1;
	s0 =	simm.s32 $0x12400  }
.LBB2_1:
0x15: {  	s4 =	rddreg [dreg:$0x0]  }
0x16: {  	[tilespmem:s3], [sflag:$0x3] =	stream.linear.gather [hbm4b:s4+s3], $0x400, $0x38;
	[tilespmem:$0x14400] =	vst v63  }
0x17: {  	_ =	swait.ge [sflag:s30], $0x400  }
0x18: {  	[sflag:s30] =	ssyncset.done $0x0  }
0x19: {  	[sflag:s30] =	ssyncadd.s32 $0xFFFFFC00  }
0x1a: {  	v2 =	vld.msk [tilespmem:s5+$0x0], $0xff;
	_ =	sdelay $0x4  }
0x1b: {  	v3 =	vshll.u32 v2, $0x5  }
0x1c: {  	v2 =	vand.u32 $0x7, v2;
	v3 =	vand.u32 $0xFFFFFF00, v3  }
0x1d: {  	v2 =	vor.u32 v2, v3  }
0x1e: {  	v2 =	vperm.xlane v2, v0;
	_ =	sdelay $0x1  }
0x1f: {  	v2 =	vadd.s32 v1, v2;
	_ =	sdelay $0x4  }
0x20: {  	[tilespmem:s31], [sflag:$0x1] =	stream.indirect_vreg.gather [hbm4b:s2+s3], $0x80, v2, vm0, $0xb8;
	[tilespmem:$0x14400] =	vst v63  }
0x21: {  	s21 =	simm.s32 $0xC00  }
0x22: {  	[tilespmem:s21], [sflag:$0x1] =	stream.indirect_vreg.gather [hbm4b:s6+s3], $0x80, v2, vm0, $0xb8;
	[tilespmem:$0x14400] =	vst v63  }
0x23: {  	s22 =	simm.s32 $0x1400  }
0x24: {  	[tilespmem:s22], [sflag:$0x1] =	stream.indirect_vreg.gather [hbm4b:s7+s3], $0x80, v2, vm0, $0xb8;
	[tilespmem:$0x14400] =	vst v63  }
0x25: {  	s25 =	simm.s32 $0x1C00  }
0x26: {  	[tilespmem:s25], [sflag:$0x1] =	stream.indirect_vreg.gather [hbm4b:s8+s3], $0x80, v2, vm0, $0xb8;
	[tilespmem:$0x14400] =	vst v63  }
0x27: {  	s19 =	simm.s32 $0x2400  }
0x28: {  	[tilespmem:s19], [sflag:$0x1] =	stream.indirect_vreg.gather [hbm4b:s9+s3], $0x80, v2, vm0, $0xb8;
	[tilespmem:$0x14400] =	vst v63  }
0x29: {  	s20 =	simm.s32 $0x2C00  }
0x2a: {  	[tilespmem:s20], [sflag:$0x1] =	stream.indirect_vreg.gather [hbm4b:s10+s3], $0x80, v2, vm0, $0xb8;
	[tilespmem:$0x14400] =	vst v63  }
0x2b: {  	s21 =	simm.s32 $0x3400  }
0x2c: {  	[tilespmem:s21], [sflag:$0x1] =	stream.indirect_vreg.gather [hbm4b:s11+s3], $0x80, v2, vm0, $0xb8;
	[tilespmem:$0x14400] =	vst v63  }
0x2d: {  	s22 =	simm.s32 $0x3C00  }
0x2e: {  	[tilespmem:s22], [sflag:$0x1] =	stream.indirect_vreg.gather [hbm4b:s12+s3], $0x80, v2, vm0, $0xb8;
	[tilespmem:$0x14400] =	vst v63  }
0x2f: {  	s25 =	simm.s32 $0x4400  }
0x30: {  	[tilespmem:s25], [sflag:$0x1] =	stream.indirect_vreg.gather [hbm4b:s13+s3], $0x80, v2, vm0, $0xb8;
	[tilespmem:$0x14400] =	vst v63  }
0x31: {  	s19 =	simm.s32 $0x4C00  }
0x32: {  	[tilespmem:s19], [sflag:$0x1] =	stream.indirect_vreg.gather [hbm4b:s14+s3], $0x80, v2, vm0, $0xb8;
	[tilespmem:$0x14400] =	vst v63  }
0x33: {  	s20 =	simm.s32 $0x5400  }
0x34: {  	[tilespmem:s20], [sflag:$0x1] =	stream.indirect_vreg.gather [hbm4b:s15+s3], $0x80, v2, vm0, $0xb8;
	[tilespmem:$0x14400] =	vst v63  }
0x35: {  	s21 =	simm.s32 $0x5C00  }
0x36: {  	[tilespmem:s21], [sflag:$0x1] =	stream.indirect_vreg.gather [hbm4b:s16+s3], $0x80, v2, vm0, $0xb8;
	[tilespmem:$0x14400] =	vst v63  }
0x37: {  	s22 =	simm.s32 $0x6400  }
0x38: {  	[tilespmem:s22], [sflag:$0x1] =	stream.indirect_vreg.gather [hbm4b:s24+s3], $0x80, v2, vm0, $0xb8;
	[tilespmem:$0x14400] =	vst v63  }
0x39: {  	s25 =	simm.s32 $0x6C00  }
0x3a: {  	[tilespmem:s25], [sflag:$0x1] =	stream.indirect_vreg.gather [hbm4b:s26+s3], $0x80, v2, vm0, $0xb8;
	[tilespmem:$0x14400] =	vst v63  }
0x3b: {  	s19 =	simm.s32 $0x7400  }
0x3c: {  	[tilespmem:s19], [sflag:$0x1] =	stream.indirect_vreg.gather [hbm4b:s28+s3], $0x80, v2, vm0, $0xb8;
	[tilespmem:$0x14400] =	vst v63  }
0x3d: {  	s20 =	simm.s32 $0x7C00  }
0x3e: {  	[tilespmem:s20], [sflag:$0x1] =	stream.indirect_vreg.gather [hbm4b:s29+s3], $0x80, v2, vm0, $0xb8;
	[tilespmem:$0x14400] =	vst v63  }
0x3f: {  	_ =	swait.ge [sflag:s1], $0x8000  }
0x40: {  	[sflag:s1] =	ssyncset.done $0x0  }
0x41: {  	s21 =	rddreg [dreg:$0x4];
	[sflag:s1] =	ssyncadd.s32 $0xFFFF8000  }
0x42: {  	v2 =	vld.msk [tilespmem:s21+$0x0], $0xff;
	_ =	sdelay $0x4  }
0x43: {  	v3 =	vshll.u32 v2, $0x5  }
0x44: {  	v2 =	vand.u32 $0x7, v2;
	v3 =	vand.u32 $0xFFFFFF00, v3  }
0x45: {  	v2 =	vor.u32 v2, v3  }
0x46: {  	v2 =	vperm.xlane v2, v0;
	_ =	sdelay $0x1  }
0x47: {  	v2 =	vadd.s32 v1, v2;
	_ =	sdelay $0x4  }
0x48: {  	[tilespmem:s18], [sflag:$0x1] =	stream.indirect_vreg.gather [hbm4b:s2+s3], $0x80, v2, vm0, $0xb8;
	[tilespmem:$0x14400] =	vst v63  }
0x49: {  	s22 =	simm.s32 $0x8C00  }
0x4a: {  	[tilespmem:s22], [sflag:$0x1] =	stream.indirect_vreg.gather [hbm4b:s6+s3], $0x80, v2, vm0, $0xb8;
	[tilespmem:$0x14400] =	vst v63  }
0x4b: {  	s25 =	simm.s32 $0x9400  }
0x4c: {  	[tilespmem:s25], [sflag:$0x1] =	stream.indirect_vreg.gather [hbm4b:s7+s3], $0x80, v2, vm0, $0xb8;
	[tilespmem:$0x14400] =	vst v63  }
0x4d: {  	s19 =	simm.s32 $0x9C00  }
0x4e: {  	[tilespmem:s19], [sflag:$0x1] =	stream.indirect_vreg.gather [hbm4b:s8+s3], $0x80, v2, vm0, $0xb8;
	[tilespmem:$0x14400] =	vst v63  }
0x4f: {  	s20 =	simm.s32 $0xA400  }
0x50: {  	[tilespmem:s20], [sflag:$0x1] =	stream.indirect_vreg.gather [hbm4b:s9+s3], $0x80, v2, vm0, $0xb8;
	[tilespmem:$0x14400] =	vst v63  }
0x51: {  	s21 =	simm.s32 $0xAC00  }
0x52: {  	[tilespmem:s21], [sflag:$0x1] =	stream.indirect_vreg.gather [hbm4b:s10+s3], $0x80, v2, vm0, $0xb8;
	[tilespmem:$0x14400] =	vst v63  }
0x53: {  	s22 =	simm.s32 $0xB400  }
0x54: {  	[tilespmem:s22], [sflag:$0x1] =	stream.indirect_vreg.gather [hbm4b:s11+s3], $0x80, v2, vm0, $0xb8;
	[tilespmem:$0x14400] =	vst v63  }
0x55: {  	s25 =	simm.s32 $0xBC00  }
0x56: {  	[tilespmem:s25], [sflag:$0x1] =	stream.indirect_vreg.gather [hbm4b:s12+s3], $0x80, v2, vm0, $0xb8;
	[tilespmem:$0x14400] =	vst v63  }
0x57: {  	s19 =	simm.s32 $0xC400  }
0x58: {  	[tilespmem:s19], [sflag:$0x1] =	stream.indirect_vreg.gather [hbm4b:s13+s3], $0x80, v2, vm0, $0xb8;
	[tilespmem:$0x14400] =	vst v63  }
0x59: {  	s20 =	simm.s32 $0xCC00  }
0x5a: {  	[tilespmem:s20], [sflag:$0x1] =	stream.indirect_vreg.gather [hbm4b:s14+s3], $0x80, v2, vm0, $0xb8;
	[tilespmem:$0x14400] =	vst v63  }
0x5b: {  	s21 =	simm.s32 $0xD400  }
0x5c: {  	[tilespmem:s21], [sflag:$0x1] =	stream.indirect_vreg.gather [hbm4b:s15+s3], $0x80, v2, vm0, $0xb8;
	[tilespmem:$0x14400] =	vst v63  }
0x5d: {  	s22 =	simm.s32 $0xDC00  }
0x5e: {  	[tilespmem:s22], [sflag:$0x1] =	stream.indirect_vreg.gather [hbm4b:s16+s3], $0x80, v2, vm0, $0xb8;
	[tilespmem:$0x14400] =	vst v63  }
0x5f: {  	s25 =	simm.s32 $0xE400  }
0x60: {  	[tilespmem:s25], [sflag:$0x1] =	stream.indirect_vreg.gather [hbm4b:s24+s3], $0x80, v2, vm0, $0xb8;
	[tilespmem:$0x14400] =	vst v63  }
0x61: {  	s19 =	simm.s32 $0xEC00  }
0x62: {  	[tilespmem:s19], [sflag:$0x1] =	stream.indirect_vreg.gather [hbm4b:s26+s3], $0x80, v2, vm0, $0xb8;
	[tilespmem:$0x14400] =	vst v63  }
0x63: {  	s20 =	simm.s32 $0xF400  }
0x64: {  	[tilespmem:s20], [sflag:$0x1] =	stream.indirect_vreg.gather [hbm4b:s28+s3], $0x80, v2, vm0, $0xb8;
	[tilespmem:$0x14400] =	vst v63  }
0x65: {  	s21 =	simm.s32 $0xFC00  }
0x66: {  	[tilespmem:s21], [sflag:$0x1] =	stream.indirect_vreg.gather [hbm4b:s29+s3], $0x80, v2, vm0, $0xb8;
	[tilespmem:$0x14400] =	vst v63  }
0x67: {  	v2 =	vld [tilespmem:s3+$0x0];
	_ =	sdelay $0x4  }
0x68: {  	v3 =	vshll.u32 v2, $0x3  }
0x69: {  	v2 =	vand.u32 $0x7F, v2;
	v3 =	vand.u32 $0xFFFFFC00, v3  }
0x6a: {  	v2 =	vor.u32 v2, v3;
	_ =	sdelay $0x4  }
0x6b: {  	v3 =	vld.idx.msk [tilespmem:v2+s31+$0x0], $0xffff  }
0x6c: {  	v4 =	vor.u32 $0x80, v2;
	_ =	sdelay $0x1  }
0x6d: {  	s22 =	sand.u32 $0x70, s3;
	s19 =	sand.u32 $0x1C00, s3  }
0x6e: {  	s4 =	sor.u32 s22, s19  }
0x6f: {  	[tilespmem:s4+$0x10400] =	vst v3  }
0x70: {  	v3 =	vld.idx.msk [tilespmem:v4+s31+$0x0], $0xffff  }
0x71: {  	v59 =	vor.u32 $0x100, v2;
	_ =	sdelay $0x2  }
0x72: {  	s4 =	sadd.s32 $0x10400, s4  }
0x73: {  	[tilespmem:s4+$0x80] =	vst v3  }
0x74: {  	v3 =	vld.idx.msk [tilespmem:v59+s31+$0x0], $0xffff  }
0x75: {  	v60 =	vor.u32 $0x180, v2;
	_ =	sdelay $0x3  }
0x76: {  	[tilespmem:s4+$0x100] =	vst v3  }
0x77: {  	v3 =	vld.idx.msk [tilespmem:v60+s31+$0x0], $0xffff  }
0x78: {  	v61 =	vor.u32 $0x200, v2;
	_ =	sdelay $0x3  }
0x79: {  	[tilespmem:s4+$0x180] =	vst v3  }
0x7a: {  	v3 =	vld.idx.msk [tilespmem:v61+s31+$0x0], $0xffff  }
0x7b: {  	v62 =	vor.u32 $0x280, v2;
	_ =	sdelay $0x3  }
0x7c: {  	[tilespmem:s4+$0x200] =	vst v3  }
0x7d: {  	v3 =	vld.idx.msk [tilespmem:v62+s31+$0x0], $0xffff  }
0x7e: {  	v63 =	vor.u32 $0x300, v2;
	_ =	sdelay $0x3  }
0x7f: {  	[tilespmem:s4+$0x280] =	vst v3  }
0x80: {  	v3 =	vld.idx.msk [tilespmem:v63+s31+$0x0], $0xffff  }
0x81: {  	v2 =	vor.u32 $0x380, v2;
	_ =	sdelay $0x3  }
0x82: {  	[tilespmem:s4+$0x300] =	vst v3  }
0x83: {  	v2 =	vld.idx.msk [tilespmem:v2+s31+$0x0], $0xffff;
	_ =	sdelay $0x1  }
0x84: {  	s25 =	sor.u32 s3, s3  }
0x85: {  	s25 =	sor.u32 $0x380, s25  }
0x86: {  	s19 =	simm.s32 $0x0;
	s21 =	simm.s32 $0x10;
	s4 =	simm.s32 $0x0  }
.LBB2_2:
0x87: {  	p0 =	sne.s32 s21, $0x3F0;
	[tilespmem:s25+$0x10400] =	vst v2;
	s19 =	sadd.s32 $0x80, s19;
	s4 =	sadd.s32 $0x10, s4  }
0x88: {  	s25 =	smov.u32 s21;
	s21 =	sadd.s32 $0x10, s21;
	v2 =	vld [tilespmem:s4+$0x0];
	_ =	sdelay $0x4  }
0x89: {  	v3 =	vshll.u32 v2, $0x3  }
0x8a: {  	v2 =	vand.u32 $0x7F, v2;
	v3 =	vand.u32 $0xFFFFFC00, v3  }
0x8b: {  	v2 =	vor.u32 v2, v3;
	_ =	sdelay $0x4  }
0x8c: {  	v3 =	vld.idx.msk [tilespmem:v2+s31+$0x0], $0xffff;
	_ =	sdelay $0x1  }
0x8d: {  	v4 =	vor.u32 $0x80, v2;
	_ =	sdelay $0x1  }
0x8e: {  	s20 =	sand.u32 $0x70, s25;
	s22 =	sand.u32 $0x1C00, s19  }
0x8f: {  	s20 =	sor.u32 s20, s22  }
0x90: {  	[tilespmem:s20+$0x10400] =	vst v3  }
0x91: {  	v3 =	vld.idx.msk [tilespmem:v4+s31+$0x0], $0xffff;
	_ =	sdelay $0x1  }
0x92: {  	v4 =	vor.u32 $0x100, v2;
	_ =	sdelay $0x2  }
0x93: {  	s20 =	sadd.s32 $0x10400, s20  }
0x94: {  	[tilespmem:s20+$0x80] =	vst v3  }
0x95: {  	v3 =	vld.idx.msk [tilespmem:v4+s31+$0x0], $0xffff;
	_ =	sdelay $0x1  }
0x96: {  	v4 =	vor.u32 $0x180, v2;
	_ =	sdelay $0x3  }
0x97: {  	[tilespmem:s20+$0x100] =	vst v3  }
0x98: {  	v3 =	vld.idx.msk [tilespmem:v4+s31+$0x0], $0xffff;
	_ =	sdelay $0x1  }
0x99: {  	v4 =	vor.u32 $0x200, v2;
	_ =	sdelay $0x3  }
0x9a: {  	[tilespmem:s20+$0x180] =	vst v3  }
0x9b: {  	v3 =	vld.idx.msk [tilespmem:v4+s31+$0x0], $0xffff;
	_ =	sdelay $0x1  }
0x9c: {  	v4 =	vor.u32 $0x280, v2;
	_ =	sdelay $0x3  }
0x9d: {  	[tilespmem:s20+$0x200] =	vst v3  }
0x9e: {  	v3 =	vld.idx.msk [tilespmem:v4+s31+$0x0], $0xffff;
	_ =	sdelay $0x1  }
0x9f: {  	v4 =	vor.u32 $0x300, v2;
	_ =	sdelay $0x3  }
0xa0: {  	[tilespmem:s20+$0x280] =	vst v3  }
0xa1: {  	v3 =	vld.idx.msk [tilespmem:v4+s31+$0x0], $0xffff;
	_ =	sdelay $0x1  }
0xa2: {  	v2 =	vor.u32 $0x380, v2;
	_ =	sdelay $0x3  }
0xa3: {  	[tilespmem:s20+$0x300] =	vst v3  }
0xa4: {  	v2 =	vld.idx.msk [tilespmem:v2+s31+$0x0], $0xffff  }
.Ltmp0:
0xa5: {  	(pc) =	sbr.rel @p0 .LBB2_2-.Ltmp0, $3  }
0xa6: {  	_ =	sdelay $0x1  }
0xa7: {  	s20 =	sor.u32 s19, s25  }
0xa8: {  	s25 =	sor.u32 $0x380, s20  }
0xa9: {  	[tilespmem:s25+$0x10400] =	vst v2;
	s21 =	simm.s32 $0x0;
	s4 =	rddreg [dreg:$0x5];
	s19 =	simm.s32 $0x10400  }
0xaa: {  	[hbm4b:s4+s21] =	stream.linear.scatter [tilespmem:s19], [sflag:$0x2], $0x2000, $0x38;
	[tilespmem:$0x14400] =	vst v63  }
0xab: {  	_ =	swait.ge [sflag:s1], $0x8000  }
0xac: {  	[sflag:s1] =	ssyncset.done $0x0  }
0xad: {  	s20 =	rddreg [dreg:$0x6];
	[sflag:s1] =	ssyncadd.s32 $0xFFFF8000  }
0xae: {  	v2 =	vld.msk [tilespmem:s20+$0x0], $0xff;
	_ =	sdelay $0x4  }
0xaf: {  	v3 =	vshll.u32 v2, $0x5  }
0xb0: {  	v2 =	vand.u32 $0x7, v2;
	v3 =	vand.u32 $0xFFFFFF00, v3  }
0xb1: {  	v2 =	vor.u32 v2, v3  }
0xb2: {  	v2 =	vperm.xlane v2, v0;
	_ =	sdelay $0x1  }
0xb3: {  	v2 =	vadd.s32 v1, v2;
	_ =	sdelay $0x4  }
0xb4: {  	[tilespmem:s31], [sflag:$0x1] =	stream.indirect_vreg.gather [hbm4b:s2+s21], $0x80, v2, vm0, $0xb8;
	[tilespmem:$0x14400] =	vst v63  }
0xb5: {  	s22 =	simm.s32 $0xC00  }
0xb6: {  	[tilespmem:s22], [sflag:$0x1] =	stream.indirect_vreg.gather [hbm4b:s6+s21], $0x80, v2, vm0, $0xb8;
	[tilespmem:$0x14400] =	vst v63  }
0xb7: {  	s25 =	simm.s32 $0x1400  }
0xb8: {  	[tilespmem:s25], [sflag:$0x1] =	stream.indirect_vreg.gather [hbm4b:s7+s21], $0x80, v2, vm0, $0xb8;
	[tilespmem:$0x14400] =	vst v63  }
0xb9: {  	s19 =	simm.s32 $0x1C00  }
0xba: {  	[tilespmem:s19], [sflag:$0x1] =	stream.indirect_vreg.gather [hbm4b:s8+s21], $0x80, v2, vm0, $0xb8;
	[tilespmem:$0x14400] =	vst v63  }
0xbb: {  	s20 =	simm.s32 $0x2400  }
0xbc: {  	[tilespmem:s20], [sflag:$0x1] =	stream.indirect_vreg.gather [hbm4b:s9+s21], $0x80, v2, vm0, $0xb8;
	[tilespmem:$0x14400] =	vst v63  }
0xbd: {  	s22 =	simm.s32 $0x2C00  }
0xbe: {  	[tilespmem:s22], [sflag:$0x1] =	stream.indirect_vreg.gather [hbm4b:s10+s21], $0x80, v2, vm0, $0xb8;
	[tilespmem:$0x14400] =	vst v63  }
0xbf: {  	s25 =	simm.s32 $0x3400  }
0xc0: {  	[tilespmem:s25], [sflag:$0x1] =	stream.indirect_vreg.gather [hbm4b:s11+s21], $0x80, v2, vm0, $0xb8;
	[tilespmem:$0x14400] =	vst v63  }
0xc1: {  	s19 =	simm.s32 $0x3C00  }
0xc2: {  	[tilespmem:s19], [sflag:$0x1] =	stream.indirect_vreg.gather [hbm4b:s12+s21], $0x80, v2, vm0, $0xb8;
	[tilespmem:$0x14400] =	vst v63  }
0xc3: {  	s20 =	simm.s32 $0x4400  }
0xc4: {  	[tilespmem:s20], [sflag:$0x1] =	stream.indirect_vreg.gather [hbm4b:s13+s21], $0x80, v2, vm0, $0xb8;
	[tilespmem:$0x14400] =	vst v63  }
0xc5: {  	s22 =	simm.s32 $0x4C00  }
0xc6: {  	[tilespmem:s22], [sflag:$0x1] =	stream.indirect_vreg.gather [hbm4b:s14+s21], $0x80, v2, vm0, $0xb8;
	[tilespmem:$0x14400] =	vst v63  }
0xc7: {  	s25 =	simm.s32 $0x5400  }
0xc8: {  	[tilespmem:s25], [sflag:$0x1] =	stream.indirect_vreg.gather [hbm4b:s15+s21], $0x80, v2, vm0, $0xb8;
	[tilespmem:$0x14400] =	vst v63  }
0xc9: {  	s19 =	simm.s32 $0x5C00  }
0xca: {  	[tilespmem:s19], [sflag:$0x1] =	stream.indirect_vreg.gather [hbm4b:s16+s21], $0x80, v2, vm0, $0xb8;
	[tilespmem:$0x14400] =	vst v63  }
0xcb: {  	s20 =	simm.s32 $0x6400  }
0xcc: {  	[tilespmem:s20], [sflag:$0x1] =	stream.indirect_vreg.gather [hbm4b:s24+s21], $0x80, v2, vm0, $0xb8;
	[tilespmem:$0x14400] =	vst v63  }
0xcd: {  	s22 =	simm.s32 $0x6C00  }
0xce: {  	[tilespmem:s22], [sflag:$0x1] =	stream.indirect_vreg.gather [hbm4b:s26+s21], $0x80, v2, vm0, $0xb8;
	[tilespmem:$0x14400] =	vst v63  }
0xcf: {  	s25 =	simm.s32 $0x7400  }
0xd0: {  	[tilespmem:s25], [sflag:$0x1] =	stream.indirect_vreg.gather [hbm4b:s28+s21], $0x80, v2, vm0, $0xb8;
	[tilespmem:$0x14400] =	vst v63  }
0xd1: {  	s19 =	simm.s32 $0x7C00  }
0xd2: {  	[tilespmem:s19], [sflag:$0x1] =	stream.indirect_vreg.gather [hbm4b:s29+s21], $0x80, v2, vm0, $0xb8;
	[tilespmem:$0x14400] =	vst v63  }
0xd3: {  	v2 =	vld [tilespmem:s21+$0x0];
	_ =	sdelay $0x4  }
0xd4: {  	v3 =	vshll.u32 v2, $0x3  }
0xd5: {  	v2 =	vand.u32 $0x7F, v2;
	v3 =	vand.u32 $0xFFFFFC00, v3  }
0xd6: {  	v2 =	vor.u32 v2, v3;
	_ =	sdelay $0x4  }
0xd7: {  	v3 =	vld.idx.msk [tilespmem:v2+s18+$0x0], $0xffff  }
0xd8: {  	v4 =	vor.u32 $0x80, v2;
	_ =	sdelay $0x1  }
0xd9: {  	s20 =	sand.u32 $0x70, s21;
	s22 =	sand.u32 $0x1C00, s21  }
0xda: {  	s4 =	sor.u32 s20, s22  }
0xdb: {  	[tilespmem:s4+$0x12400] =	vst v3  }
0xdc: {  	v3 =	vld.idx.msk [tilespmem:v4+s18+$0x0], $0xffff  }
0xdd: {  	v59 =	vor.u32 $0x100, v2;
	_ =	sdelay $0x2  }
0xde: {  	s4 =	sadd.s32 $0x12400, s4  }
0xdf: {  	[tilespmem:s4+$0x80] =	vst v3  }
0xe0: {  	v3 =	vld.idx.msk [tilespmem:v59+s18+$0x0], $0xffff  }
0xe1: {  	v60 =	vor.u32 $0x180, v2;
	_ =	sdelay $0x3  }
0xe2: {  	[tilespmem:s4+$0x100] =	vst v3  }
0xe3: {  	v3 =	vld.idx.msk [tilespmem:v60+s18+$0x0], $0xffff  }
0xe4: {  	v61 =	vor.u32 $0x200, v2;
	_ =	sdelay $0x3  }
0xe5: {  	[tilespmem:s4+$0x180] =	vst v3  }
0xe6: {  	v3 =	vld.idx.msk [tilespmem:v61+s18+$0x0], $0xffff  }
0xe7: {  	v62 =	vor.u32 $0x280, v2;
	_ =	sdelay $0x3  }
0xe8: {  	[tilespmem:s4+$0x200] =	vst v3  }
0xe9: {  	v3 =	vld.idx.msk [tilespmem:v62+s18+$0x0], $0xffff  }
0xea: {  	v63 =	vor.u32 $0x300, v2;
	_ =	sdelay $0x3  }
0xeb: {  	[tilespmem:s4+$0x280] =	vst v3  }
0xec: {  	v3 =	vld.idx.msk [tilespmem:v63+s18+$0x0], $0xffff  }
0xed: {  	v2 =	vor.u32 $0x380, v2;
	_ =	sdelay $0x3  }
0xee: {  	[tilespmem:s4+$0x300] =	vst v3  }
0xef: {  	v2 =	vld.idx.msk [tilespmem:v2+s18+$0x0], $0xffff;
	_ =	sdelay $0x2  }
0xf0: {  	s25 =	sor.u32 s21, s21  }
0xf1: {  	s25 =	sor.u32 $0x380, s25;
	s19 =	simm.s32 $0x10;
	s4 =	simm.s32 $0x0  }
.LBB2_4:
0xf2: {  	p0 =	sne.s32 s19, $0x3F0;
	[tilespmem:s25+$0x12400] =	vst v2;
	s21 =	sadd.s32 $0x80, s21;
	s4 =	sadd.s32 $0x10, s4  }
0xf3: {  	s25 =	smov.u32 s19;
	s19 =	sadd.s32 $0x10, s19;
	v2 =	vld [tilespmem:s4+$0x0];
	_ =	sdelay $0x4  }
0xf4: {  	v3 =	vshll.u32 v2, $0x3  }
0xf5: {  	v2 =	vand.u32 $0x7F, v2;
	v3 =	vand.u32 $0xFFFFFC00, v3  }
0xf6: {  	v2 =	vor.u32 v2, v3;
	_ =	sdelay $0x4  }
0xf7: {  	v3 =	vld.idx.msk [tilespmem:v2+s18+$0x0], $0xffff;
	_ =	sdelay $0x1  }
0xf8: {  	v4 =	vor.u32 $0x80, v2;
	_ =	sdelay $0x1  }
0xf9: {  	s20 =	sand.u32 $0x70, s25;
	s22 =	sand.u32 $0x1C00, s21  }
0xfa: {  	s20 =	sor.u32 s20, s22  }
0xfb: {  	[tilespmem:s20+$0x12400] =	vst v3  }
0xfc: {  	v3 =	vld.idx.msk [tilespmem:v4+s18+$0x0], $0xffff;
	_ =	sdelay $0x1  }
0xfd: {  	v4 =	vor.u32 $0x100, v2;
	_ =	sdelay $0x2  }
0xfe: {  	s20 =	sadd.s32 $0x12400, s20  }
0xff: {  	[tilespmem:s20+$0x80] =	vst v3  }
0x100: {  	v3 =	vld.idx.msk [tilespmem:v4+s18+$0x0], $0xffff;
	_ =	sdelay $0x1  }
0x101: {  	v4 =	vor.u32 $0x180, v2;
	_ =	sdelay $0x3  }
0x102: {  	[tilespmem:s20+$0x100] =	vst v3  }
0x103: {  	v3 =	vld.idx.msk [tilespmem:v4+s18+$0x0], $0xffff;
	_ =	sdelay $0x1  }
0x104: {  	v4 =	vor.u32 $0x200, v2;
	_ =	sdelay $0x3  }
0x105: {  	[tilespmem:s20+$0x180] =	vst v3  }
0x106: {  	v3 =	vld.idx.msk [tilespmem:v4+s18+$0x0], $0xffff;
	_ =	sdelay $0x1  }
0x107: {  	v4 =	vor.u32 $0x280, v2;
	_ =	sdelay $0x3  }
0x108: {  	[tilespmem:s20+$0x200] =	vst v3  }
0x109: {  	v3 =	vld.idx.msk [tilespmem:v4+s18+$0x0], $0xffff;
	_ =	sdelay $0x1  }
0x10a: {  	v4 =	vor.u32 $0x300, v2;
	_ =	sdelay $0x3  }
0x10b: {  	[tilespmem:s20+$0x280] =	vst v3  }
0x10c: {  	v3 =	vld.idx.msk [tilespmem:v4+s18+$0x0], $0xffff;
	_ =	sdelay $0x1  }
0x10d: {  	v2 =	vor.u32 $0x380, v2;
	_ =	sdelay $0x3  }
0x10e: {  	[tilespmem:s20+$0x300] =	vst v3  }
0x10f: {  	v2 =	vld.idx.msk [tilespmem:v2+s18+$0x0], $0xffff  }
.Ltmp1:
0x110: {  	(pc) =	sbr.rel @p0 .LBB2_4-.Ltmp1, $3  }
0x111: {  	_ =	sdelay $0x1  }
0x112: {  	s20 =	sor.u32 s21, s25  }
0x113: {  	s25 =	sor.u32 $0x380, s20  }
0x114: {  	[tilespmem:s25+$0x12400] =	vst v2;
	s21 =	simm.s32 $0x0;
	s4 =	rddreg [dreg:$0x8]  }
0x115: {  	[hbm4b:s4+s21] =	stream.linear.scatter [tilespmem:s0], [sflag:$0x2], $0x2000, $0x38;
	[tilespmem:$0x14400] =	vst v63  }
0x116: {  	_ =	swait.ge [sflag:s1], $0x8000  }
0x117: {  	[sflag:s1] =	ssyncset.done $0x0  }
0x118: {  	s22 =	rddreg [dreg:$0x7];
	[sflag:s1] =	ssyncadd.s32 $0xFFFF8000  }
0x119: {  	v2 =	vld.msk [tilespmem:s22+$0x0], $0xff;
	_ =	sdelay $0x4  }
0x11a: {  	v3 =	vshll.u32 v2, $0x5  }
0x11b: {  	v2 =	vand.u32 $0x7, v2;
	v3 =	vand.u32 $0xFFFFFF00, v3  }
0x11c: {  	v2 =	vor.u32 v2, v3  }
0x11d: {  	v2 =	vperm.xlane v2, v0;
	_ =	sdelay $0x1  }
0x11e: {  	v2 =	vadd.s32 v1, v2;
	_ =	sdelay $0x4  }
0x11f: {  	[tilespmem:s18], [sflag:$0x1] =	stream.indirect_vreg.gather [hbm4b:s2+s21], $0x80, v2, vm0, $0xb8;
	[tilespmem:$0x14400] =	vst v63  }
0x120: {  	s25 =	simm.s32 $0x8C00  }
0x121: {  	[tilespmem:s25], [sflag:$0x1] =	stream.indirect_vreg.gather [hbm4b:s6+s21], $0x80, v2, vm0, $0xb8;
	[tilespmem:$0x14400] =	vst v63  }
0x122: {  	s19 =	simm.s32 $0x9400  }
0x123: {  	[tilespmem:s19], [sflag:$0x1] =	stream.indirect_vreg.gather [hbm4b:s7+s21], $0x80, v2, vm0, $0xb8;
	[tilespmem:$0x14400] =	vst v63  }
0x124: {  	s20 =	simm.s32 $0x9C00  }
0x125: {  	[tilespmem:s20], [sflag:$0x1] =	stream.indirect_vreg.gather [hbm4b:s8+s21], $0x80, v2, vm0, $0xb8;
	[tilespmem:$0x14400] =	vst v63  }
0x126: {  	s22 =	simm.s32 $0xA400  }
0x127: {  	[tilespmem:s22], [sflag:$0x1] =	stream.indirect_vreg.gather [hbm4b:s9+s21], $0x80, v2, vm0, $0xb8;
	[tilespmem:$0x14400] =	vst v63  }
0x128: {  	s25 =	simm.s32 $0xAC00  }
0x129: {  	[tilespmem:s25], [sflag:$0x1] =	stream.indirect_vreg.gather [hbm4b:s10+s21], $0x80, v2, vm0, $0xb8;
	[tilespmem:$0x14400] =	vst v63  }
0x12a: {  	s19 =	simm.s32 $0xB400  }
0x12b: {  	[tilespmem:s19], [sflag:$0x1] =	stream.indirect_vreg.gather [hbm4b:s11+s21], $0x80, v2, vm0, $0xb8;
	[tilespmem:$0x14400] =	vst v63  }
0x12c: {  	s20 =	simm.s32 $0xBC00  }
0x12d: {  	[tilespmem:s20], [sflag:$0x1] =	stream.indirect_vreg.gather [hbm4b:s12+s21], $0x80, v2, vm0, $0xb8;
	[tilespmem:$0x14400] =	vst v63  }
0x12e: {  	s22 =	simm.s32 $0xC400  }
0x12f: {  	[tilespmem:s22], [sflag:$0x1] =	stream.indirect_vreg.gather [hbm4b:s13+s21], $0x80, v2, vm0, $0xb8;
	[tilespmem:$0x14400] =	vst v63  }
0x130: {  	s25 =	simm.s32 $0xCC00  }
0x131: {  	[tilespmem:s25], [sflag:$0x1] =	stream.indirect_vreg.gather [hbm4b:s14+s21], $0x80, v2, vm0, $0xb8;
	[tilespmem:$0x14400] =	vst v63  }
0x132: {  	s19 =	simm.s32 $0xD400  }
0x133: {  	[tilespmem:s19], [sflag:$0x1] =	stream.indirect_vreg.gather [hbm4b:s15+s21], $0x80, v2, vm0, $0xb8;
	[tilespmem:$0x14400] =	vst v63  }
0x134: {  	s20 =	simm.s32 $0xDC00  }
0x135: {  	[tilespmem:s20], [sflag:$0x1] =	stream.indirect_vreg.gather [hbm4b:s16+s21], $0x80, v2, vm0, $0xb8;
	[tilespmem:$0x14400] =	vst v63  }
0x136: {  	s22 =	simm.s32 $0xE400  }
0x137: {  	[tilespmem:s22], [sflag:$0x1] =	stream.indirect_vreg.gather [hbm4b:s24+s21], $0x80, v2, vm0, $0xb8;
	[tilespmem:$0x14400] =	vst v63  }
0x138: {  	s25 =	simm.s32 $0xEC00  }
0x139: {  	[tilespmem:s25], [sflag:$0x1] =	stream.indirect_vreg.gather [hbm4b:s26+s21], $0x80, v2, vm0, $0xb8;
	[tilespmem:$0x14400] =	vst v63  }
0x13a: {  	s19 =	simm.s32 $0xF400  }
0x13b: {  	[tilespmem:s19], [sflag:$0x1] =	stream.indirect_vreg.gather [hbm4b:s28+s21], $0x80, v2, vm0, $0xb8;
	[tilespmem:$0x14400] =	vst v63  }
0x13c: {  	s20 =	simm.s32 $0xFC00  }
0x13d: {  	[tilespmem:s20], [sflag:$0x1] =	stream.indirect_vreg.gather [hbm4b:s29+s21], $0x80, v2, vm0, $0xb8;
	[tilespmem:$0x14400] =	vst v63  }
0x13e: {  	_ =	swait.ge [sflag:s17], $0x2000  }
0x13f: {  	[sflag:s17] =	ssyncset.done $0x0  }
0x140: {  	[sflag:s17] =	ssyncadd.s32 $0xFFFFE000  }
0x141: {  	v2 =	vld [tilespmem:s21+$0x0];
	_ =	sdelay $0x4  }
0x142: {  	v3 =	vshll.u32 v2, $0x3  }
0x143: {  	v2 =	vand.u32 $0x7F, v2;
	v3 =	vand.u32 $0xFFFFFC00, v3  }
0x144: {  	v2 =	vor.u32 v2, v3;
	_ =	sdelay $0x4  }
0x145: {  	v3 =	vld.idx.msk [tilespmem:v2+s31+$0x0], $0xffff  }
0x146: {  	v4 =	vor.u32 $0x80, v2;
	_ =	sdelay $0x1  }
0x147: {  	s22 =	sand.u32 $0x70, s21;
	s19 =	sand.u32 $0x1C00, s21  }
0x148: {  	s4 =	sor.u32 s22, s19  }
0x149: {  	[tilespmem:s4+$0x10400] =	vst v3  }
0x14a: {  	v3 =	vld.idx.msk [tilespmem:v4+s31+$0x0], $0xffff  }
0x14b: {  	v59 =	vor.u32 $0x100, v2;
	_ =	sdelay $0x2  }
0x14c: {  	s4 =	sadd.s32 $0x10400, s4  }
0x14d: {  	[tilespmem:s4+$0x80] =	vst v3  }
0x14e: {  	v3 =	vld.idx.msk [tilespmem:v59+s31+$0x0], $0xffff  }
0x14f: {  	v60 =	vor.u32 $0x180, v2;
	_ =	sdelay $0x3  }
0x150: {  	[tilespmem:s4+$0x100] =	vst v3  }
0x151: {  	v3 =	vld.idx.msk [tilespmem:v60+s31+$0x0], $0xffff  }
0x152: {  	v61 =	vor.u32 $0x200, v2;
	_ =	sdelay $0x3  }
0x153: {  	[tilespmem:s4+$0x180] =	vst v3  }
0x154: {  	v3 =	vld.idx.msk [tilespmem:v61+s31+$0x0], $0xffff  }
0x155: {  	v62 =	vor.u32 $0x280, v2;
	_ =	sdelay $0x3  }
0x156: {  	[tilespmem:s4+$0x200] =	vst v3  }
0x157: {  	v3 =	vld.idx.msk [tilespmem:v62+s31+$0x0], $0xffff  }
0x158: {  	v63 =	vor.u32 $0x300, v2;
	_ =	sdelay $0x3  }
0x159: {  	[tilespmem:s4+$0x280] =	vst v3  }
0x15a: {  	v3 =	vld.idx.msk [tilespmem:v63+s31+$0x0], $0xffff  }
0x15b: {  	v2 =	vor.u32 $0x380, v2;
	_ =	sdelay $0x3  }
0x15c: {  	[tilespmem:s4+$0x300] =	vst v3  }
0x15d: {  	v2 =	vld.idx.msk [tilespmem:v2+s31+$0x0], $0xffff;
	_ =	sdelay $0x2  }
0x15e: {  	s25 =	sor.u32 s21, s21  }
0x15f: {  	s25 =	sor.u32 $0x380, s25;
	s19 =	simm.s32 $0x10;
	s4 =	simm.s32 $0x0  }
.LBB2_6:
0x160: {  	p0 =	sne.s32 s19, $0x3F0;
	[tilespmem:s25+$0x10400] =	vst v2;
	s21 =	sadd.s32 $0x80, s21;
	s4 =	sadd.s32 $0x10, s4  }
0x161: {  	s25 =	smov.u32 s19;
	s19 =	sadd.s32 $0x10, s19;
	v2 =	vld [tilespmem:s4+$0x0];
	_ =	sdelay $0x4  }
0x162: {  	v3 =	vshll.u32 v2, $0x3  }
0x163: {  	v2 =	vand.u32 $0x7F, v2;
	v3 =	vand.u32 $0xFFFFFC00, v3  }
0x164: {  	v2 =	vor.u32 v2, v3;
	_ =	sdelay $0x4  }
0x165: {  	v3 =	vld.idx.msk [tilespmem:v2+s31+$0x0], $0xffff;
	_ =	sdelay $0x1  }
0x166: {  	v4 =	vor.u32 $0x80, v2;
	_ =	sdelay $0x1  }
0x167: {  	s20 =	sand.u32 $0x70, s25;
	s22 =	sand.u32 $0x1C00, s21  }
0x168: {  	s20 =	sor.u32 s20, s22  }
0x169: {  	[tilespmem:s20+$0x10400] =	vst v3  }
0x16a: {  	v3 =	vld.idx.msk [tilespmem:v4+s31+$0x0], $0xffff;
	_ =	sdelay $0x1  }
0x16b: {  	v4 =	vor.u32 $0x100, v2;
	_ =	sdelay $0x2  }
0x16c: {  	s20 =	sadd.s32 $0x10400, s20  }
0x16d: {  	[tilespmem:s20+$0x80] =	vst v3  }
0x16e: {  	v3 =	vld.idx.msk [tilespmem:v4+s31+$0x0], $0xffff;
	_ =	sdelay $0x1  }
0x16f: {  	v4 =	vor.u32 $0x180, v2;
	_ =	sdelay $0x3  }
0x170: {  	[tilespmem:s20+$0x100] =	vst v3  }
0x171: {  	v3 =	vld.idx.msk [tilespmem:v4+s31+$0x0], $0xffff;
	_ =	sdelay $0x1  }
0x172: {  	v4 =	vor.u32 $0x200, v2;
	_ =	sdelay $0x3  }
0x173: {  	[tilespmem:s20+$0x180] =	vst v3  }
0x174: {  	v3 =	vld.idx.msk [tilespmem:v4+s31+$0x0], $0xffff;
	_ =	sdelay $0x1  }
0x175: {  	v4 =	vor.u32 $0x280, v2;
	_ =	sdelay $0x3  }
0x176: {  	[tilespmem:s20+$0x200] =	vst v3  }
0x177: {  	v3 =	vld.idx.msk [tilespmem:v4+s31+$0x0], $0xffff;
	_ =	sdelay $0x1  }
0x178: {  	v4 =	vor.u32 $0x300, v2;
	_ =	sdelay $0x3  }
0x179: {  	[tilespmem:s20+$0x280] =	vst v3  }
0x17a: {  	v3 =	vld.idx.msk [tilespmem:v4+s31+$0x0], $0xffff;
	_ =	sdelay $0x1  }
0x17b: {  	v2 =	vor.u32 $0x380, v2;
	_ =	sdelay $0x3  }
0x17c: {  	[tilespmem:s20+$0x300] =	vst v3  }
0x17d: {  	v2 =	vld.idx.msk [tilespmem:v2+s31+$0x0], $0xffff  }
.Ltmp2:
0x17e: {  	(pc) =	sbr.rel @p0 .LBB2_6-.Ltmp2, $3  }
0x17f: {  	_ =	sdelay $0x1  }
0x180: {  	s20 =	sor.u32 s21, s25  }
0x181: {  	s25 =	sor.u32 $0x380, s20  }
0x182: {  	[tilespmem:s25+$0x10400] =	vst v2;
	s21 =	simm.s32 $0x0;
	s4 =	rddreg [dreg:$0x9];
	s19 =	simm.s32 $0x10400  }
0x183: {  	[hbm4b:s4+s21] =	stream.linear.scatter [tilespmem:s19], [sflag:$0x2], $0x2000, $0x38;
	[tilespmem:$0x14400] =	vst v63  }
0x184: {  	_ =	swait.ge [sflag:s1], $0x8000  }
0x185: {  	[sflag:s1] =	ssyncset.done $0x0  }
0x186: {  	[sflag:s1] =	ssyncadd.s32 $0xFFFF8000  }
0x187: {  	_ =	swait.ge [sflag:s17], $0x2000  }
0x188: {  	[sflag:s17] =	ssyncset.done $0x0  }
0x189: {  	[sflag:s17] =	ssyncadd.s32 $0xFFFFE000  }
0x18a: {  	v2 =	vld [tilespmem:s21+$0x0];
	_ =	sdelay $0x4  }
0x18b: {  	v3 =	vshll.u32 v2, $0x3  }
0x18c: {  	v2 =	vand.u32 $0x7F, v2;
	v3 =	vand.u32 $0xFFFFFC00, v3  }
0x18d: {  	v2 =	vor.u32 v2, v3;
	_ =	sdelay $0x4  }
0x18e: {  	v3 =	vld.idx.msk [tilespmem:v2+s18+$0x0], $0xffff  }
0x18f: {  	v4 =	vor.u32 $0x80, v2;
	_ =	sdelay $0x1  }
0x190: {  	s20 =	sand.u32 $0x70, s21;
	s22 =	sand.u32 $0x1C00, s21  }
0x191: {  	s4 =	sor.u32 s20, s22  }
0x192: {  	[tilespmem:s4+$0x12400] =	vst v3  }
0x193: {  	v3 =	vld.idx.msk [tilespmem:v4+s18+$0x0], $0xffff  }
0x194: {  	v59 =	vor.u32 $0x100, v2;
	_ =	sdelay $0x2  }
0x195: {  	s4 =	sadd.s32 $0x12400, s4  }
0x196: {  	[tilespmem:s4+$0x80] =	vst v3  }
0x197: {  	v3 =	vld.idx.msk [tilespmem:v59+s18+$0x0], $0xffff  }
0x198: {  	v60 =	vor.u32 $0x180, v2;
	_ =	sdelay $0x3  }
0x199: {  	[tilespmem:s4+$0x100] =	vst v3  }
0x19a: {  	v3 =	vld.idx.msk [tilespmem:v60+s18+$0x0], $0xffff  }
0x19b: {  	v61 =	vor.u32 $0x200, v2;
	_ =	sdelay $0x3  }
0x19c: {  	[tilespmem:s4+$0x180] =	vst v3  }
0x19d: {  	v3 =	vld.idx.msk [tilespmem:v61+s18+$0x0], $0xffff  }
0x19e: {  	v62 =	vor.u32 $0x280, v2;
	_ =	sdelay $0x3  }
0x19f: {  	[tilespmem:s4+$0x200] =	vst v3  }
0x1a0: {  	v3 =	vld.idx.msk [tilespmem:v62+s18+$0x0], $0xffff  }
0x1a1: {  	v63 =	vor.u32 $0x300, v2;
	_ =	sdelay $0x3  }
0x1a2: {  	[tilespmem:s4+$0x280] =	vst v3  }
0x1a3: {  	v3 =	vld.idx.msk [tilespmem:v63+s18+$0x0], $0xffff  }
0x1a4: {  	v2 =	vor.u32 $0x380, v2;
	_ =	sdelay $0x3  }
0x1a5: {  	[tilespmem:s4+$0x300] =	vst v3  }
0x1a6: {  	v2 =	vld.idx.msk [tilespmem:v2+s18+$0x0], $0xffff;
	_ =	sdelay $0x2  }
0x1a7: {  	s25 =	sor.u32 s21, s21  }
0x1a8: {  	s19 =	simm.s32 $0x10;
	s25 =	sor.u32 $0x380, s25;
	s4 =	simm.s32 $0x0  }
.LBB2_8:
0x1a9: {  	p0 =	sne.s32 s19, $0x3F0;
	[tilespmem:s25+$0x12400] =	vst v2;
	s21 =	sadd.s32 $0x80, s21;
	s4 =	sadd.s32 $0x10, s4  }
0x1aa: {  	s25 =	smov.u32 s19;
	s19 =	sadd.s32 $0x10, s19;
	v2 =	vld [tilespmem:s4+$0x0];
	_ =	sdelay $0x4  }
0x1ab: {  	v3 =	vshll.u32 v2, $0x3  }
0x1ac: {  	v2 =	vand.u32 $0x7F, v2;
	v3 =	vand.u32 $0xFFFFFC00, v3  }
0x1ad: {  	v2 =	vor.u32 v2, v3;
	_ =	sdelay $0x4  }
0x1ae: {  	v3 =	vld.idx.msk [tilespmem:v2+s18+$0x0], $0xffff;
	_ =	sdelay $0x1  }
0x1af: {  	v4 =	vor.u32 $0x80, v2;
	_ =	sdelay $0x1  }
0x1b0: {  	s20 =	sand.u32 $0x70, s25;
	s22 =	sand.u32 $0x1C00, s21  }
0x1b1: {  	s20 =	sor.u32 s20, s22  }
0x1b2: {  	[tilespmem:s20+$0x12400] =	vst v3  }
0x1b3: {  	v3 =	vld.idx.msk [tilespmem:v4+s18+$0x0], $0xffff;
	_ =	sdelay $0x1  }
0x1b4: {  	v4 =	vor.u32 $0x100, v2;
	_ =	sdelay $0x2  }
0x1b5: {  	s20 =	sadd.s32 $0x12400, s20  }
0x1b6: {  	[tilespmem:s20+$0x80] =	vst v3  }
0x1b7: {  	v3 =	vld.idx.msk [tilespmem:v4+s18+$0x0], $0xffff;
	_ =	sdelay $0x1  }
0x1b8: {  	v4 =	vor.u32 $0x180, v2;
	_ =	sdelay $0x3  }
0x1b9: {  	[tilespmem:s20+$0x100] =	vst v3  }
0x1ba: {  	v3 =	vld.idx.msk [tilespmem:v4+s18+$0x0], $0xffff;
	_ =	sdelay $0x1  }
0x1bb: {  	v4 =	vor.u32 $0x200, v2;
	_ =	sdelay $0x3  }
0x1bc: {  	[tilespmem:s20+$0x180] =	vst v3  }
0x1bd: {  	v3 =	vld.idx.msk [tilespmem:v4+s18+$0x0], $0xffff;
	_ =	sdelay $0x1  }
0x1be: {  	v4 =	vor.u32 $0x280, v2;
	_ =	sdelay $0x3  }
0x1bf: {  	[tilespmem:s20+$0x200] =	vst v3  }
0x1c0: {  	v3 =	vld.idx.msk [tilespmem:v4+s18+$0x0], $0xffff;
	_ =	sdelay $0x1  }
0x1c1: {  	v4 =	vor.u32 $0x300, v2;
	_ =	sdelay $0x3  }
0x1c2: {  	[tilespmem:s20+$0x280] =	vst v3  }
0x1c3: {  	v3 =	vld.idx.msk [tilespmem:v4+s18+$0x0], $0xffff;
	_ =	sdelay $0x1  }
0x1c4: {  	v2 =	vor.u32 $0x380, v2;
	_ =	sdelay $0x3  }
0x1c5: {  	[tilespmem:s20+$0x300] =	vst v3  }
0x1c6: {  	v2 =	vld.idx.msk [tilespmem:v2+s18+$0x0], $0xffff  }
.Ltmp3:
0x1c7: {  	(pc) =	sbr.rel @p0 .LBB2_8-.Ltmp3, $3  }
0x1c8: {  	_ =	sdelay $0x1  }
0x1c9: {  	s20 =	sor.u32 s21, s25  }
0x1ca: {  	s25 =	sor.u32 $0x380, s20  }
0x1cb: {  	[tilespmem:s25+$0x12400] =	vst v2;
	s4 =	rddreg [dreg:$0xa]  }
0x1cc: {  	[hbm4b:s4+s3] =	stream.linear.scatter [tilespmem:s0], [sflag:$0x2], $0x2000, $0x38;
	[tilespmem:$0x14400] =	vst v63  }
0x1cd: {  	_ =	swait.ge [sflag:s17], $0x2000  }
0x1ce: {  	[sflag:s17] =	ssyncset.done $0x0  }
0x1cf: {  	[sflag:s17] =	ssyncadd.s32 $0xFFFFE000  }
0x1d0: {  	_ =	swait.ge [sflag:s17], $0x2000  }
0x1d1: {  	s23 =	sadd.s32 $0x1, s23;
	s25 =	rddreg [dreg:$0xb]  }
0x1d2: {  	p0 =	sne.s32 s23, s25  }
.Ltmp4:
0x1d3: {  	_ = 	snop;
	(pc) =	sbr.rel @p0 .LBB2_1-.Ltmp4, $3  }
0x1d4: {  	_ =	sdelay $0x1  }
0x1d5: {  	[sflag:s17] =	ssyncset.done $0x0  }
0x1d6: {  	[sflag:s17] =	ssyncadd.s32 $0xFFFFE000  }
0x1d7: {  	_ =	sfence.sel $0x180000  }
0x1d8: {  	[bflag:$0x0] =	sbarrier.arrive $0xFFFF  }
0x1d9: {  	_ =	strace $0x90000047  }
0x1da: {  	s0 =	stileid.u32;
	[bflag:$0x2] =	sbarrier.arrive $0xFFFF  }
0x1db: {  	p0 =	sne.s32 s0, $0x0;
	s0 =	rddreg [dreg:$0x3]  }
0x1dc: {  	s0 =	sadd.s32 @!p0 $0x100000, s0  }
0x1dd: {  	[sflag:s0] =	ssyncadd.tile.s32 @!p0 $0x1;
	_ =	shalt  }
.Lfunc_end2:
_tile_overlayer_lowered:
.L_overlay_start_2:
0x1de: {  	(tag) =	ssettag $0x2  }
0x1df: {  	s0 =	rddreg [dreg:$0x0];
	s2 =	stileid.u32  }
0x1e0: {  	s1 =	rddreg [dreg:$0x1];
	p0 =	sne.s32 s2, $0x0  }
0x1e1: {  	s3 =	rddreg [dreg:$0x2];
	[bflag:$0x3] =	sbarrier.arrive $0xFFFF;
	s2 =	simm.s32 @!p0 $0x1C03  }
0x1e2: {  	[timem:s3], [sflag:s2] =	dma.local @!p0 [hbm:s0], s1  }
0x1e3: {  	s0 =	simm.s32 @!p0 $0x3  }
0x1e4: {  	_ =	swait.ge @!p0 [sflag:s0], s1  }
0x1e5: {  	s1 =	ssub.s32 @!p0 $0x0, s1;
	[sflag:s0] =	ssyncset.done @!p0 $0x0  }
0x1e6: {  	[sflag:s0] =	ssyncadd.s32 @!p0 s1  }
0x1e7: {  	[bflag:$0x3] =	sbarrier.arrive $0xFFFF  }
0x1e8: {  	_ =	shalt  }

</sc_bundles>
